<compile_context>
chip_gen: v7x
topology: tpu7x:2x2x1
jax: 0.10.2.dev20260603
libtpu: 0.0.44.dev20260713+nightly
codegen_flags: <defaults>
</compile_context>

<pallas_src>
import functools

import jax
import jax.numpy as jnp
from jax import lax
from jax.experimental import pallas as pl
from jax.experimental.pallas import tpu as pltpu
from jax.experimental.pallas import tpu_sc as plsc

N = 16
IN_F = 128
HID = 128
MSG = 64
OUT_F = 64
CAT = HID + MSG
MAXM = N * 5
QPAD = MAXM + 16


def _enc_body(x_ref, wenc_ref, benc_ref, ei_ref, wns_ref, wmsg_ref,
              preds_ref, adj_ref, wnst_ref, wmsgt_ref):
    preds_ref[:] = lax.dot_general(
        x_ref[:], wenc_ref[:], (((1,), (1,)), ((), ())),
        preferred_element_type=jnp.float32) + benc_ref[:]
    src = ei_ref[0:1, :]
    dst = ei_ref[1:2, :]
    ids = lax.broadcasted_iota(jnp.int32, (N, ei_ref.shape[1]), 0)
    S = (ids == src).astype(jnp.float32)
    D = (ids == dst).astype(jnp.float32)
    a = lax.dot_general(S, D, (((1,), (1,)), ((), ())),
                        preferred_element_type=jnp.float32)
    a = a + lax.dot_general(D, S, (((1,), (1,)), ((), ())),
                            preferred_element_type=jnp.float32)
    adj_ref[:] = (a > 0).astype(jnp.float32)
    wnst_ref[:] = wns_ref[:].T
    wmsgt_ref[:] = wmsg_ref[:].T


def _walk_body(preds0_hbm, adj_hbm, wns_hbm, wmsg_hbm, bns_hbm, bmsg_hbm,
               fmsg_hbm, out_hbm,
               preds_v, adj_v, wns_v, wmsg_v, bns_v, bmsg_v,
               qnode_v, qowner_v, msglog_v, h_v, stage_v, part_v, sh_v, sem):
    c = lax.axis_index("c")
    s = lax.axis_index("s")
    rep = c * 8 + s // 2
    part = s % 2
    partner = s - 2 * part + 1

    pltpu.sync_copy(preds0_hbm, preds_v.at[pl.ds(0, N * HID)])
    pltpu.sync_copy(adj_hbm, adj_v)
    pltpu.sync_copy(wns_hbm, wns_v)
    pltpu.sync_copy(wmsg_hbm, wmsg_v)
    pltpu.sync_copy(bns_hbm, bns_v)
    pltpu.sync_copy(bmsg_hbm, bmsg_v)
    pltpu.sync_copy(fmsg_hbm, msglog_v.at[pl.ds(MAXM * MSG, MSG)])

    iotaf = lax.iota(jnp.int32, 16).astype(jnp.float32)
    qnode_v[pl.ds(0, 16)] = jnp.full((16,), rep, jnp.int32)
    qowner_v[pl.ds(0, 16)] = jnp.full((16,), MAXM, jnp.int32)

    hoff = part * (HID // 2)
    pscale = jnp.where(part == 0, 1.0, 0.0)

    def step(t, carry):
        head, tail = carry
        act = head < tail
        node = jnp.clip(qnode_v[pl.ds(head, 16)][0], 0, N - 1)
        owner = jnp.clip(qowner_v[pl.ds(head, 16)][0], 0, MAXM)
        msgch = [msglog_v[pl.ds(owner * MSG + j * 16, 16)]
                 for j in range(MSG // 16)]
        for j in range(MSG // 16):
            h_v[pl.ds(HID + j * 16, 16)] = msgch[j]
        for j in range(HID // 16):
            h_v[pl.ds(j * 16, 16)] = preds_v[pl.ds(node * HID + j * 16, 16)]

        def dot_ns(kc, accs):
            hv = h_v[pl.ds(kc * 16, 16)]
            for l in range(16):
                hk = hv[l]
                base = (kc * 16 + l) * HID + hoff
                accs = tuple(accs[j] + hk * wns_v[pl.ds(base + j * 16, 16)]
                             for j in range(4))
            return accs

        accs = lax.fori_loop(
            0, CAT // 16, dot_ns,
            tuple(bns_v[pl.ds(hoff + j * 16, 16)] for j in range(4)))
        rel = [jnp.maximum(a, 0.0) for a in accs]

        for j in range(4):
            h_v[pl.ds(CAT + j * 16, 16)] = rel[j]
        for m in range(2):
            h_v[pl.ds(CAT + 64 + m * 16, 16)] = (
                msgch[m] * pscale + msgch[2 + m] * (1.0 - pscale))

        def dot_msg(kc, maccs):
            hv = h_v[pl.ds(CAT + kc * 16, 16)]
            kbase = jnp.where(kc < 4, hoff + kc * 16,
                              HID + part * 32 + (kc - 4) * 16)
            for l in range(16):
                hk = hv[l]
                base = (kbase + l) * MSG
                maccs = tuple(maccs[j] + hk * wmsg_v[pl.ds(base + j * 16, 16)]
                              for j in range(4))
            return maccs

        maccs = lax.fori_loop(
            0, 6, dot_msg,
            tuple(bmsg_v[pl.ds(j * 16, 16)] * pscale for j in range(4)))

        for j in range(4):
            stage_v[pl.ds(j * 16, 16)] = rel[j]
            stage_v[pl.ds(64 + j * 16, 16)] = maccs[j]
        par = t % 2
        cp = pltpu.async_copy(stage_v, sh_v.at[par, s], sem)

        arow = adj_v[pl.ds(node * 16, 16)]
        aeff = arow * jnp.where(act, 1.0, 0.0)
        qf = jnp.zeros((16,), jnp.float32)
        pf = jnp.float32(0.0)
        for l in range(16):
            al = aeff[l]
            oh = jnp.where(iotaf == pf, 1.0, 0.0)
            qf = qf + (al * float(l)) * oh
            pf = pf + al
        base = jnp.minimum(tail, MAXM)
        qnode_v[pl.ds(base, 16)] = qf.astype(jnp.int32)
        qowner_v[pl.ds(base, 16)] = jnp.full((16,), t, jnp.int32)

        cp.wait()
        plsc.subcore_barrier()
        pltpu.sync_copy(sh_v.at[par, partner], part_v)

        node_eff = jnp.where(act, node, N)
        poff = (HID // 2) - hoff
        for j in range(4):
            preds_v[pl.ds(node_eff * HID + hoff + j * 16, 16)] = rel[j]
            preds_v[pl.ds(node_eff * HID + poff + j * 16, 16)] = \
                part_v[pl.ds(j * 16, 16)]
        for j in range(4):
            msglog_v[pl.ds(t * MSG + j * 16, 16)] = (
                maccs[j] + part_v[pl.ds(64 + j * 16, 16)])

        return (head + jnp.where(act, 1, 0),
                tail + pf.astype(jnp.int32))

    lax.fori_loop(0, MAXM, step, (jnp.int32(0), jnp.int32(1)))

    @pl.when(part == 0)
    def _():
        pltpu.sync_copy(preds_v.at[pl.ds(rep * HID, HID)],
                        out_hbm.at[pl.ds(rep * HID, HID)])


def _dec_body(p_ref, wdec_ref, bdec_ref, o_ref):
    logits = lax.dot_general(
        p_ref[:], wdec_ref[:], (((1,), (1,)), ((), ())),
        preferred_element_type=jnp.float32) + bdec_ref[:]
    z = logits - jnp.max(logits, axis=-1, keepdims=True)
    o_ref[:] = z - jnp.log(jnp.sum(jnp.exp(z), axis=-1, keepdims=True))


def kernel(x, edge_index, W_enc, b_enc, W_ns, b_ns, W_msg, b_msg,
           W_dec, b_dec, first_message):
    ei = edge_index.astype(jnp.int32)
    ei = jnp.concatenate([ei, ei, ei, ei], axis=0)

    preds0, adj, wnst, wmsgt = pl.pallas_call(
        _enc_body,
        out_shape=[
            jax.ShapeDtypeStruct((N, HID), jnp.float32),
            jax.ShapeDtypeStruct((N, N), jnp.float32),
            jax.ShapeDtypeStruct((CAT, HID), jnp.float32),
            jax.ShapeDtypeStruct((CAT, MSG), jnp.float32),
        ],
    )(x, W_enc, b_enc.reshape(1, HID), ei, W_ns, W_msg)

    mesh = plsc.VectorSubcoreMesh(core_axis_name="c", subcore_axis_name="s")
    walk = pl.kernel(
        _walk_body, mesh=mesh,
        out_type=jax.ShapeDtypeStruct((N * HID,), jnp.float32),
        scratch_types=[
            pltpu.VMEM(((N + 1) * HID,), jnp.float32),
            pltpu.VMEM((N * N,), jnp.float32),
            pltpu.VMEM((CAT * HID,), jnp.float32),
            pltpu.VMEM((CAT * MSG,), jnp.float32),
            pltpu.VMEM((HID,), jnp.float32),
            pltpu.VMEM((MSG,), jnp.float32),
            pltpu.VMEM((QPAD,), jnp.int32),
            pltpu.VMEM((QPAD,), jnp.int32),
            pltpu.VMEM(((MAXM + 1) * MSG,), jnp.float32),
            pltpu.VMEM((CAT + 96,), jnp.float32),
            pltpu.VMEM((HID,), jnp.float32),
            pltpu.VMEM((HID,), jnp.float32),
            pltpu.VMEM_SHARED((2, 16, HID), jnp.float32),
            pltpu.SemaphoreType.DMA,
        ],
    )
    finalp = walk(preds0.reshape(-1), adj.reshape(-1), wnst.reshape(-1),
                  wmsgt.reshape(-1), b_ns, b_msg, first_message.reshape(-1))

    out = pl.pallas_call(
        _dec_body,
        out_shape=jax.ShapeDtypeStruct((N, OUT_F), jnp.float32),
    )(finalp.reshape(N, HID), W_dec, b_dec.reshape(1, OUT_F))
    return (out, 0)

# --- scband reference (transcript-rebuilt; emitter-appended) ---
"""Pipeline reference for scband-constant-delay-gw-ac-28123445854586 (READ-ONLY COPY).

The authoritative reference and input builder live on the scoring server;
editing this copy changes nothing except your own understanding.
"""

import jax, jax.numpy as jnp
import numpy as np

N_NODES = 16
N_EDGES = 64
IN_F = 128
HID = 128
OUT_F = 64
MSG = 64


def setup_inputs(seed: int = 0) -> dict:
    key = jax.random.key(seed)
    ks = jax.random.split(key, 8)
    x = jax.random.normal(ks[0], (N_NODES, IN_F), dtype=jnp.float32)
    edge_index = jax.random.randint(ks[1], (2, N_EDGES), 0, N_NODES)
    W_enc = jax.random.normal(ks[2], (HID, IN_F), dtype=jnp.float32) * 0.05
    b_enc = jnp.zeros((HID,), dtype=jnp.float32)
    W_ns = jax.random.normal(ks[3], (HID, HID + MSG), dtype=jnp.float32) * 0.05
    b_ns = jnp.zeros((HID,), dtype=jnp.float32)
    W_msg = jax.random.normal(ks[4], (MSG, HID + MSG), dtype=jnp.float32) * 0.05
    b_msg = jnp.zeros((MSG,), dtype=jnp.float32)
    W_dec = jax.random.normal(ks[5], (OUT_F, HID), dtype=jnp.float32) * 0.05
    b_dec = jnp.zeros((OUT_F,), dtype=jnp.float32)
    first_message = jnp.zeros((1, MSG), dtype=jnp.float32)
    return {"x": x, "edge_index": edge_index, "W_enc": W_enc, "b_enc": b_enc,
            "W_ns": W_ns, "b_ns": b_ns, "W_msg": W_msg, "b_msg": b_msg,
            "W_dec": W_dec, "b_dec": b_dec, "first_message": first_message}


def _neighbors(edge_index, num_nodes):
    ei = np.asarray(edge_index)
    nbs = {n: set() for n in range(num_nodes)}
    for j in range(ei.shape[1]):
        s = int(ei[0, j]); d = int(ei[1, j])
        nbs[s].add(d)
        nbs[d].add(s)
    return nbs


def reference(x, edge_index, W_enc, b_enc, W_ns, b_ns, W_msg, b_msg, W_dec, b_dec, first_message):
    num_nodes = x.shape[0]
    msg_dim = first_message.shape[1]
    src = edge_index[0]
    dst = edge_index[1]
    adj = jnp.zeros((num_nodes, num_nodes), dtype=bool)
    adj = adj.at[src, dst].set(True)
    adj = adj.at[dst, src].set(True)
    max_msgs = num_nodes * 5
    qmax = 1 + max_msgs * num_nodes
    nb_ids = jnp.arange(num_nodes, dtype=jnp.int32)

    def step(t, state):
        def do(s):
            predictions, qn, qm, head, tail = s
            node = qn[head]
            message = qm[head][None, :]
            features = predictions[node][None, :]
            h = jnp.concatenate([features, message], axis=1)
            newstate = jax.nn.relu(h @ W_ns.T + b_ns)
            newmessage = jnp.concatenate([newstate, message], axis=1) @ W_msg.T + b_msg
            mask = adj[node]
            cnt = jnp.cumsum(mask.astype(jnp.int32))
            pos = tail + cnt - mask.astype(jnp.int32)
            idx = jnp.where(mask, pos, qmax)
            qn = qn.at[idx].set(nb_ids, mode='drop')
            qm = qm.at[idx].set(newmessage[0], mode='drop')
            predictions = predictions.at[node].set(newstate[0])
            return (predictions, qn, qm, head + 1, tail + cnt[-1])

        head = state[3]
        tail = state[4]
        return jax.lax.cond(head < tail, do, lambda s: s, state)

    preds = []
    for i in range(num_nodes):
        # encoder recomputed for every start node i (as in the original)
        predictions = x @ W_enc.T + b_enc
        queue_nodes = jnp.zeros((qmax,), dtype=jnp.int32).at[0].set(i)
        queue_msgs = jnp.zeros((qmax, msg_dim), dtype=first_message.dtype).at[0].set(first_message[0])
        state = (predictions, queue_nodes, queue_msgs, jnp.int32(0), jnp.int32(1))
        predictions = jax.lax.fori_loop(0, max_msgs, step, state)[0]
        # graph_class = False -> node-level log-softmax prediction for start node i
        preds.append(jax.nn.log_softmax(predictions[i:i + 1, :] @ W_dec.T + b_dec, axis=-1))
    return (jnp.concatenate(preds, axis=0), 0)

if __name__ == "__main__":
    import jax
    _d = setup_inputs()
    print(jax.jit(kernel)(*tuple(_d.values())))

</pallas_src>

<mosaic_0001>
#map = affine_map<(d0, d1) -> (0)>
module attributes {stable_mosaic.version = 14 : i64} {
  func.func @_walk_body(%arg0: i32, %arg1: i32, %arg2: memref<2048xf32, #tpu.memory_space<hbm>>, %arg3: memref<256xf32, #tpu.memory_space<hbm>>, %arg4: memref<24576xf32, #tpu.memory_space<hbm>>, %arg5: memref<12288xf32, #tpu.memory_space<hbm>>, %arg6: memref<128xf32, #tpu.memory_space<hbm>>, %arg7: memref<64xf32, #tpu.memory_space<hbm>>, %arg8: memref<64xf32, #tpu.memory_space<hbm>>, %arg9: memref<2048xf32, #tpu.memory_space<hbm>>, %arg10: memref<2176xf32, #tpu.memory_space<vmem>>, %arg11: memref<256xf32, #tpu.memory_space<vmem>>, %arg12: memref<24576xf32, #tpu.memory_space<vmem>>, %arg13: memref<12288xf32, #tpu.memory_space<vmem>>, %arg14: memref<128xf32, #tpu.memory_space<vmem>>, %arg15: memref<64xf32, #tpu.memory_space<vmem>>, %arg16: memref<96xi32, #tpu.memory_space<vmem>>, %arg17: memref<96xi32, #tpu.memory_space<vmem>>, %arg18: memref<5184xf32, #tpu.memory_space<vmem>>, %arg19: memref<288xf32, #tpu.memory_space<vmem>>, %arg20: memref<128xf32, #tpu.memory_space<vmem>>, %arg21: memref<128xf32, #tpu.memory_space<vmem>>, %arg22: memref<2x16x128xf32, #tpu.memory_space<vmem_shared>>, %arg23: memref<!tpu.dma_semaphore, #tpu.memory_space<semaphore_mem>>) attributes {dimension_semantics = [#tpu.dimension_semantics<core_parallel>, #tpu.dimension_semantics<subcore_parallel>], iteration_bounds = array<i64: 2, 16>, scalar_prefetch = 0 : i64, scratch_operands = 14 : i64, tpu.core_type = #tpu.core_type<sc_vector_subcore>, window_params = [{transform_indices = #map}, {transform_indices = #map}, {transform_indices = #map}, {transform_indices = #map}, {transform_indices = #map}, {transform_indices = #map}, {transform_indices = #map}, {transform_indices = #map}]} {
    %mul3A = arith.constant 8 : i32
    %mul3A_0 = arith.muli %arg0, %mul3A : i32
    %jit3A = arith.constant 2 : i32
    %div3A = arith.divsi %arg1, %jit3A : i32
    %sign3A = arith.constant 0 : i32
    %sign3A_1 = arith.cmpi sgt, %arg1, %sign3A : i32
    %sign3A_2 = arith.extui %sign3A_1 : i1 to i32
    %sign3A_3 = arith.constant 0 : i32
    %sign3A_4 = arith.cmpi slt, %arg1, %sign3A_3 : i32
    %sign3A_5 = arith.extui %sign3A_4 : i1 to i32
    %sign3A_6 = arith.subi %sign3A_2, %sign3A_5 : i32
    %sign3A_7 = arith.constant 0 : i32
    %sign3A_8 = arith.cmpi sgt, %jit3A, %sign3A_7 : i32
    %sign3A_9 = arith.extui %sign3A_8 : i1 to i32
    %sign3A_10 = arith.constant 0 : i32
    %sign3A_11 = arith.cmpi slt, %jit3A, %sign3A_10 : i32
    %sign3A_12 = arith.extui %sign3A_11 : i1 to i32
    %sign3A_13 = arith.subi %sign3A_9, %sign3A_12 : i32
    %ne3A = arith.cmpi ne, %sign3A_6, %sign3A_13 : i32
    %rem3A = arith.remsi %arg1, %jit3A : i32
    %ne3A_14 = arith.constant 0 : i32
    %ne3A_15 = arith.cmpi ne, %rem3A, %ne3A_14 : i32
    %and3A = arith.andi %ne3A, %ne3A_15 : i1
    %sub3A = arith.constant 1 : i32
    %sub3A_16 = arith.subi %div3A, %sub3A : i32
    %select_n3A = arith.select %and3A, %sub3A_16, %div3A : i32
    %add3A = arith.addi %mul3A_0, %select_n3A : i32
    %jit3A_17 = arith.constant 2 : i32
    %eq3A = arith.constant 0 : i32
    %eq3A_18 = arith.cmpi eq, %jit3A_17, %eq3A : i32
    %jit3A_19 = arith.constant 1 : i32
    %select_n3A_20 = arith.select %eq3A_18, %jit3A_19, %jit3A_17 : i32
    %rem3A_21 = arith.remsi %arg1, %select_n3A_20 : i32
    %ne3A_22 = arith.constant 0 : i32
    %ne3A_23 = arith.cmpi ne, %rem3A_21, %ne3A_22 : i32
    %lt3A = arith.constant 0 : i32
    %lt3A_24 = arith.cmpi slt, %rem3A_21, %lt3A : i32
    %lt3A_25 = arith.constant 0 : i32
    %lt3A_26 = arith.cmpi slt, %select_n3A_20, %lt3A_25 : i32
    %ne3A_27 = arith.xori %lt3A_24, %lt3A_26 : i1
    %and3A_28 = arith.andi %ne3A_27, %ne3A_23 : i1
    %add3A_29 = arith.addi %rem3A_21, %select_n3A_20 : i32
    %select_n3A_30 = arith.select %and3A_28, %add3A_29, %rem3A_21 : i32
    %mul3A_31 = arith.constant 2 : i32
    %mul3A_32 = arith.muli %mul3A_31, %select_n3A_30 : i32
    %sub3A_33 = arith.subi %arg1, %mul3A_32 : i32
    %add3A_34 = arith.constant 1 : i32
    %add3A_35 = arith.addi %sub3A_33, %add3A_34 : i32
    "tpu.region"() ({
      %run_scoped3A = tpu.sem_alloc : memref<!tpu.dma_semaphore, #tpu.memory_space<semaphore_mem>>
      %dma_start3A = arith.constant 0 : i32
      %dma_start3A_63 = tpu.memref_slice %arg10[%dma_start3A] : memref<2176xf32, #tpu.memory_space<vmem>> -> memref<2048xf32, #tpu.memory_space<vmem>>
      %dma_start3A_64 = arith.constant 0 : i32
      %dma_start3A_65 = tpu.memref_slice %arg10[%dma_start3A_64] : memref<2176xf32, #tpu.memory_space<vmem>> -> memref<2048xf32, #tpu.memory_space<vmem>>
      tpu.enqueue_dma source(%arg2 : memref<2048xf32, #tpu.memory_space<hbm>>) target(%dma_start3A_65 : memref<2048xf32, #tpu.memory_space<vmem>>) target_semaphore(%run_scoped3A : memref<!tpu.dma_semaphore, #tpu.memory_space<semaphore_mem>>)
      %dma_wait3A = arith.constant 0 : i32
      %dma_wait3A_66 = tpu.memref_slice %arg10[%dma_wait3A] : memref<2176xf32, #tpu.memory_space<vmem>> -> memref<2048xf32, #tpu.memory_space<vmem>>
      %dma_wait3A_67 = arith.constant 0 : i32
      %dma_wait3A_68 = tpu.memref_slice %arg10[%dma_wait3A_67] : memref<2176xf32, #tpu.memory_space<vmem>> -> memref<2048xf32, #tpu.memory_space<vmem>>
      tpu.wait_dma2 semaphore(%run_scoped3A : memref<!tpu.dma_semaphore, #tpu.memory_space<semaphore_mem>>) src(%arg2 : memref<2048xf32, #tpu.memory_space<hbm>>) dst(%dma_wait3A_68 : memref<2048xf32, #tpu.memory_space<vmem>>)
      tpu.yield
    }) : () -> ()
    "tpu.region"() ({
      %run_scoped3A = tpu.sem_alloc : memref<!tpu.dma_semaphore, #tpu.memory_space<semaphore_mem>>
      tpu.enqueue_dma source(%arg3 : memref<256xf32, #tpu.memory_space<hbm>>) target(%arg11 : memref<256xf32, #tpu.memory_space<vmem>>) target_semaphore(%run_scoped3A : memref<!tpu.dma_semaphore, #tpu.memory_space<semaphore_mem>>)
      tpu.wait_dma2 semaphore(%run_scoped3A : memref<!tpu.dma_semaphore, #tpu.memory_space<semaphore_mem>>) src(%arg3 : memref<256xf32, #tpu.memory_space<hbm>>) dst(%arg11 : memref<256xf32, #tpu.memory_space<vmem>>)
      tpu.yield
    }) : () -> ()
    "tpu.region"() ({
      %run_scoped3A = tpu.sem_alloc : memref<!tpu.dma_semaphore, #tpu.memory_space<semaphore_mem>>
      tpu.enqueue_dma source(%arg4 : memref<24576xf32, #tpu.memory_space<hbm>>) target(%arg12 : memref<24576xf32, #tpu.memory_space<vmem>>) target_semaphore(%run_scoped3A : memref<!tpu.dma_semaphore, #tpu.memory_space<semaphore_mem>>)
      tpu.wait_dma2 semaphore(%run_scoped3A : memref<!tpu.dma_semaphore, #tpu.memory_space<semaphore_mem>>) src(%arg4 : memref<24576xf32, #tpu.memory_space<hbm>>) dst(%arg12 : memref<24576xf32, #tpu.memory_space<vmem>>)
      tpu.yield
    }) : () -> ()
    "tpu.region"() ({
      %run_scoped3A = tpu.sem_alloc : memref<!tpu.dma_semaphore, #tpu.memory_space<semaphore_mem>>
      tpu.enqueue_dma source(%arg5 : memref<12288xf32, #tpu.memory_space<hbm>>) target(%arg13 : memref<12288xf32, #tpu.memory_space<vmem>>) target_semaphore(%run_scoped3A : memref<!tpu.dma_semaphore, #tpu.memory_space<semaphore_mem>>)
      tpu.wait_dma2 semaphore(%run_scoped3A : memref<!tpu.dma_semaphore, #tpu.memory_space<semaphore_mem>>) src(%arg5 : memref<12288xf32, #tpu.memory_space<hbm>>) dst(%arg13 : memref<12288xf32, #tpu.memory_space<vmem>>)
      tpu.yield
    }) : () -> ()
    "tpu.region"() ({
      %run_scoped3A = tpu.sem_alloc : memref<!tpu.dma_semaphore, #tpu.memory_space<semaphore_mem>>
      tpu.enqueue_dma source(%arg6 : memref<128xf32, #tpu.memory_space<hbm>>) target(%arg14 : memref<128xf32, #tpu.memory_space<vmem>>) target_semaphore(%run_scoped3A : memref<!tpu.dma_semaphore, #tpu.memory_space<semaphore_mem>>)
      tpu.wait_dma2 semaphore(%run_scoped3A : memref<!tpu.dma_semaphore, #tpu.memory_space<semaphore_mem>>) src(%arg6 : memref<128xf32, #tpu.memory_space<hbm>>) dst(%arg14 : memref<128xf32, #tpu.memory_space<vmem>>)
      tpu.yield
    }) : () -> ()
    "tpu.region"() ({
      %run_scoped3A = tpu.sem_alloc : memref<!tpu.dma_semaphore, #tpu.memory_space<semaphore_mem>>
      tpu.enqueue_dma source(%arg7 : memref<64xf32, #tpu.memory_space<hbm>>) target(%arg15 : memref<64xf32, #tpu.memory_space<vmem>>) target_semaphore(%run_scoped3A : memref<!tpu.dma_semaphore, #tpu.memory_space<semaphore_mem>>)
      tpu.wait_dma2 semaphore(%run_scoped3A : memref<!tpu.dma_semaphore, #tpu.memory_space<semaphore_mem>>) src(%arg7 : memref<64xf32, #tpu.memory_space<hbm>>) dst(%arg15 : memref<64xf32, #tpu.memory_space<vmem>>)
      tpu.yield
    }) : () -> ()
    "tpu.region"() ({
      %run_scoped3A = tpu.sem_alloc : memref<!tpu.dma_semaphore, #tpu.memory_space<semaphore_mem>>
      %dma_start3A = arith.constant 5120 : i32
      %dma_start3A_63 = tpu.memref_slice %arg18[%dma_start3A] : memref<5184xf32, #tpu.memory_space<vmem>> -> memref<64xf32, #tpu.memory_space<vmem>>
      %dma_start3A_64 = arith.constant 5120 : i32
      %dma_start3A_65 = tpu.memref_slice %arg18[%dma_start3A_64] : memref<5184xf32, #tpu.memory_space<vmem>> -> memref<64xf32, #tpu.memory_space<vmem>>
      tpu.enqueue_dma source(%arg8 : memref<64xf32, #tpu.memory_space<hbm>>) target(%dma_start3A_65 : memref<64xf32, #tpu.memory_space<vmem>>) target_semaphore(%run_scoped3A : memref<!tpu.dma_semaphore, #tpu.memory_space<semaphore_mem>>)
      %dma_wait3A = arith.constant 5120 : i32
      %dma_wait3A_66 = tpu.memref_slice %arg18[%dma_wait3A] : memref<5184xf32, #tpu.memory_space<vmem>> -> memref<64xf32, #tpu.memory_space<vmem>>
      %dma_wait3A_67 = arith.constant 5120 : i32
      %dma_wait3A_68 = tpu.memref_slice %arg18[%dma_wait3A_67] : memref<5184xf32, #tpu.memory_space<vmem>> -> memref<64xf32, #tpu.memory_space<vmem>>
      tpu.wait_dma2 semaphore(%run_scoped3A : memref<!tpu.dma_semaphore, #tpu.memory_space<semaphore_mem>>) src(%arg8 : memref<64xf32, #tpu.memory_space<hbm>>) dst(%dma_wait3A_68 : memref<64xf32, #tpu.memory_space<vmem>>)
      tpu.yield
    }) : () -> ()
    %iota3A = tpu.iota {dimensions = array<i32: 0>} : vector<16xi32>
    %convert_element_type3A = arith.sitofp %iota3A : vector<16xi32> to vector<16xf32>
    %broadcast_in_dim3A = vector.broadcast %add3A : i32 to vector<16xi32>
    %swap3A = arith.constant 0 : index
    %swap3A_36 = tpu.vector_load %arg16[%swap3A] {strides = array<i32>} : memref<96xi32, #tpu.memory_space<vmem>>, vector<16xi32>,
    %swap3A_37 = vector.shape_cast %swap3A_36 : vector<16xi32> to vector<16xi32>
    %swap3A_38 = vector.shape_cast %broadcast_in_dim3A : vector<16xi32> to vector<16xi32>
    tpu.vector_store %arg16[%swap3A], %swap3A_38 {strides = array<i32>} : memref<96xi32, #tpu.memory_space<vmem>>, vector<16xi32>,
    %broadcast_in_dim3A_39 = arith.constant 80 : i32
    %broadcast_in_dim3A_40 = vector.broadcast %broadcast_in_dim3A_39 : i32 to vector<16xi32>
    %swap3A_41 = arith.constant 0 : index
    %swap3A_42 = tpu.vector_load %arg17[%swap3A_41] {strides = array<i32>} : memref<96xi32, #tpu.memory_space<vmem>>, vector<16xi32>,
    %swap3A_43 = vector.shape_cast %swap3A_42 : vector<16xi32> to vector<16xi32>
    %swap3A_44 = vector.shape_cast %broadcast_in_dim3A_40 : vector<16xi32> to vector<16xi32>
    tpu.vector_store %arg17[%swap3A_41], %swap3A_44 {strides = array<i32>} : memref<96xi32, #tpu.memory_space<vmem>>, vector<16xi32>,
    %mul3A_45 = arith.constant 64 : i32
    %mul3A_46 = arith.muli %select_n3A_30, %mul3A_45 : i32
    %eq3A_47 = arith.constant 0 : i32
    %eq3A_48 = arith.cmpi eq, %select_n3A_30, %eq3A_47 : i32
    %jit3A_49 = arith.constant 1.000000e+00 : f32
    %jit3A_50 = arith.constant 0.000000e+00 : f32
    %select_n3A_51 = arith.select %eq3A_48, %jit3A_49, %jit3A_50 : f32
    %scan3A = arith.constant 0 : i32
    %scan3A_52 = arith.constant 1 : i32
    %scan3A_53 = arith.constant 0 : i32
    %scan3A_54 = arith.constant 80 : i32
    %scan3A_55 = arith.addi %scan3A_53, %scan3A_54 : i32
    %scan3A_56 = arith.constant 1 : i32
    %scan3A_57:2 = scf.for %scan3A_63 = %scan3A_53 to %scan3A_55 step %scan3A_56 iter_args(%scan3A_64 = %scan3A, %scan3A_65 = %scan3A_52) -> (i32, i32)  : i32 {
      %lt3A_66 = arith.cmpi slt, %scan3A_64, %scan3A_65 : i32
      %get3A = arith.index_cast %scan3A_64 : i32 to index
      %get3A_67 = tpu.vector_load %arg16[%get3A] {strides = array<i32>} : memref<96xi32, #tpu.memory_space<vmem>>, vector<16xi32>,
      %get3A_68 = vector.shape_cast %get3A_67 : vector<16xi32> to vector<16xi32>
      %slice3A = vector.extract_strided_slice %get3A_68 {offsets = [0], sizes = [1], strides = [1]} : vector<16xi32> to vector<1xi32>
      %squeeze3A = vector.extract %slice3A[0] : i32 from vector<1xi32>
      %jit3A_69 = arith.constant 0 : i32
      %jit3A_70 = arith.constant 15 : i32
      %max3A = arith.maxsi %jit3A_69, %squeeze3A : i32
      %min3A = arith.minsi %jit3A_70, %max3A : i32
      %get3A_71 = arith.index_cast %scan3A_64 : i32 to index
      %get3A_72 = tpu.vector_load %arg17[%get3A_71] {strides = array<i32>} : memref<96xi32, #tpu.memory_space<vmem>>, vector<16xi32>,
      %get3A_73 = vector.shape_cast %get3A_72 : vector<16xi32> to vector<16xi32>
      %slice3A_74 = vector.extract_strided_slice %get3A_73 {offsets = [0], sizes = [1], strides = [1]} : vector<16xi32> to vector<1xi32>
      %squeeze3A_75 = vector.extract %slice3A_74[0] : i32 from vector<1xi32>
      %jit3A_76 = arith.constant 0 : i32
      %jit3A_77 = arith.constant 80 : i32
      %max3A_78 = arith.maxsi %jit3A_76, %squeeze3A_75 : i32
      %min3A_79 = arith.minsi %jit3A_77, %max3A_78 : i32
      %mul3A_80 = arith.constant 64 : i32
      %mul3A_81 = arith.muli %min3A_79, %mul3A_80 : i32
      %add3A_82 = arith.constant 0 : i32
      %add3A_83 = arith.addi %mul3A_81, %add3A_82 : i32
      %get3A_84 = arith.index_cast %add3A_83 : i32 to index
      %get3A_85 = tpu.vector_load %arg18[%get3A_84] {strides = array<i32>} : memref<5184xf32, #tpu.memory_space<vmem>>, vector<16xf32>,
      %get3A_86 = vector.shape_cast %get3A_85 : vector<16xf32> to vector<16xf32>
      %mul3A_87 = arith.constant 64 : i32
      %mul3A_88 = arith.muli %min3A_79, %mul3A_87 : i32
      %add3A_89 = arith.constant 16 : i32
      %add3A_90 = arith.addi %mul3A_88, %add3A_89 : i32
      %get3A_91 = arith.index_cast %add3A_90 : i32 to index
      %get3A_92 = tpu.vector_load %arg18[%get3A_91] {strides = array<i32>} : memref<5184xf32, #tpu.memory_space<vmem>>, vector<16xf32>,
      %get3A_93 = vector.shape_cast %get3A_92 : vector<16xf32> to vector<16xf32>
      %mul3A_94 = arith.constant 64 : i32
      %mul3A_95 = arith.muli %min3A_79, %mul3A_94 : i32
      %add3A_96 = arith.constant 32 : i32
      %add3A_97 = arith.addi %mul3A_95, %add3A_96 : i32
      %get3A_98 = arith.index_cast %add3A_97 : i32 to index
      %get3A_99 = tpu.vector_load %arg18[%get3A_98] {strides = array<i32>} : memref<5184xf32, #tpu.memory_space<vmem>>, vector<16xf32>,
      %get3A_100 = vector.shape_cast %get3A_99 : vector<16xf32> to vector<16xf32>
      %mul3A_101 = arith.constant 64 : i32
      %mul3A_102 = arith.muli %min3A_79, %mul3A_101 : i32
      %add3A_103 = arith.constant 48 : i32
      %add3A_104 = arith.addi %mul3A_102, %add3A_103 : i32
      %get3A_105 = arith.index_cast %add3A_104 : i32 to index
      %get3A_106 = tpu.vector_load %arg18[%get3A_105] {strides = array<i32>} : memref<5184xf32, #tpu.memory_space<vmem>>, vector<16xf32>,
      %get3A_107 = vector.shape_cast %get3A_106 : vector<16xf32> to vector<16xf32>
      %swap3A_108 = arith.constant 128 : index
      %swap3A_109 = tpu.vector_load %arg19[%swap3A_108] {strides = array<i32>} : memref<288xf32, #tpu.memory_space<vmem>>, vector<16xf32>,
      %swap3A_110 = vector.shape_cast %swap3A_109 : vector<16xf32> to vector<16xf32>
      %swap3A_111 = vector.shape_cast %get3A_86 : vector<16xf32> to vector<16xf32>
      tpu.vector_store %arg19[%swap3A_108], %swap3A_111 {strides = array<i32>} : memref<288xf32, #tpu.memory_space<vmem>>, vector<16xf32>,
      %swap3A_112 = arith.constant 144 : index
      %swap3A_113 = tpu.vector_load %arg19[%swap3A_112] {strides = array<i32>} : memref<288xf32, #tpu.memory_space<vmem>>, vector<16xf32>,
      %swap3A_114 = vector.shape_cast %swap3A_113 : vector<16xf32> to vector<16xf32>
      %swap3A_115 = vector.shape_cast %get3A_93 : vector<16xf32> to vector<16xf32>
      tpu.vector_store %arg19[%swap3A_112], %swap3A_115 {strides = array<i32>} : memref<288xf32, #tpu.memory_space<vmem>>, vector<16xf32>,
      %swap3A_116 = arith.constant 160 : index
      %swap3A_117 = tpu.vector_load %arg19[%swap3A_116] {strides = array<i32>} : memref<288xf32, #tpu.memory_space<vmem>>, vector<16xf32>,
      %swap3A_118 = vector.shape_cast %swap3A_117 : vector<16xf32> to vector<16xf32>
      %swap3A_119 = vector.shape_cast %get3A_100 : vector<16xf32> to vector<16xf32>
      tpu.vector_store %arg19[%swap3A_116], %swap3A_119 {strides = array<i32>} : memref<288xf32, #tpu.memory_space<vmem>>, vector<16xf32>,
      %swap3A_120 = arith.constant 176 : index
      %swap3A_121 = tpu.vector_load %arg19[%swap3A_120] {strides = array<i32>} : memref<288xf32, #tpu.memory_space<vmem>>, vector<16xf32>,
      %swap3A_122 = vector.shape_cast %swap3A_121 : vector<16xf32> to vector<16xf32>
      %swap3A_123 = vector.shape_cast %get3A_107 : vector<16xf32> to vector<16xf32>
      tpu.vector_store %arg19[%swap3A_120], %swap3A_123 {strides = array<i32>} : memref<288xf32, #tpu.memory_space<vmem>>, vector<16xf32>,
      %mul3A_124 = arith.constant 128 : i32
      %mul3A_125 = arith.muli %min3A, %mul3A_124 : i32
      %add3A_126 = arith.constant 0 : i32
      %add3A_127 = arith.addi %mul3A_125, %add3A_126 : i32
      %get3A_128 = arith.index_cast %add3A_127 : i32 to index
      %get3A_129 = tpu.vector_load %arg10[%get3A_128] {strides = array<i32>} : memref<2176xf32, #tpu.memory_space<vmem>>, vector<16xf32>,
      %get3A_130 = vector.shape_cast %get3A_129 : vector<16xf32> to vector<16xf32>
      %swap3A_131 = arith.constant 0 : index
      %swap3A_132 = tpu.vector_load %arg19[%swap3A_131] {strides = array<i32>} : memref<288xf32, #tpu.memory_space<vmem>>, vector<16xf32>,
      %swap3A_133 = vector.shape_cast %swap3A_132 : vector<16xf32> to vector<16xf32>
      %swap3A_134 = vector.shape_cast %get3A_130 : vector<16xf32> to vector<16xf32>
      tpu.vector_store %arg19[%swap3A_131], %swap3A_134 {strides = array<i32>} : memref<288xf32, #tpu.memory_space<vmem>>, vector<16xf32>,
      %mul3A_135 = arith.constant 128 : i32
      %mul3A_136 = arith.muli %min3A, %mul3A_135 : i32
      %add3A_137 = arith.constant 16 : i32
      %add3A_138 = arith.addi %mul3A_136, %add3A_137 : i32
      %get3A_139 = arith.index_cast %add3A_138 : i32 to index
      %get3A_140 = tpu.vector_load %arg10[%get3A_139] {strides = array<i32>} : memref<2176xf32, #tpu.memory_space<vmem>>, vector<16xf32>,
      %get3A_141 = vector.shape_cast %get3A_140 : vector<16xf32> to vector<16xf32>
      %swap3A_142 = arith.constant 16 : index
      %swap3A_143 = tpu.vector_load %arg19[%swap3A_142] {strides = array<i32>} : memref<288xf32, #tpu.memory_space<vmem>>, vector<16xf32>,
      %swap3A_144 = vector.shape_cast %swap3A_143 : vector<16xf32> to vector<16xf32>
      %swap3A_145 = vector.shape_cast %get3A_141 : vector<16xf32> to vector<16xf32>
      tpu.vector_store %arg19[%swap3A_142], %swap3A_145 {strides = array<i32>} : memref<288xf32, #tpu.memory_space<vmem>>, vector<16xf32>,
      %mul3A_146 = arith.constant 128 : i32
      %mul3A_147 = arith.muli %min3A, %mul3A_146 : i32
      %add3A_148 = arith.constant 32 : i32
      %add3A_149 = arith.addi %mul3A_147, %add3A_148 : i32
      %get3A_150 = arith.index_cast %add3A_149 : i32 to index
      %get3A_151 = tpu.vector_load %arg10[%get3A_150] {strides = array<i32>} : memref<2176xf32, #tpu.memory_space<vmem>>, vector<16xf32>,
      %get3A_152 = vector.shape_cast %get3A_151 : vector<16xf32> to vector<16xf32>
      %swap3A_153 = arith.constant 32 : index
      %swap3A_154 = tpu.vector_load %arg19[%swap3A_153] {strides = array<i32>} : memref<288xf32, #tpu.memory_space<vmem>>, vector<16xf32>,
      %swap3A_155 = vector.shape_cast %swap3A_154 : vector<16xf32> to vector<16xf32>
      %swap3A_156 = vector.shape_cast %get3A_152 : vector<16xf32> to vector<16xf32>
      tpu.vector_store %arg19[%swap3A_153], %swap3A_156 {strides = array<i32>} : memref<288xf32, #tpu.memory_space<vmem>>, vector<16xf32>,
      %mul3A_157 = arith.constant 128 : i32
      %mul3A_158 = arith.muli %min3A, %mul3A_157 : i32
      %add3A_159 = arith.constant 48 : i32
      %add3A_160 = arith.addi %mul3A_158, %add3A_159 : i32
      %get3A_161 = arith.index_cast %add3A_160 : i32 to index
      %get3A_162 = tpu.vector_load %arg10[%get3A_161] {strides = array<i32>} : memref<2176xf32, #tpu.memory_space<vmem>>, vector<16xf32>,
      %get3A_163 = vector.shape_cast %get3A_162 : vector<16xf32> to vector<16xf32>
      %swap3A_164 = arith.constant 48 : index
      %swap3A_165 = tpu.vector_load %arg19[%swap3A_164] {strides = array<i32>} : memref<288xf32, #tpu.memory_space<vmem>>, vector<16xf32>,
      %swap3A_166 = vector.shape_cast %swap3A_165 : vector<16xf32> to vector<16xf32>
      %swap3A_167 = vector.shape_cast %get3A_163 : vector<16xf32> to vector<16xf32>
      tpu.vector_store %arg19[%swap3A_164], %swap3A_167 {strides = array<i32>} : memref<288xf32, #tpu.memory_space<vmem>>, vector<16xf32>,
      %mul3A_168 = arith.constant 128 : i32
      %mul3A_169 = arith.muli %min3A, %mul3A_168 : i32
      %add3A_170 = arith.constant 64 : i32
      %add3A_171 = arith.addi %mul3A_169, %add3A_170 : i32
      %get3A_172 = arith.index_cast %add3A_171 : i32 to index
      %get3A_173 = tpu.vector_load %arg10[%get3A_172] {strides = array<i32>} : memref<2176xf32, #tpu.memory_space<vmem>>, vector<16xf32>,
      %get3A_174 = vector.shape_cast %get3A_173 : vector<16xf32> to vector<16xf32>
      %swap3A_175 = arith.constant 64 : index
      %swap3A_176 = tpu.vector_load %arg19[%swap3A_175] {strides = array<i32>} : memref<288xf32, #tpu.memory_space<vmem>>, vector<16xf32>,
      %swap3A_177 = vector.shape_cast %swap3A_176 : vector<16xf32> to vector<16xf32>
      %swap3A_178 = vector.shape_cast %get3A_174 : vector<16xf32> to vector<16xf32>
      tpu.vector_store %arg19[%swap3A_175], %swap3A_178 {strides = array<i32>} : memref<288xf32, #tpu.memory_space<vmem>>, vector<16xf32>,
      %mul3A_179 = arith.constant 128 : i32
      %mul3A_180 = arith.muli %min3A, %mul3A_179 : i32
      %add3A_181 = arith.constant 80 : i32
      %add3A_182 = arith.addi %mul3A_180, %add3A_181 : i32
      %get3A_183 = arith.index_cast %add3A_182 : i32 to index
      %get3A_184 = tpu.vector_load %arg10[%get3A_183] {strides = array<i32>} : memref<2176xf32, #tpu.memory_space<vmem>>, vector<16xf32>,
      %get3A_185 = vector.shape_cast %get3A_184 : vector<16xf32> to vector<16xf32>
      %swap3A_186 = arith.constant 80 : index
      %swap3A_187 = tpu.vector_load %arg19[%swap3A_186] {strides = array<i32>} : memref<288xf32, #tpu.memory_space<vmem>>, vector<16xf32>,
      %swap3A_188 = vector.shape_cast %swap3A_187 : vector<16xf32> to vector<16xf32>
      %swap3A_189 = vector.shape_cast %get3A_185 : vector<16xf32> to vector<16xf32>
      tpu.vector_store %arg19[%swap3A_186], %swap3A_189 {strides = array<i32>} : memref<288xf32, #tpu.memory_space<vmem>>, vector<16xf32>,
      %mul3A_190 = arith.constant 128 : i32
      %mul3A_191 = arith.muli %min3A, %mul3A_190 : i32
      %add3A_192 = arith.constant 96 : i32
      %add3A_193 = arith.addi %mul3A_191, %add3A_192 : i32
      %get3A_194 = arith.index_cast %add3A_193 : i32 to index
      %get3A_195 = tpu.vector_load %arg10[%get3A_194] {strides = array<i32>} : memref<2176xf32, #tpu.memory_space<vmem>>, vector<16xf32>,
      %get3A_196 = vector.shape_cast %get3A_195 : vector<16xf32> to vector<16xf32>
      %swap3A_197 = arith.constant 96 : index
      %swap3A_198 = tpu.vector_load %arg19[%swap3A_197] {strides = array<i32>} : memref<288xf32, #tpu.memory_space<vmem>>, vector<16xf32>,
      %swap3A_199 = vector.shape_cast %swap3A_198 : vector<16xf32> to vector<16xf32>
      %swap3A_200 = vector.shape_cast %get3A_196 : vector<16xf32> to vector<16xf32>
      tpu.vector_store %arg19[%swap3A_197], %swap3A_200 {strides = array<i32>} : memref<288xf32, #tpu.memory_space<vmem>>, vector<16xf32>,
      %mul3A_201 = arith.constant 128 : i32
      %mul3A_202 = arith.muli %min3A, %mul3A_201 : i32
      %add3A_203 = arith.constant 112 : i32
      %add3A_204 = arith.addi %mul3A_202, %add3A_203 : i32
      %get3A_205 = arith.index_cast %add3A_204 : i32 to index
      %get3A_206 = tpu.vector_load %arg10[%get3A_205] {strides = array<i32>} : memref<2176xf32, #tpu.memory_space<vmem>>, vector<16xf32>,
      %get3A_207 = vector.shape_cast %get3A_206 : vector<16xf32> to vector<16xf32>
      %swap3A_208 = arith.constant 112 : index
      %swap3A_209 = tpu.vector_load %arg19[%swap3A_208] {strides = array<i32>} : memref<288xf32, #tpu.memory_space<vmem>>, vector<16xf32>,
      %swap3A_210 = vector.shape_cast %swap3A_209 : vector<16xf32> to vector<16xf32>
      %swap3A_211 = vector.shape_cast %get3A_207 : vector<16xf32> to vector<16xf32>
      tpu.vector_store %arg19[%swap3A_208], %swap3A_211 {strides = array<i32>} : memref<288xf32, #tpu.memory_space<vmem>>, vector<16xf32>,
      %add3A_212 = arith.constant 0 : i32
      %add3A_213 = arith.addi %mul3A_46, %add3A_212 : i32
      %get3A_214 = arith.index_cast %add3A_213 : i32 to index
      %get3A_215 = tpu.vector_load %arg14[%get3A_214] {strides = array<i32>} : memref<128xf32, #tpu.memory_space<vmem>>, vector<16xf32>,
      %get3A_216 = vector.shape_cast %get3A_215 : vector<16xf32> to vector<16xf32>
      %add3A_217 = arith.constant 16 : i32
      %add3A_218 = arith.addi %mul3A_46, %add3A_217 : i32
      %get3A_219 = arith.index_cast %add3A_218 : i32 to index
      %get3A_220 = tpu.vector_load %arg14[%get3A_219] {strides = array<i32>} : memref<128xf32, #tpu.memory_space<vmem>>, vector<16xf32>,
      %get3A_221 = vector.shape_cast %get3A_220 : vector<16xf32> to vector<16xf32>
      %add3A_222 = arith.constant 32 : i32
      %add3A_223 = arith.addi %mul3A_46, %add3A_222 : i32
      %get3A_224 = arith.index_cast %add3A_223 : i32 to index
      %get3A_225 = tpu.vector_load %arg14[%get3A_224] {strides = array<i32>} : memref<128xf32, #tpu.memory_space<vmem>>, vector<16xf32>,
      %get3A_226 = vector.shape_cast %get3A_225 : vector<16xf32> to vector<16xf32>
      %add3A_227 = arith.constant 48 : i32
      %add3A_228 = arith.addi %mul3A_46, %add3A_227 : i32
      %get3A_229 = arith.index_cast %add3A_228 : i32 to index
      %get3A_230 = tpu.vector_load %arg14[%get3A_229] {strides = array<i32>} : memref<128xf32, #tpu.memory_space<vmem>>, vector<16xf32>,
      %get3A_231 = vector.shape_cast %get3A_230 : vector<16xf32> to vector<16xf32>
      %scan3A_232 = arith.constant 0 : i32
      %scan3A_233 = arith.constant 12 : i32
      %scan3A_234 = arith.addi %scan3A_232, %scan3A_233 : i32
      %scan3A_235 = arith.constant 1 : i32
      %scan3A_236:4 = scf.for %scan3A_780 = %scan3A_232 to %scan3A_234 step %scan3A_235 iter_args(%scan3A_781 = %get3A_216, %scan3A_782 = %get3A_221, %scan3A_783 = %get3A_226, %scan3A_784 = %get3A_231) -> (vector<16xf32>, vector<16xf32>, vector<16xf32>, vector<16xf32>)  : i32 {
        %mul3A_785 = arith.constant 16 : i32
        %mul3A_786 = arith.muli %scan3A_780, %mul3A_785 : i32
        %get3A_787 = arith.index_cast %mul3A_786 : i32 to index
        %get3A_788 = tpu.vector_load %arg19[%get3A_787] {strides = array<i32>} : memref<288xf32, #tpu.memory_space<vmem>>, vector<16xf32>,
        %get3A_789 = vector.shape_cast %get3A_788 : vector<16xf32> to vector<16xf32>
        %slice3A_790 = vector.extract_strided_slice %get3A_789 {offsets = [0], sizes = [1], strides = [1]} : vector<16xf32> to vector<1xf32>
        %squeeze3A_791 = vector.extract %slice3A_790[0] : f32 from vector<1xf32>
        %mul3A_792 = arith.constant 16 : i32
        %mul3A_793 = arith.muli %scan3A_780, %mul3A_792 : i32
        %add3A_794 = arith.constant 0 : i32
        %add3A_795 = arith.addi %mul3A_793, %add3A_794 : i32
        %mul3A_796 = arith.constant 128 : i32
        %mul3A_797 = arith.muli %add3A_795, %mul3A_796 : i32
        %add3A_798 = arith.addi %mul3A_797, %mul3A_46 : i32
        %add3A_799 = arith.constant 0 : i32
        %add3A_800 = arith.addi %add3A_798, %add3A_799 : i32
        %get3A_801 = arith.index_cast %add3A_800 : i32 to index
        %get3A_802 = tpu.vector_load %arg12[%get3A_801] {strides = array<i32>} : memref<24576xf32, #tpu.memory_space<vmem>>, vector<16xf32>,
        %get3A_803 = vector.shape_cast %get3A_802 : vector<16xf32> to vector<16xf32>
        %mul3A_804 = vector.broadcast %squeeze3A_791 : f32 to vector<16xf32>
        %mul3A_805 = arith.mulf %mul3A_804, %get3A_803 : vector<16xf32>
        %add3A_806 = arith.addf %scan3A_781, %mul3A_805 : vector<16xf32>
        %add3A_807 = arith.constant 16 : i32
        %add3A_808 = arith.addi %add3A_798, %add3A_807 : i32
        %get3A_809 = arith.index_cast %add3A_808 : i32 to index
        %get3A_810 = tpu.vector_load %arg12[%get3A_809] {strides = array<i32>} : memref<24576xf32, #tpu.memory_space<vmem>>, vector<16xf32>,
        %get3A_811 = vector.shape_cast %get3A_810 : vector<16xf32> to vector<16xf32>
        %mul3A_812 = vector.broadcast %squeeze3A_791 : f32 to vector<16xf32>
        %mul3A_813 = arith.mulf %mul3A_812, %get3A_811 : vector<16xf32>
        %add3A_814 = arith.addf %scan3A_782, %mul3A_813 : vector<16xf32>
        %add3A_815 = arith.constant 32 : i32
        %add3A_816 = arith.addi %add3A_798, %add3A_815 : i32
        %get3A_817 = arith.index_cast %add3A_816 : i32 to index
        %get3A_818 = tpu.vector_load %arg12[%get3A_817] {strides = array<i32>} : memref<24576xf32, #tpu.memory_space<vmem>>, vector<16xf32>,
        %get3A_819 = vector.shape_cast %get3A_818 : vector<16xf32> to vector<16xf32>
        %mul3A_820 = vector.broadcast %squeeze3A_791 : f32 to vector<16xf32>
        %mul3A_821 = arith.mulf %mul3A_820, %get3A_819 : vector<16xf32>
        %add3A_822 = arith.addf %scan3A_783, %mul3A_821 : vector<16xf32>
        %add3A_823 = arith.constant 48 : i32
        %add3A_824 = arith.addi %add3A_798, %add3A_823 : i32
        %get3A_825 = arith.index_cast %add3A_824 : i32 to index
        %get3A_826 = tpu.vector_load %arg12[%get3A_825] {strides = array<i32>} : memref<24576xf32, #tpu.memory_space<vmem>>, vector<16xf32>,
        %get3A_827 = vector.shape_cast %get3A_826 : vector<16xf32> to vector<16xf32>
        %mul3A_828 = vector.broadcast %squeeze3A_791 : f32 to vector<16xf32>
        %mul3A_829 = arith.mulf %mul3A_828, %get3A_827 : vector<16xf32>
        %add3A_830 = arith.addf %scan3A_784, %mul3A_829 : vector<16xf32>
        %slice3A_831 = vector.extract_strided_slice %get3A_789 {offsets = [1], sizes = [1], strides = [1]} : vector<16xf32> to vector<1xf32>
        %squeeze3A_832 = vector.extract %slice3A_831[0] : f32 from vector<1xf32>
        %mul3A_833 = arith.constant 16 : i32
        %mul3A_834 = arith.muli %scan3A_780, %mul3A_833 : i32
        %add3A_835 = arith.constant 1 : i32
        %add3A_836 = arith.addi %mul3A_834, %add3A_835 : i32
        %mul3A_837 = arith.constant 128 : i32
        %mul3A_838 = arith.muli %add3A_836, %mul3A_837 : i32
        %add3A_839 = arith.addi %mul3A_838, %mul3A_46 : i32
        %add3A_840 = arith.constant 0 : i32
        %add3A_841 = arith.addi %add3A_839, %add3A_840 : i32
        %get3A_842 = arith.index_cast %add3A_841 : i32 to index
        %get3A_843 = tpu.vector_load %arg12[%get3A_842] {strides = array<i32>} : memref<24576xf32, #tpu.memory_space<vmem>>, vector<16xf32>,
        %get3A_844 = vector.shape_cast %get3A_843 : vector<16xf32> to vector<16xf32>
        %mul3A_845 = vector.broadcast %squeeze3A_832 : f32 to vector<16xf32>
        %mul3A_846 = arith.mulf %mul3A_845, %get3A_844 : vector<16xf32>
        %add3A_847 = arith.addf %add3A_806, %mul3A_846 : vector<16xf32>
        %add3A_848 = arith.constant 16 : i32
        %add3A_849 = arith.addi %add3A_839, %add3A_848 : i32
        %get3A_850 = arith.index_cast %add3A_849 : i32 to index
        %get3A_851 = tpu.vector_load %arg12[%get3A_850] {strides = array<i32>} : memref<24576xf32, #tpu.memory_space<vmem>>, vector<16xf32>,
        %get3A_852 = vector.shape_cast %get3A_851 : vector<16xf32> to vector<16xf32>
        %mul3A_853 = vector.broadcast %squeeze3A_832 : f32 to vector<16xf32>
        %mul3A_854 = arith.mulf %mul3A_853, %get3A_852 : vector<16xf32>
        %add3A_855 = arith.addf %add3A_814, %mul3A_854 : vector<16xf32>
        %add3A_856 = arith.constant 32 : i32
        %add3A_857 = arith.addi %add3A_839, %add3A_856 : i32
        %get3A_858 = arith.index_cast %add3A_857 : i32 to index
        %get3A_859 = tpu.vector_load %arg12[%get3A_858] {strides = array<i32>} : memref<24576xf32, #tpu.memory_space<vmem>>, vector<16xf32>,
        %get3A_860 = vector.shape_cast %get3A_859 : vector<16xf32> to vector<16xf32>
        %mul3A_861 = vector.broadcast %squeeze3A_832 : f32 to vector<16xf32>
        %mul3A_862 = arith.mulf %mul3A_861, %get3A_860 : vector<16xf32>
        %add3A_863 = arith.addf %add3A_822, %mul3A_862 : vector<16xf32>
        %add3A_864 = arith.constant 48 : i32
        %add3A_865 = arith.addi %add3A_839, %add3A_864 : i32
        %get3A_866 = arith.index_cast %add3A_865 : i32 to index
        %get3A_867 = tpu.vector_load %arg12[%get3A_866] {strides = array<i32>} : memref<24576xf32, #tpu.memory_space<vmem>>, vector<16xf32>,
        %get3A_868 = vector.shape_cast %get3A_867 : vector<16xf32> to vector<16xf32>
        %mul3A_869 = vector.broadcast %squeeze3A_832 : f32 to vector<16xf32>
        %mul3A_870 = arith.mulf %mul3A_869, %get3A_868 : vector<16xf32>
        %add3A_871 = arith.addf %add3A_830, %mul3A_870 : vector<16xf32>
        %slice3A_872 = vector.extract_strided_slice %get3A_789 {offsets = [2], sizes = [1], strides = [1]} : vector<16xf32> to vector<1xf32>
        %squeeze3A_873 = vector.extract %slice3A_872[0] : f32 from vector<1xf32>
        %mul3A_874 = arith.constant 16 : i32
        %mul3A_875 = arith.muli %scan3A_780, %mul3A_874 : i32
        %add3A_876 = arith.constant 2 : i32
        %add3A_877 = arith.addi %mul3A_875, %add3A_876 : i32
        %mul3A_878 = arith.constant 128 : i32
        %mul3A_879 = arith.muli %add3A_877, %mul3A_878 : i32
        %add3A_880 = arith.addi %mul3A_879, %mul3A_46 : i32
        %add3A_881 = arith.constant 0 : i32
        %add3A_882 = arith.addi %add3A_880, %add3A_881 : i32
        %get3A_883 = arith.index_cast %add3A_882 : i32 to index
        %get3A_884 = tpu.vector_load %arg12[%get3A_883] {strides = array<i32>} : memref<24576xf32, #tpu.memory_space<vmem>>, vector<16xf32>,
        %get3A_885 = vector.shape_cast %get3A_884 : vector<16xf32> to vector<16xf32>
        %mul3A_886 = vector.broadcast %squeeze3A_873 : f32 to vector<16xf32>
        %mul3A_887 = arith.mulf %mul3A_886, %get3A_885 : vector<16xf32>
        %add3A_888 = arith.addf %add3A_847, %mul3A_887 : vector<16xf32>
        %add3A_889 = arith.constant 16 : i32
        %add3A_890 = arith.addi %add3A_880, %add3A_889 : i32
        %get3A_891 = arith.index_cast %add3A_890 : i32 to index
        %get3A_892 = tpu.vector_load %arg12[%get3A_891] {strides = array<i32>} : memref<24576xf32, #tpu.memory_space<vmem>>, vector<16xf32>,
        %get3A_893 = vector.shape_cast %get3A_892 : vector<16xf32> to vector<16xf32>
        %mul3A_894 = vector.broadcast %squeeze3A_873 : f32 to vector<16xf32>
        %mul3A_895 = arith.mulf %mul3A_894, %get3A_893 : vector<16xf32>
        %add3A_896 = arith.addf %add3A_855, %mul3A_895 : vector<16xf32>
        %add3A_897 = arith.constant 32 : i32
        %add3A_898 = arith.addi %add3A_880, %add3A_897 : i32
        %get3A_899 = arith.index_cast %add3A_898 : i32 to index
        %get3A_900 = tpu.vector_load %arg12[%get3A_899] {strides = array<i32>} : memref<24576xf32, #tpu.memory_space<vmem>>, vector<16xf32>,
        %get3A_901 = vector.shape_cast %get3A_900 : vector<16xf32> to vector<16xf32>
        %mul3A_902 = vector.broadcast %squeeze3A_873 : f32 to vector<16xf32>
        %mul3A_903 = arith.mulf %mul3A_902, %get3A_901 : vector<16xf32>
        %add3A_904 = arith.addf %add3A_863, %mul3A_903 : vector<16xf32>
        %add3A_905 = arith.constant 48 : i32
        %add3A_906 = arith.addi %add3A_880, %add3A_905 : i32
        %get3A_907 = arith.index_cast %add3A_906 : i32 to index
        %get3A_908 = tpu.vector_load %arg12[%get3A_907] {strides = array<i32>} : memref<24576xf32, #tpu.memory_space<vmem>>, vector<16xf32>,
        %get3A_909 = vector.shape_cast %get3A_908 : vector<16xf32> to vector<16xf32>
        %mul3A_910 = vector.broadcast %squeeze3A_873 : f32 to vector<16xf32>
        %mul3A_911 = arith.mulf %mul3A_910, %get3A_909 : vector<16xf32>
        %add3A_912 = arith.addf %add3A_871, %mul3A_911 : vector<16xf32>
        %slice3A_913 = vector.extract_strided_slice %get3A_789 {offsets = [3], sizes = [1], strides = [1]} : vector<16xf32> to vector<1xf32>
        %squeeze3A_914 = vector.extract %slice3A_913[0] : f32 from vector<1xf32>
        %mul3A_915 = arith.constant 16 : i32
        %mul3A_916 = arith.muli %scan3A_780, %mul3A_915 : i32
        %add3A_917 = arith.constant 3 : i32
        %add3A_918 = arith.addi %mul3A_916, %add3A_917 : i32
        %mul3A_919 = arith.constant 128 : i32
        %mul3A_920 = arith.muli %add3A_918, %mul3A_919 : i32
        %add3A_921 = arith.addi %mul3A_920, %mul3A_46 : i32
        %add3A_922 = arith.constant 0 : i32
        %add3A_923 = arith.addi %add3A_921, %add3A_922 : i32
        %get3A_924 = arith.index_cast %add3A_923 : i32 to index
        %get3A_925 = tpu.vector_load %arg12[%get3A_924] {strides = array<i32>} : memref<24576xf32, #tpu.memory_space<vmem>>, vector<16xf32>,
        %get3A_926 = vector.shape_cast %get3A_925 : vector<16xf32> to vector<16xf32>
        %mul3A_927 = vector.broadcast %squeeze3A_914 : f32 to vector<16xf32>
        %mul3A_928 = arith.mulf %mul3A_927, %get3A_926 : vector<16xf32>
        %add3A_929 = arith.addf %add3A_888, %mul3A_928 : vector<16xf32>
        %add3A_930 = arith.constant 16 : i32
        %add3A_931 = arith.addi %add3A_921, %add3A_930 : i32
        %get3A_932 = arith.index_cast %add3A_931 : i32 to index
        %get3A_933 = tpu.vector_load %arg12[%get3A_932] {strides = array<i32>} : memref<24576xf32, #tpu.memory_space<vmem>>, vector<16xf32>,
        %get3A_934 = vector.shape_cast %get3A_933 : vector<16xf32> to vector<16xf32>
        %mul3A_935 = vector.broadcast %squeeze3A_914 : f32 to vector<16xf32>
        %mul3A_936 = arith.mulf %mul3A_935, %get3A_934 : vector<16xf32>
        %add3A_937 = arith.addf %add3A_896, %mul3A_936 : vector<16xf32>
        %add3A_938 = arith.constant 32 : i32
        %add3A_939 = arith.addi %add3A_921, %add3A_938 : i32
        %get3A_940 = arith.index_cast %add3A_939 : i32 to index
        %get3A_941 = tpu.vector_load %arg12[%get3A_940] {strides = array<i32>} : memref<24576xf32, #tpu.memory_space<vmem>>, vector<16xf32>,
        %get3A_942 = vector.shape_cast %get3A_941 : vector<16xf32> to vector<16xf32>
        %mul3A_943 = vector.broadcast %squeeze3A_914 : f32 to vector<16xf32>
        %mul3A_944 = arith.mulf %mul3A_943, %get3A_942 : vector<16xf32>
        %add3A_945 = arith.addf %add3A_904, %mul3A_944 : vector<16xf32>
        %add3A_946 = arith.constant 48 : i32
        %add3A_947 = arith.addi %add3A_921, %add3A_946 : i32
        %get3A_948 = arith.index_cast %add3A_947 : i32 to index
        %get3A_949 = tpu.vector_load %arg12[%get3A_948] {strides = array<i32>} : memref<24576xf32, #tpu.memory_space<vmem>>, vector<16xf32>,
        %get3A_950 = vector.shape_cast %get3A_949 : vector<16xf32> to vector<16xf32>
        %mul3A_951 = vector.broadcast %squeeze3A_914 : f32 to vector<16xf32>
        %mul3A_952 = arith.mulf %mul3A_951, %get3A_950 : vector<16xf32>
        %add3A_953 = arith.addf %add3A_912, %mul3A_952 : vector<16xf32>
        %slice3A_954 = vector.extract_strided_slice %get3A_789 {offsets = [4], sizes = [1], strides = [1]} : vector<16xf32> to vector<1xf32>
        %squeeze3A_955 = vector.extract %slice3A_954[0] : f32 from vector<1xf32>
        %mul3A_956 = arith.constant 16 : i32
        %mul3A_957 = arith.muli %scan3A_780, %mul3A_956 : i32
        %add3A_958 = arith.constant 4 : i32
        %add3A_959 = arith.addi %mul3A_957, %add3A_958 : i32
        %mul3A_960 = arith.constant 128 : i32
        %mul3A_961 = arith.muli %add3A_959, %mul3A_960 : i32
        %add3A_962 = arith.addi %mul3A_961, %mul3A_46 : i32
        %add3A_963 = arith.constant 0 : i32
        %add3A_964 = arith.addi %add3A_962, %add3A_963 : i32
        %get3A_965 = arith.index_cast %add3A_964 : i32 to index
        %get3A_966 = tpu.vector_load %arg12[%get3A_965] {strides = array<i32>} : memref<24576xf32, #tpu.memory_space<vmem>>, vector<16xf32>,
        %get3A_967 = vector.shape_cast %get3A_966 : vector<16xf32> to vector<16xf32>
        %mul3A_968 = vector.broadcast %squeeze3A_955 : f32 to vector<16xf32>
        %mul3A_969 = arith.mulf %mul3A_968, %get3A_967 : vector<16xf32>
        %add3A_970 = arith.addf %add3A_929, %mul3A_969 : vector<16xf32>
        %add3A_971 = arith.constant 16 : i32
        %add3A_972 = arith.addi %add3A_962, %add3A_971 : i32
        %get3A_973 = arith.index_cast %add3A_972 : i32 to index
        %get3A_974 = tpu.vector_load %arg12[%get3A_973] {strides = array<i32>} : memref<24576xf32, #tpu.memory_space<vmem>>, vector<16xf32>,
        %get3A_975 = vector.shape_cast %get3A_974 : vector<16xf32> to vector<16xf32>
        %mul3A_976 = vector.broadcast %squeeze3A_955 : f32 to vector<16xf32>
        %mul3A_977 = arith.mulf %mul3A_976, %get3A_975 : vector<16xf32>
        %add3A_978 = arith.addf %add3A_937, %mul3A_977 : vector<16xf32>
        %add3A_979 = arith.constant 32 : i32
        %add3A_980 = arith.addi %add3A_962, %add3A_979 : i32
        %get3A_981 = arith.index_cast %add3A_980 : i32 to index
        %get3A_982 = tpu.vector_load %arg12[%get3A_981] {strides = array<i32>} : memref<24576xf32, #tpu.memory_space<vmem>>, vector<16xf32>,
        %get3A_983 = vector.shape_cast %get3A_982 : vector<16xf32> to vector<16xf32>
        %mul3A_984 = vector.broadcast %squeeze3A_955 : f32 to vector<16xf32>
        %mul3A_985 = arith.mulf %mul3A_984, %get3A_983 : vector<16xf32>
        %add3A_986 = arith.addf %add3A_945, %mul3A_985 : vector<16xf32>
        %add3A_987 = arith.constant 48 : i32
        %add3A_988 = arith.addi %add3A_962, %add3A_987 : i32
        %get3A_989 = arith.index_cast %add3A_988 : i32 to index
        %get3A_990 = tpu.vector_load %arg12[%get3A_989] {strides = array<i32>} : memref<24576xf32, #tpu.memory_space<vmem>>, vector<16xf32>,
        %get3A_991 = vector.shape_cast %get3A_990 : vector<16xf32> to vector<16xf32>
        %mul3A_992 = vector.broadcast %squeeze3A_955 : f32 to vector<16xf32>
        %mul3A_993 = arith.mulf %mul3A_992, %get3A_991 : vector<16xf32>
        %add3A_994 = arith.addf %add3A_953, %mul3A_993 : vector<16xf32>
        %slice3A_995 = vector.extract_strided_slice %get3A_789 {offsets = [5], sizes = [1], strides = [1]} : vector<16xf32> to vector<1xf32>
        %squeeze3A_996 = vector.extract %slice3A_995[0] : f32 from vector<1xf32>
        %mul3A_997 = arith.constant 16 : i32
        %mul3A_998 = arith.muli %scan3A_780, %mul3A_997 : i32
        %add3A_999 = arith.constant 5 : i32
        %add3A_1000 = arith.addi %mul3A_998, %add3A_999 : i32
        %mul3A_1001 = arith.constant 128 : i32
        %mul3A_1002 = arith.muli %add3A_1000, %mul3A_1001 : i32
        %add3A_1003 = arith.addi %mul3A_1002, %mul3A_46 : i32
        %add3A_1004 = arith.constant 0 : i32
        %add3A_1005 = arith.addi %add3A_1003, %add3A_1004 : i32
        %get3A_1006 = arith.index_cast %add3A_1005 : i32 to index
        %get3A_1007 = tpu.vector_load %arg12[%get3A_1006] {strides = array<i32>} : memref<24576xf32, #tpu.memory_space<vmem>>, vector<16xf32>,
        %get3A_1008 = vector.shape_cast %get3A_1007 : vector<16xf32> to vector<16xf32>
        %mul3A_1009 = vector.broadcast %squeeze3A_996 : f32 to vector<16xf32>
        %mul3A_1010 = arith.mulf %mul3A_1009, %get3A_1008 : vector<16xf32>
        %add3A_1011 = arith.addf %add3A_970, %mul3A_1010 : vector<16xf32>
        %add3A_1012 = arith.constant 16 : i32
        %add3A_1013 = arith.addi %add3A_1003, %add3A_1012 : i32
        %get3A_1014 = arith.index_cast %add3A_1013 : i32 to index
        %get3A_1015 = tpu.vector_load %arg12[%get3A_1014] {strides = array<i32>} : memref<24576xf32, #tpu.memory_space<vmem>>, vector<16xf32>,
        %get3A_1016 = vector.shape_cast %get3A_1015 : vector<16xf32> to vector<16xf32>
        %mul3A_1017 = vector.broadcast %squeeze3A_996 : f32 to vector<16xf32>
        %mul3A_1018 = arith.mulf %mul3A_1017, %get3A_1016 : vector<16xf32>
        %add3A_1019 = arith.addf %add3A_978, %mul3A_1018 : vector<16xf32>
        %add3A_1020 = arith.constant 32 : i32
        %add3A_1021 = arith.addi %add3A_1003, %add3A_1020 : i32
        %get3A_1022 = arith.index_cast %add3A_1021 : i32 to index
        %get3A_1023 = tpu.vector_load %arg12[%get3A_1022] {strides = array<i32>} : memref<24576xf32, #tpu.memory_space<vmem>>, vector<16xf32>,
        %get3A_1024 = vector.shape_cast %get3A_1023 : vector<16xf32> to vector<16xf32>
        %mul3A_1025 = vector.broadcast %squeeze3A_996 : f32 to vector<16xf32>
        %mul3A_1026 = arith.mulf %mul3A_1025, %get3A_1024 : vector<16xf32>
        %add3A_1027 = arith.addf %add3A_986, %mul3A_1026 : vector<16xf32>
        %add3A_1028 = arith.constant 48 : i32
        %add3A_1029 = arith.addi %add3A_1003, %add3A_1028 : i32
        %get3A_1030 = arith.index_cast %add3A_1029 : i32 to index
        %get3A_1031 = tpu.vector_load %arg12[%get3A_1030] {strides = array<i32>} : memref<24576xf32, #tpu.memory_space<vmem>>, vector<16xf32>,
        %get3A_1032 = vector.shape_cast %get3A_1031 : vector<16xf32> to vector<16xf32>
        %mul3A_1033 = vector.broadcast %squeeze3A_996 : f32 to vector<16xf32>
        %mul3A_1034 = arith.mulf %mul3A_1033, %get3A_1032 : vector<16xf32>
        %add3A_1035 = arith.addf %add3A_994, %mul3A_1034 : vector<16xf32>
        %slice3A_1036 = vector.extract_strided_slice %get3A_789 {offsets = [6], sizes = [1], strides = [1]} : vector<16xf32> to vector<1xf32>
        %squeeze3A_1037 = vector.extract %slice3A_1036[0] : f32 from vector<1xf32>
        %mul3A_1038 = arith.constant 16 : i32
        %mul3A_1039 = arith.muli %scan3A_780, %mul3A_1038 : i32
        %add3A_1040 = arith.constant 6 : i32
        %add3A_1041 = arith.addi %mul3A_1039, %add3A_1040 : i32
        %mul3A_1042 = arith.constant 128 : i32
        %mul3A_1043 = arith.muli %add3A_1041, %mul3A_1042 : i32
        %add3A_1044 = arith.addi %mul3A_1043, %mul3A_46 : i32
        %add3A_1045 = arith.constant 0 : i32
        %add3A_1046 = arith.addi %add3A_1044, %add3A_1045 : i32
        %get3A_1047 = arith.index_cast %add3A_1046 : i32 to index
        %get3A_1048 = tpu.vector_load %arg12[%get3A_1047] {strides = array<i32>} : memref<24576xf32, #tpu.memory_space<vmem>>, vector<16xf32>,
        %get3A_1049 = vector.shape_cast %get3A_1048 : vector<16xf32> to vector<16xf32>
        %mul3A_1050 = vector.broadcast %squeeze3A_1037 : f32 to vector<16xf32>
        %mul3A_1051 = arith.mulf %mul3A_1050, %get3A_1049 : vector<16xf32>
        %add3A_1052 = arith.addf %add3A_1011, %mul3A_1051 : vector<16xf32>
        %add3A_1053 = arith.constant 16 : i32
        %add3A_1054 = arith.addi %add3A_1044, %add3A_1053 : i32
        %get3A_1055 = arith.index_cast %add3A_1054 : i32 to index
        %get3A_1056 = tpu.vector_load %arg12[%get3A_1055] {strides = array<i32>} : memref<24576xf32, #tpu.memory_space<vmem>>, vector<16xf32>,
        %get3A_1057 = vector.shape_cast %get3A_1056 : vector<16xf32> to vector<16xf32>
        %mul3A_1058 = vector.broadcast %squeeze3A_1037 : f32 to vector<16xf32>
        %mul3A_1059 = arith.mulf %mul3A_1058, %get3A_1057 : vector<16xf32>
        %add3A_1060 = arith.addf %add3A_1019, %mul3A_1059 : vector<16xf32>
        %add3A_1061 = arith.constant 32 : i32
        %add3A_1062 = arith.addi %add3A_1044, %add3A_1061 : i32
        %get3A_1063 = arith.index_cast %add3A_1062 : i32 to index
        %get3A_1064 = tpu.vector_load %arg12[%get3A_1063] {strides = array<i32>} : memref<24576xf32, #tpu.memory_space<vmem>>, vector<16xf32>,
        %get3A_1065 = vector.shape_cast %get3A_1064 : vector<16xf32> to vector<16xf32>
        %mul3A_1066 = vector.broadcast %squeeze3A_1037 : f32 to vector<16xf32>
        %mul3A_1067 = arith.mulf %mul3A_1066, %get3A_1065 : vector<16xf32>
        %add3A_1068 = arith.addf %add3A_1027, %mul3A_1067 : vector<16xf32>
        %add3A_1069 = arith.constant 48 : i32
        %add3A_1070 = arith.addi %add3A_1044, %add3A_1069 : i32
        %get3A_1071 = arith.index_cast %add3A_1070 : i32 to index
        %get3A_1072 = tpu.vector_load %arg12[%get3A_1071] {strides = array<i32>} : memref<24576xf32, #tpu.memory_space<vmem>>, vector<16xf32>,
        %get3A_1073 = vector.shape_cast %get3A_1072 : vector<16xf32> to vector<16xf32>
        %mul3A_1074 = vector.broadcast %squeeze3A_1037 : f32 to vector<16xf32>
        %mul3A_1075 = arith.mulf %mul3A_1074, %get3A_1073 : vector<16xf32>
        %add3A_1076 = arith.addf %add3A_1035, %mul3A_1075 : vector<16xf32>
        %slice3A_1077 = vector.extract_strided_slice %get3A_789 {offsets = [7], sizes = [1], strides = [1]} : vector<16xf32> to vector<1xf32>
        %squeeze3A_1078 = vector.extract %slice3A_1077[0] : f32 from vector<1xf32>
        %mul3A_1079 = arith.constant 16 : i32
        %mul3A_1080 = arith.muli %scan3A_780, %mul3A_1079 : i32
        %add3A_1081 = arith.constant 7 : i32
        %add3A_1082 = arith.addi %mul3A_1080, %add3A_1081 : i32
        %mul3A_1083 = arith.constant 128 : i32
        %mul3A_1084 = arith.muli %add3A_1082, %mul3A_1083 : i32
        %add3A_1085 = arith.addi %mul3A_1084, %mul3A_46 : i32
        %add3A_1086 = arith.constant 0 : i32
        %add3A_1087 = arith.addi %add3A_1085, %add3A_1086 : i32
        %get3A_1088 = arith.index_cast %add3A_1087 : i32 to index
        %get3A_1089 = tpu.vector_load %arg12[%get3A_1088] {strides = array<i32>} : memref<24576xf32, #tpu.memory_space<vmem>>, vector<16xf32>,
        %get3A_1090 = vector.shape_cast %get3A_1089 : vector<16xf32> to vector<16xf32>
        %mul3A_1091 = vector.broadcast %squeeze3A_1078 : f32 to vector<16xf32>
        %mul3A_1092 = arith.mulf %mul3A_1091, %get3A_1090 : vector<16xf32>
        %add3A_1093 = arith.addf %add3A_1052, %mul3A_1092 : vector<16xf32>
        %add3A_1094 = arith.constant 16 : i32
        %add3A_1095 = arith.addi %add3A_1085, %add3A_1094 : i32
        %get3A_1096 = arith.index_cast %add3A_1095 : i32 to index
        %get3A_1097 = tpu.vector_load %arg12[%get3A_1096] {strides = array<i32>} : memref<24576xf32, #tpu.memory_space<vmem>>, vector<16xf32>,
        %get3A_1098 = vector.shape_cast %get3A_1097 : vector<16xf32> to vector<16xf32>
        %mul3A_1099 = vector.broadcast %squeeze3A_1078 : f32 to vector<16xf32>
        %mul3A_1100 = arith.mulf %mul3A_1099, %get3A_1098 : vector<16xf32>
        %add3A_1101 = arith.addf %add3A_1060, %mul3A_1100 : vector<16xf32>
        %add3A_1102 = arith.constant 32 : i32
        %add3A_1103 = arith.addi %add3A_1085, %add3A_1102 : i32
        %get3A_1104 = arith.index_cast %add3A_1103 : i32 to index
        %get3A_1105 = tpu.vector_load %arg12[%get3A_1104] {strides = array<i32>} : memref<24576xf32, #tpu.memory_space<vmem>>, vector<16xf32>,
        %get3A_1106 = vector.shape_cast %get3A_1105 : vector<16xf32> to vector<16xf32>
        %mul3A_1107 = vector.broadcast %squeeze3A_1078 : f32 to vector<16xf32>
        %mul3A_1108 = arith.mulf %mul3A_1107, %get3A_1106 : vector<16xf32>
        %add3A_1109 = arith.addf %add3A_1068, %mul3A_1108 : vector<16xf32>
        %add3A_1110 = arith.constant 48 : i32
        %add3A_1111 = arith.addi %add3A_1085, %add3A_1110 : i32
        %get3A_1112 = arith.index_cast %add3A_1111 : i32 to index
        %get3A_1113 = tpu.vector_load %arg12[%get3A_1112] {strides = array<i32>} : memref<24576xf32, #tpu.memory_space<vmem>>, vector<16xf32>,
        %get3A_1114 = vector.shape_cast %get3A_1113 : vector<16xf32> to vector<16xf32>
        %mul3A_1115 = vector.broadcast %squeeze3A_1078 : f32 to vector<16xf32>
        %mul3A_1116 = arith.mulf %mul3A_1115, %get3A_1114 : vector<16xf32>
        %add3A_1117 = arith.addf %add3A_1076, %mul3A_1116 : vector<16xf32>
        %slice3A_1118 = vector.extract_strided_slice %get3A_789 {offsets = [8], sizes = [1], strides = [1]} : vector<16xf32> to vector<1xf32>
        %squeeze3A_1119 = vector.extract %slice3A_1118[0] : f32 from vector<1xf32>
        %mul3A_1120 = arith.constant 16 : i32
        %mul3A_1121 = arith.muli %scan3A_780, %mul3A_1120 : i32
        %add3A_1122 = arith.constant 8 : i32
        %add3A_1123 = arith.addi %mul3A_1121, %add3A_1122 : i32
        %mul3A_1124 = arith.constant 128 : i32
        %mul3A_1125 = arith.muli %add3A_1123, %mul3A_1124 : i32
        %add3A_1126 = arith.addi %mul3A_1125, %mul3A_46 : i32
        %add3A_1127 = arith.constant 0 : i32
        %add3A_1128 = arith.addi %add3A_1126, %add3A_1127 : i32
        %get3A_1129 = arith.index_cast %add3A_1128 : i32 to index
        %get3A_1130 = tpu.vector_load %arg12[%get3A_1129] {strides = array<i32>} : memref<24576xf32, #tpu.memory_space<vmem>>, vector<16xf32>,
        %get3A_1131 = vector.shape_cast %get3A_1130 : vector<16xf32> to vector<16xf32>
        %mul3A_1132 = vector.broadcast %squeeze3A_1119 : f32 to vector<16xf32>
        %mul3A_1133 = arith.mulf %mul3A_1132, %get3A_1131 : vector<16xf32>
        %add3A_1134 = arith.addf %add3A_1093, %mul3A_1133 : vector<16xf32>
        %add3A_1135 = arith.constant 16 : i32
        %add3A_1136 = arith.addi %add3A_1126, %add3A_1135 : i32
        %get3A_1137 = arith.index_cast %add3A_1136 : i32 to index
        %get3A_1138 = tpu.vector_load %arg12[%get3A_1137] {strides = array<i32>} : memref<24576xf32, #tpu.memory_space<vmem>>, vector<16xf32>,
        %get3A_1139 = vector.shape_cast %get3A_1138 : vector<16xf32> to vector<16xf32>
        %mul3A_1140 = vector.broadcast %squeeze3A_1119 : f32 to vector<16xf32>
        %mul3A_1141 = arith.mulf %mul3A_1140, %get3A_1139 : vector<16xf32>
        %add3A_1142 = arith.addf %add3A_1101, %mul3A_1141 : vector<16xf32>
        %add3A_1143 = arith.constant 32 : i32
        %add3A_1144 = arith.addi %add3A_1126, %add3A_1143 : i32
        %get3A_1145 = arith.index_cast %add3A_1144 : i32 to index
        %get3A_1146 = tpu.vector_load %arg12[%get3A_1145] {strides = array<i32>} : memref<24576xf32, #tpu.memory_space<vmem>>, vector<16xf32>,
        %get3A_1147 = vector.shape_cast %get3A_1146 : vector<16xf32> to vector<16xf32>
        %mul3A_1148 = vector.broadcast %squeeze3A_1119 : f32 to vector<16xf32>
        %mul3A_1149 = arith.mulf %mul3A_1148, %get3A_1147 : vector<16xf32>
        %add3A_1150 = arith.addf %add3A_1109, %mul3A_1149 : vector<16xf32>
        %add3A_1151 = arith.constant 48 : i32
        %add3A_1152 = arith.addi %add3A_1126, %add3A_1151 : i32
        %get3A_1153 = arith.index_cast %add3A_1152 : i32 to index
        %get3A_1154 = tpu.vector_load %arg12[%get3A_1153] {strides = array<i32>} : memref<24576xf32, #tpu.memory_space<vmem>>, vector<16xf32>,
        %get3A_1155 = vector.shape_cast %get3A_1154 : vector<16xf32> to vector<16xf32>
        %mul3A_1156 = vector.broadcast %squeeze3A_1119 : f32 to vector<16xf32>
        %mul3A_1157 = arith.mulf %mul3A_1156, %get3A_1155 : vector<16xf32>
        %add3A_1158 = arith.addf %add3A_1117, %mul3A_1157 : vector<16xf32>
        %slice3A_1159 = vector.extract_strided_slice %get3A_789 {offsets = [9], sizes = [1], strides = [1]} : vector<16xf32> to vector<1xf32>
        %squeeze3A_1160 = vector.extract %slice3A_1159[0] : f32 from vector<1xf32>
        %mul3A_1161 = arith.constant 16 : i32
        %mul3A_1162 = arith.muli %scan3A_780, %mul3A_1161 : i32
        %add3A_1163 = arith.constant 9 : i32
        %add3A_1164 = arith.addi %mul3A_1162, %add3A_1163 : i32
        %mul3A_1165 = arith.constant 128 : i32
        %mul3A_1166 = arith.muli %add3A_1164, %mul3A_1165 : i32
        %add3A_1167 = arith.addi %mul3A_1166, %mul3A_46 : i32
        %add3A_1168 = arith.constant 0 : i32
        %add3A_1169 = arith.addi %add3A_1167, %add3A_1168 : i32
        %get3A_1170 = arith.index_cast %add3A_1169 : i32 to index
        %get3A_1171 = tpu.vector_load %arg12[%get3A_1170] {strides = array<i32>} : memref<24576xf32, #tpu.memory_space<vmem>>, vector<16xf32>,
        %get3A_1172 = vector.shape_cast %get3A_1171 : vector<16xf32> to vector<16xf32>
        %mul3A_1173 = vector.broadcast %squeeze3A_1160 : f32 to vector<16xf32>
        %mul3A_1174 = arith.mulf %mul3A_1173, %get3A_1172 : vector<16xf32>
        %add3A_1175 = arith.addf %add3A_1134, %mul3A_1174 : vector<16xf32>
        %add3A_1176 = arith.constant 16 : i32
        %add3A_1177 = arith.addi %add3A_1167, %add3A_1176 : i32
        %get3A_1178 = arith.index_cast %add3A_1177 : i32 to index
        %get3A_1179 = tpu.vector_load %arg12[%get3A_1178] {strides = array<i32>} : memref<24576xf32, #tpu.memory_space<vmem>>, vector<16xf32>,
        %get3A_1180 = vector.shape_cast %get3A_1179 : vector<16xf32> to vector<16xf32>
        %mul3A_1181 = vector.broadcast %squeeze3A_1160 : f32 to vector<16xf32>
        %mul3A_1182 = arith.mulf %mul3A_1181, %get3A_1180 : vector<16xf32>
        %add3A_1183 = arith.addf %add3A_1142, %mul3A_1182 : vector<16xf32>
        %add3A_1184 = arith.constant 32 : i32
        %add3A_1185 = arith.addi %add3A_1167, %add3A_1184 : i32
        %get3A_1186 = arith.index_cast %add3A_1185 : i32 to index
        %get3A_1187 = tpu.vector_load %arg12[%get3A_1186] {strides = array<i32>} : memref<24576xf32, #tpu.memory_space<vmem>>, vector<16xf32>,
        %get3A_1188 = vector.shape_cast %get3A_1187 : vector<16xf32> to vector<16xf32>
        %mul3A_1189 = vector.broadcast %squeeze3A_1160 : f32 to vector<16xf32>
        %mul3A_1190 = arith.mulf %mul3A_1189, %get3A_1188 : vector<16xf32>
        %add3A_1191 = arith.addf %add3A_1150, %mul3A_1190 : vector<16xf32>
        %add3A_1192 = arith.constant 48 : i32
        %add3A_1193 = arith.addi %add3A_1167, %add3A_1192 : i32
        %get3A_1194 = arith.index_cast %add3A_1193 : i32 to index
        %get3A_1195 = tpu.vector_load %arg12[%get3A_1194] {strides = array<i32>} : memref<24576xf32, #tpu.memory_space<vmem>>, vector<16xf32>,
        %get3A_1196 = vector.shape_cast %get3A_1195 : vector<16xf32> to vector<16xf32>
        %mul3A_1197 = vector.broadcast %squeeze3A_1160 : f32 to vector<16xf32>
        %mul3A_1198 = arith.mulf %mul3A_1197, %get3A_1196 : vector<16xf32>
        %add3A_1199 = arith.addf %add3A_1158, %mul3A_1198 : vector<16xf32>
        %slice3A_1200 = vector.extract_strided_slice %get3A_789 {offsets = [10], sizes = [1], strides = [1]} : vector<16xf32> to vector<1xf32>
        %squeeze3A_1201 = vector.extract %slice3A_1200[0] : f32 from vector<1xf32>
        %mul3A_1202 = arith.constant 16 : i32
        %mul3A_1203 = arith.muli %scan3A_780, %mul3A_1202 : i32
        %add3A_1204 = arith.constant 10 : i32
        %add3A_1205 = arith.addi %mul3A_1203, %add3A_1204 : i32
        %mul3A_1206 = arith.constant 128 : i32
        %mul3A_1207 = arith.muli %add3A_1205, %mul3A_1206 : i32
        %add3A_1208 = arith.addi %mul3A_1207, %mul3A_46 : i32
        %add3A_1209 = arith.constant 0 : i32
        %add3A_1210 = arith.addi %add3A_1208, %add3A_1209 : i32
        %get3A_1211 = arith.index_cast %add3A_1210 : i32 to index
        %get3A_1212 = tpu.vector_load %arg12[%get3A_1211] {strides = array<i32>} : memref<24576xf32, #tpu.memory_space<vmem>>, vector<16xf32>,
        %get3A_1213 = vector.shape_cast %get3A_1212 : vector<16xf32> to vector<16xf32>
        %mul3A_1214 = vector.broadcast %squeeze3A_1201 : f32 to vector<16xf32>
        %mul3A_1215 = arith.mulf %mul3A_1214, %get3A_1213 : vector<16xf32>
        %add3A_1216 = arith.addf %add3A_1175, %mul3A_1215 : vector<16xf32>
        %add3A_1217 = arith.constant 16 : i32
        %add3A_1218 = arith.addi %add3A_1208, %add3A_1217 : i32
        %get3A_1219 = arith.index_cast %add3A_1218 : i32 to index
        %get3A_1220 = tpu.vector_load %arg12[%get3A_1219] {strides = array<i32>} : memref<24576xf32, #tpu.memory_space<vmem>>, vector<16xf32>,
        %get3A_1221 = vector.shape_cast %get3A_1220 : vector<16xf32> to vector<16xf32>
        %mul3A_1222 = vector.broadcast %squeeze3A_1201 : f32 to vector<16xf32>
        %mul3A_1223 = arith.mulf %mul3A_1222, %get3A_1221 : vector<16xf32>
        %add3A_1224 = arith.addf %add3A_1183, %mul3A_1223 : vector<16xf32>
        %add3A_1225 = arith.constant 32 : i32
        %add3A_1226 = arith.addi %add3A_1208, %add3A_1225 : i32
        %get3A_1227 = arith.index_cast %add3A_1226 : i32 to index
        %get3A_1228 = tpu.vector_load %arg12[%get3A_1227] {strides = array<i32>} : memref<24576xf32, #tpu.memory_space<vmem>>, vector<16xf32>,
        %get3A_1229 = vector.shape_cast %get3A_1228 : vector<16xf32> to vector<16xf32>
        %mul3A_1230 = vector.broadcast %squeeze3A_1201 : f32 to vector<16xf32>
        %mul3A_1231 = arith.mulf %mul3A_1230, %get3A_1229 : vector<16xf32>
        %add3A_1232 = arith.addf %add3A_1191, %mul3A_1231 : vector<16xf32>
        %add3A_1233 = arith.constant 48 : i32
        %add3A_1234 = arith.addi %add3A_1208, %add3A_1233 : i32
        %get3A_1235 = arith.index_cast %add3A_1234 : i32 to index
        %get3A_1236 = tpu.vector_load %arg12[%get3A_1235] {strides = array<i32>} : memref<24576xf32, #tpu.memory_space<vmem>>, vector<16xf32>,
        %get3A_1237 = vector.shape_cast %get3A_1236 : vector<16xf32> to vector<16xf32>
        %mul3A_1238 = vector.broadcast %squeeze3A_1201 : f32 to vector<16xf32>
        %mul3A_1239 = arith.mulf %mul3A_1238, %get3A_1237 : vector<16xf32>
        %add3A_1240 = arith.addf %add3A_1199, %mul3A_1239 : vector<16xf32>
        %slice3A_1241 = vector.extract_strided_slice %get3A_789 {offsets = [11], sizes = [1], strides = [1]} : vector<16xf32> to vector<1xf32>
        %squeeze3A_1242 = vector.extract %slice3A_1241[0] : f32 from vector<1xf32>
        %mul3A_1243 = arith.constant 16 : i32
        %mul3A_1244 = arith.muli %scan3A_780, %mul3A_1243 : i32
        %add3A_1245 = arith.constant 11 : i32
        %add3A_1246 = arith.addi %mul3A_1244, %add3A_1245 : i32
        %mul3A_1247 = arith.constant 128 : i32
        %mul3A_1248 = arith.muli %add3A_1246, %mul3A_1247 : i32
        %add3A_1249 = arith.addi %mul3A_1248, %mul3A_46 : i32
        %add3A_1250 = arith.constant 0 : i32
        %add3A_1251 = arith.addi %add3A_1249, %add3A_1250 : i32
        %get3A_1252 = arith.index_cast %add3A_1251 : i32 to index
        %get3A_1253 = tpu.vector_load %arg12[%get3A_1252] {strides = array<i32>} : memref<24576xf32, #tpu.memory_space<vmem>>, vector<16xf32>,
        %get3A_1254 = vector.shape_cast %get3A_1253 : vector<16xf32> to vector<16xf32>
        %mul3A_1255 = vector.broadcast %squeeze3A_1242 : f32 to vector<16xf32>
        %mul3A_1256 = arith.mulf %mul3A_1255, %get3A_1254 : vector<16xf32>
        %add3A_1257 = arith.addf %add3A_1216, %mul3A_1256 : vector<16xf32>
        %add3A_1258 = arith.constant 16 : i32
        %add3A_1259 = arith.addi %add3A_1249, %add3A_1258 : i32
        %get3A_1260 = arith.index_cast %add3A_1259 : i32 to index
        %get3A_1261 = tpu.vector_load %arg12[%get3A_1260] {strides = array<i32>} : memref<24576xf32, #tpu.memory_space<vmem>>, vector<16xf32>,
        %get3A_1262 = vector.shape_cast %get3A_1261 : vector<16xf32> to vector<16xf32>
        %mul3A_1263 = vector.broadcast %squeeze3A_1242 : f32 to vector<16xf32>
        %mul3A_1264 = arith.mulf %mul3A_1263, %get3A_1262 : vector<16xf32>
        %add3A_1265 = arith.addf %add3A_1224, %mul3A_1264 : vector<16xf32>
        %add3A_1266 = arith.constant 32 : i32
        %add3A_1267 = arith.addi %add3A_1249, %add3A_1266 : i32
        %get3A_1268 = arith.index_cast %add3A_1267 : i32 to index
        %get3A_1269 = tpu.vector_load %arg12[%get3A_1268] {strides = array<i32>} : memref<24576xf32, #tpu.memory_space<vmem>>, vector<16xf32>,
        %get3A_1270 = vector.shape_cast %get3A_1269 : vector<16xf32> to vector<16xf32>
        %mul3A_1271 = vector.broadcast %squeeze3A_1242 : f32 to vector<16xf32>
        %mul3A_1272 = arith.mulf %mul3A_1271, %get3A_1270 : vector<16xf32>
        %add3A_1273 = arith.addf %add3A_1232, %mul3A_1272 : vector<16xf32>
        %add3A_1274 = arith.constant 48 : i32
        %add3A_1275 = arith.addi %add3A_1249, %add3A_1274 : i32
        %get3A_1276 = arith.index_cast %add3A_1275 : i32 to index
        %get3A_1277 = tpu.vector_load %arg12[%get3A_1276] {strides = array<i32>} : memref<24576xf32, #tpu.memory_space<vmem>>, vector<16xf32>,
        %get3A_1278 = vector.shape_cast %get3A_1277 : vector<16xf32> to vector<16xf32>
        %mul3A_1279 = vector.broadcast %squeeze3A_1242 : f32 to vector<16xf32>
        %mul3A_1280 = arith.mulf %mul3A_1279, %get3A_1278 : vector<16xf32>
        %add3A_1281 = arith.addf %add3A_1240, %mul3A_1280 : vector<16xf32>
        %slice3A_1282 = vector.extract_strided_slice %get3A_789 {offsets = [12], sizes = [1], strides = [1]} : vector<16xf32> to vector<1xf32>
        %squeeze3A_1283 = vector.extract %slice3A_1282[0] : f32 from vector<1xf32>
        %mul3A_1284 = arith.constant 16 : i32
        %mul3A_1285 = arith.muli %scan3A_780, %mul3A_1284 : i32
        %add3A_1286 = arith.constant 12 : i32
        %add3A_1287 = arith.addi %mul3A_1285, %add3A_1286 : i32
        %mul3A_1288 = arith.constant 128 : i32
        %mul3A_1289 = arith.muli %add3A_1287, %mul3A_1288 : i32
        %add3A_1290 = arith.addi %mul3A_1289, %mul3A_46 : i32
        %add3A_1291 = arith.constant 0 : i32
        %add3A_1292 = arith.addi %add3A_1290, %add3A_1291 : i32
        %get3A_1293 = arith.index_cast %add3A_1292 : i32 to index
        %get3A_1294 = tpu.vector_load %arg12[%get3A_1293] {strides = array<i32>} : memref<24576xf32, #tpu.memory_space<vmem>>, vector<16xf32>,
        %get3A_1295 = vector.shape_cast %get3A_1294 : vector<16xf32> to vector<16xf32>
        %mul3A_1296 = vector.broadcast %squeeze3A_1283 : f32 to vector<16xf32>
        %mul3A_1297 = arith.mulf %mul3A_1296, %get3A_1295 : vector<16xf32>
        %add3A_1298 = arith.addf %add3A_1257, %mul3A_1297 : vector<16xf32>
        %add3A_1299 = arith.constant 16 : i32
        %add3A_1300 = arith.addi %add3A_1290, %add3A_1299 : i32
        %get3A_1301 = arith.index_cast %add3A_1300 : i32 to index
        %get3A_1302 = tpu.vector_load %arg12[%get3A_1301] {strides = array<i32>} : memref<24576xf32, #tpu.memory_space<vmem>>, vector<16xf32>,
        %get3A_1303 = vector.shape_cast %get3A_1302 : vector<16xf32> to vector<16xf32>
        %mul3A_1304 = vector.broadcast %squeeze3A_1283 : f32 to vector<16xf32>
        %mul3A_1305 = arith.mulf %mul3A_1304, %get3A_1303 : vector<16xf32>
        %add3A_1306 = arith.addf %add3A_1265, %mul3A_1305 : vector<16xf32>
        %add3A_1307 = arith.constant 32 : i32
        %add3A_1308 = arith.addi %add3A_1290, %add3A_1307 : i32
        %get3A_1309 = arith.index_cast %add3A_1308 : i32 to index
        %get3A_1310 = tpu.vector_load %arg12[%get3A_1309] {strides = array<i32>} : memref<24576xf32, #tpu.memory_space<vmem>>, vector<16xf32>,
        %get3A_1311 = vector.shape_cast %get3A_1310 : vector<16xf32> to vector<16xf32>
        %mul3A_1312 = vector.broadcast %squeeze3A_1283 : f32 to vector<16xf32>
        %mul3A_1313 = arith.mulf %mul3A_1312, %get3A_1311 : vector<16xf32>
        %add3A_1314 = arith.addf %add3A_1273, %mul3A_1313 : vector<16xf32>
        %add3A_1315 = arith.constant 48 : i32
        %add3A_1316 = arith.addi %add3A_1290, %add3A_1315 : i32
        %get3A_1317 = arith.index_cast %add3A_1316 : i32 to index
        %get3A_1318 = tpu.vector_load %arg12[%get3A_1317] {strides = array<i32>} : memref<24576xf32, #tpu.memory_space<vmem>>, vector<16xf32>,
        %get3A_1319 = vector.shape_cast %get3A_1318 : vector<16xf32> to vector<16xf32>
        %mul3A_1320 = vector.broadcast %squeeze3A_1283 : f32 to vector<16xf32>
        %mul3A_1321 = arith.mulf %mul3A_1320, %get3A_1319 : vector<16xf32>
        %add3A_1322 = arith.addf %add3A_1281, %mul3A_1321 : vector<16xf32>
        %slice3A_1323 = vector.extract_strided_slice %get3A_789 {offsets = [13], sizes = [1], strides = [1]} : vector<16xf32> to vector<1xf32>
        %squeeze3A_1324 = vector.extract %slice3A_1323[0] : f32 from vector<1xf32>
        %mul3A_1325 = arith.constant 16 : i32
        %mul3A_1326 = arith.muli %scan3A_780, %mul3A_1325 : i32
        %add3A_1327 = arith.constant 13 : i32
        %add3A_1328 = arith.addi %mul3A_1326, %add3A_1327 : i32
        %mul3A_1329 = arith.constant 128 : i32
        %mul3A_1330 = arith.muli %add3A_1328, %mul3A_1329 : i32
        %add3A_1331 = arith.addi %mul3A_1330, %mul3A_46 : i32
        %add3A_1332 = arith.constant 0 : i32
        %add3A_1333 = arith.addi %add3A_1331, %add3A_1332 : i32
        %get3A_1334 = arith.index_cast %add3A_1333 : i32 to index
        %get3A_1335 = tpu.vector_load %arg12[%get3A_1334] {strides = array<i32>} : memref<24576xf32, #tpu.memory_space<vmem>>, vector<16xf32>,
        %get3A_1336 = vector.shape_cast %get3A_1335 : vector<16xf32> to vector<16xf32>
        %mul3A_1337 = vector.broadcast %squeeze3A_1324 : f32 to vector<16xf32>
        %mul3A_1338 = arith.mulf %mul3A_1337, %get3A_1336 : vector<16xf32>
        %add3A_1339 = arith.addf %add3A_1298, %mul3A_1338 : vector<16xf32>
        %add3A_1340 = arith.constant 16 : i32
        %add3A_1341 = arith.addi %add3A_1331, %add3A_1340 : i32
        %get3A_1342 = arith.index_cast %add3A_1341 : i32 to index
        %get3A_1343 = tpu.vector_load %arg12[%get3A_1342] {strides = array<i32>} : memref<24576xf32, #tpu.memory_space<vmem>>, vector<16xf32>,
        %get3A_1344 = vector.shape_cast %get3A_1343 : vector<16xf32> to vector<16xf32>
        %mul3A_1345 = vector.broadcast %squeeze3A_1324 : f32 to vector<16xf32>
        %mul3A_1346 = arith.mulf %mul3A_1345, %get3A_1344 : vector<16xf32>
        %add3A_1347 = arith.addf %add3A_1306, %mul3A_1346 : vector<16xf32>
        %add3A_1348 = arith.constant 32 : i32
        %add3A_1349 = arith.addi %add3A_1331, %add3A_1348 : i32
        %get3A_1350 = arith.index_cast %add3A_1349 : i32 to index
        %get3A_1351 = tpu.vector_load %arg12[%get3A_1350] {strides = array<i32>} : memref<24576xf32, #tpu.memory_space<vmem>>, vector<16xf32>,
        %get3A_1352 = vector.shape_cast %get3A_1351 : vector<16xf32> to vector<16xf32>
        %mul3A_1353 = vector.broadcast %squeeze3A_1324 : f32 to vector<16xf32>
        %mul3A_1354 = arith.mulf %mul3A_1353, %get3A_1352 : vector<16xf32>
        %add3A_1355 = arith.addf %add3A_1314, %mul3A_1354 : vector<16xf32>
        %add3A_1356 = arith.constant 48 : i32
        %add3A_1357 = arith.addi %add3A_1331, %add3A_1356 : i32
        %get3A_1358 = arith.index_cast %add3A_1357 : i32 to index
        %get3A_1359 = tpu.vector_load %arg12[%get3A_1358] {strides = array<i32>} : memref<24576xf32, #tpu.memory_space<vmem>>, vector<16xf32>,
        %get3A_1360 = vector.shape_cast %get3A_1359 : vector<16xf32> to vector<16xf32>
        %mul3A_1361 = vector.broadcast %squeeze3A_1324 : f32 to vector<16xf32>
        %mul3A_1362 = arith.mulf %mul3A_1361, %get3A_1360 : vector<16xf32>
        %add3A_1363 = arith.addf %add3A_1322, %mul3A_1362 : vector<16xf32>
        %slice3A_1364 = vector.extract_strided_slice %get3A_789 {offsets = [14], sizes = [1], strides = [1]} : vector<16xf32> to vector<1xf32>
        %squeeze3A_1365 = vector.extract %slice3A_1364[0] : f32 from vector<1xf32>
        %mul3A_1366 = arith.constant 16 : i32
        %mul3A_1367 = arith.muli %scan3A_780, %mul3A_1366 : i32
        %add3A_1368 = arith.constant 14 : i32
        %add3A_1369 = arith.addi %mul3A_1367, %add3A_1368 : i32
        %mul3A_1370 = arith.constant 128 : i32
        %mul3A_1371 = arith.muli %add3A_1369, %mul3A_1370 : i32
        %add3A_1372 = arith.addi %mul3A_1371, %mul3A_46 : i32
        %add3A_1373 = arith.constant 0 : i32
        %add3A_1374 = arith.addi %add3A_1372, %add3A_1373 : i32
        %get3A_1375 = arith.index_cast %add3A_1374 : i32 to index
        %get3A_1376 = tpu.vector_load %arg12[%get3A_1375] {strides = array<i32>} : memref<24576xf32, #tpu.memory_space<vmem>>, vector<16xf32>,
        %get3A_1377 = vector.shape_cast %get3A_1376 : vector<16xf32> to vector<16xf32>
        %mul3A_1378 = vector.broadcast %squeeze3A_1365 : f32 to vector<16xf32>
        %mul3A_1379 = arith.mulf %mul3A_1378, %get3A_1377 : vector<16xf32>
        %add3A_1380 = arith.addf %add3A_1339, %mul3A_1379 : vector<16xf32>
        %add3A_1381 = arith.constant 16 : i32
        %add3A_1382 = arith.addi %add3A_1372, %add3A_1381 : i32
        %get3A_1383 = arith.index_cast %add3A_1382 : i32 to index
        %get3A_1384 = tpu.vector_load %arg12[%get3A_1383] {strides = array<i32>} : memref<24576xf32, #tpu.memory_space<vmem>>, vector<16xf32>,
        %get3A_1385 = vector.shape_cast %get3A_1384 : vector<16xf32> to vector<16xf32>
        %mul3A_1386 = vector.broadcast %squeeze3A_1365 : f32 to vector<16xf32>
        %mul3A_1387 = arith.mulf %mul3A_1386, %get3A_1385 : vector<16xf32>
        %add3A_1388 = arith.addf %add3A_1347, %mul3A_1387 : vector<16xf32>
        %add3A_1389 = arith.constant 32 : i32
        %add3A_1390 = arith.addi %add3A_1372, %add3A_1389 : i32
        %get3A_1391 = arith.index_cast %add3A_1390 : i32 to index
        %get3A_1392 = tpu.vector_load %arg12[%get3A_1391] {strides = array<i32>} : memref<24576xf32, #tpu.memory_space<vmem>>, vector<16xf32>,
        %get3A_1393 = vector.shape_cast %get3A_1392 : vector<16xf32> to vector<16xf32>
        %mul3A_1394 = vector.broadcast %squeeze3A_1365 : f32 to vector<16xf32>
        %mul3A_1395 = arith.mulf %mul3A_1394, %get3A_1393 : vector<16xf32>
        %add3A_1396 = arith.addf %add3A_1355, %mul3A_1395 : vector<16xf32>
        %add3A_1397 = arith.constant 48 : i32
        %add3A_1398 = arith.addi %add3A_1372, %add3A_1397 : i32
        %get3A_1399 = arith.index_cast %add3A_1398 : i32 to index
        %get3A_1400 = tpu.vector_load %arg12[%get3A_1399] {strides = array<i32>} : memref<24576xf32, #tpu.memory_space<vmem>>, vector<16xf32>,
        %get3A_1401 = vector.shape_cast %get3A_1400 : vector<16xf32> to vector<16xf32>
        %mul3A_1402 = vector.broadcast %squeeze3A_1365 : f32 to vector<16xf32>
        %mul3A_1403 = arith.mulf %mul3A_1402, %get3A_1401 : vector<16xf32>
        %add3A_1404 = arith.addf %add3A_1363, %mul3A_1403 : vector<16xf32>
        %slice3A_1405 = vector.extract_strided_slice %get3A_789 {offsets = [15], sizes = [1], strides = [1]} : vector<16xf32> to vector<1xf32>
        %squeeze3A_1406 = vector.extract %slice3A_1405[0] : f32 from vector<1xf32>
        %mul3A_1407 = arith.constant 16 : i32
        %mul3A_1408 = arith.muli %scan3A_780, %mul3A_1407 : i32
        %add3A_1409 = arith.constant 15 : i32
        %add3A_1410 = arith.addi %mul3A_1408, %add3A_1409 : i32
        %mul3A_1411 = arith.constant 128 : i32
        %mul3A_1412 = arith.muli %add3A_1410, %mul3A_1411 : i32
        %add3A_1413 = arith.addi %mul3A_1412, %mul3A_46 : i32
        %add3A_1414 = arith.constant 0 : i32
        %add3A_1415 = arith.addi %add3A_1413, %add3A_1414 : i32
        %get3A_1416 = arith.index_cast %add3A_1415 : i32 to index
        %get3A_1417 = tpu.vector_load %arg12[%get3A_1416] {strides = array<i32>} : memref<24576xf32, #tpu.memory_space<vmem>>, vector<16xf32>,
        %get3A_1418 = vector.shape_cast %get3A_1417 : vector<16xf32> to vector<16xf32>
        %mul3A_1419 = vector.broadcast %squeeze3A_1406 : f32 to vector<16xf32>
        %mul3A_1420 = arith.mulf %mul3A_1419, %get3A_1418 : vector<16xf32>
        %add3A_1421 = arith.addf %add3A_1380, %mul3A_1420 : vector<16xf32>
        %add3A_1422 = arith.constant 16 : i32
        %add3A_1423 = arith.addi %add3A_1413, %add3A_1422 : i32
        %get3A_1424 = arith.index_cast %add3A_1423 : i32 to index
        %get3A_1425 = tpu.vector_load %arg12[%get3A_1424] {strides = array<i32>} : memref<24576xf32, #tpu.memory_space<vmem>>, vector<16xf32>,
        %get3A_1426 = vector.shape_cast %get3A_1425 : vector<16xf32> to vector<16xf32>
        %mul3A_1427 = vector.broadcast %squeeze3A_1406 : f32 to vector<16xf32>
        %mul3A_1428 = arith.mulf %mul3A_1427, %get3A_1426 : vector<16xf32>
        %add3A_1429 = arith.addf %add3A_1388, %mul3A_1428 : vector<16xf32>
        %add3A_1430 = arith.constant 32 : i32
        %add3A_1431 = arith.addi %add3A_1413, %add3A_1430 : i32
        %get3A_1432 = arith.index_cast %add3A_1431 : i32 to index
        %get3A_1433 = tpu.vector_load %arg12[%get3A_1432] {strides = array<i32>} : memref<24576xf32, #tpu.memory_space<vmem>>, vector<16xf32>,
        %get3A_1434 = vector.shape_cast %get3A_1433 : vector<16xf32> to vector<16xf32>
        %mul3A_1435 = vector.broadcast %squeeze3A_1406 : f32 to vector<16xf32>
        %mul3A_1436 = arith.mulf %mul3A_1435, %get3A_1434 : vector<16xf32>
        %add3A_1437 = arith.addf %add3A_1396, %mul3A_1436 : vector<16xf32>
        %add3A_1438 = arith.constant 48 : i32
        %add3A_1439 = arith.addi %add3A_1413, %add3A_1438 : i32
        %get3A_1440 = arith.index_cast %add3A_1439 : i32 to index
        %get3A_1441 = tpu.vector_load %arg12[%get3A_1440] {strides = array<i32>} : memref<24576xf32, #tpu.memory_space<vmem>>, vector<16xf32>,
        %get3A_1442 = vector.shape_cast %get3A_1441 : vector<16xf32> to vector<16xf32>
        %mul3A_1443 = vector.broadcast %squeeze3A_1406 : f32 to vector<16xf32>
        %mul3A_1444 = arith.mulf %mul3A_1443, %get3A_1442 : vector<16xf32>
        %add3A_1445 = arith.addf %add3A_1404, %mul3A_1444 : vector<16xf32>
        scf.yield %add3A_1421, %add3A_1429, %add3A_1437, %add3A_1445 : vector<16xf32>, vector<16xf32>, vector<16xf32>, vector<16xf32>
      }
      %scan3A_237 = arith.constant 12 : i32
      %max3A_238 = arith.constant 0.000000e+00 : f32
      %max3A_239 = vector.broadcast %max3A_238 : f32 to vector<16xf32>
      %max3A_240 = arith.maximumf %scan3A_236#0, %max3A_239 : vector<16xf32>
      %max3A_241 = arith.constant 0.000000e+00 : f32
      %max3A_242 = vector.broadcast %max3A_241 : f32 to vector<16xf32>
      %max3A_243 = arith.maximumf %scan3A_236#1, %max3A_242 : vector<16xf32>
      %max3A_244 = arith.constant 0.000000e+00 : f32
      %max3A_245 = vector.broadcast %max3A_244 : f32 to vector<16xf32>
      %max3A_246 = arith.maximumf %scan3A_236#2, %max3A_245 : vector<16xf32>
      %max3A_247 = arith.constant 0.000000e+00 : f32
      %max3A_248 = vector.broadcast %max3A_247 : f32 to vector<16xf32>
      %max3A_249 = arith.maximumf %scan3A_236#3, %max3A_248 : vector<16xf32>
      %swap3A_250 = arith.constant 192 : index
      %swap3A_251 = tpu.vector_load %arg19[%swap3A_250] {strides = array<i32>} : memref<288xf32, #tpu.memory_space<vmem>>, vector<16xf32>,
      %swap3A_252 = vector.shape_cast %swap3A_251 : vector<16xf32> to vector<16xf32>
      %swap3A_253 = vector.shape_cast %max3A_240 : vector<16xf32> to vector<16xf32>
      tpu.vector_store %arg19[%swap3A_250], %swap3A_253 {strides = array<i32>} : memref<288xf32, #tpu.memory_space<vmem>>, vector<16xf32>,
      %swap3A_254 = arith.constant 208 : index
      %swap3A_255 = tpu.vector_load %arg19[%swap3A_254] {strides = array<i32>} : memref<288xf32, #tpu.memory_space<vmem>>, vector<16xf32>,
      %swap3A_256 = vector.shape_cast %swap3A_255 : vector<16xf32> to vector<16xf32>
      %swap3A_257 = vector.shape_cast %max3A_243 : vector<16xf32> to vector<16xf32>
      tpu.vector_store %arg19[%swap3A_254], %swap3A_257 {strides = array<i32>} : memref<288xf32, #tpu.memory_space<vmem>>, vector<16xf32>,
      %swap3A_258 = arith.constant 224 : index
      %swap3A_259 = tpu.vector_load %arg19[%swap3A_258] {strides = array<i32>} : memref<288xf32, #tpu.memory_space<vmem>>, vector<16xf32>,
      %swap3A_260 = vector.shape_cast %swap3A_259 : vector<16xf32> to vector<16xf32>
      %swap3A_261 = vector.shape_cast %max3A_246 : vector<16xf32> to vector<16xf32>
      tpu.vector_store %arg19[%swap3A_258], %swap3A_261 {strides = array<i32>} : memref<288xf32, #tpu.memory_space<vmem>>, vector<16xf32>,
      %swap3A_262 = arith.constant 240 : index
      %swap3A_263 = tpu.vector_load %arg19[%swap3A_262] {strides = array<i32>} : memref<288xf32, #tpu.memory_space<vmem>>, vector<16xf32>,
      %swap3A_264 = vector.shape_cast %swap3A_263 : vector<16xf32> to vector<16xf32>
      %swap3A_265 = vector.shape_cast %max3A_249 : vector<16xf32> to vector<16xf32>
      tpu.vector_store %arg19[%swap3A_262], %swap3A_265 {strides = array<i32>} : memref<288xf32, #tpu.memory_space<vmem>>, vector<16xf32>,
      %mul3A_266 = vector.broadcast %select_n3A_51 : f32 to vector<16xf32>
      %mul3A_267 = arith.mulf %get3A_86, %mul3A_266 : vector<16xf32>
      %sub3A_268 = arith.constant 1.000000e+00 : f32
      %sub3A_269 = arith.subf %sub3A_268, %select_n3A_51 : f32
      %mul3A_270 = vector.broadcast %sub3A_269 : f32 to vector<16xf32>
      %mul3A_271 = arith.mulf %get3A_100, %mul3A_270 : vector<16xf32>
      %add3A_272 = arith.addf %mul3A_267, %mul3A_271 : vector<16xf32>
      %swap3A_273 = arith.constant 256 : index
      %swap3A_274 = tpu.vector_load %arg19[%swap3A_273] {strides = array<i32>} : memref<288xf32, #tpu.memory_space<vmem>>, vector<16xf32>,
      %swap3A_275 = vector.shape_cast %swap3A_274 : vector<16xf32> to vector<16xf32>
      %swap3A_276 = vector.shape_cast %add3A_272 : vector<16xf32> to vector<16xf32>
      tpu.vector_store %arg19[%swap3A_273], %swap3A_276 {strides = array<i32>} : memref<288xf32, #tpu.memory_space<vmem>>, vector<16xf32>,
      %mul3A_277 = vector.broadcast %select_n3A_51 : f32 to vector<16xf32>
      %mul3A_278 = arith.mulf %get3A_93, %mul3A_277 : vector<16xf32>
      %sub3A_279 = arith.constant 1.000000e+00 : f32
      %sub3A_280 = arith.subf %sub3A_279, %select_n3A_51 : f32
      %mul3A_281 = vector.broadcast %sub3A_280 : f32 to vector<16xf32>
      %mul3A_282 = arith.mulf %get3A_107, %mul3A_281 : vector<16xf32>
      %add3A_283 = arith.addf %mul3A_278, %mul3A_282 : vector<16xf32>
      %swap3A_284 = arith.constant 272 : index
      %swap3A_285 = tpu.vector_load %arg19[%swap3A_284] {strides = array<i32>} : memref<288xf32, #tpu.memory_space<vmem>>, vector<16xf32>,
      %swap3A_286 = vector.shape_cast %swap3A_285 : vector<16xf32> to vector<16xf32>
      %swap3A_287 = vector.shape_cast %add3A_283 : vector<16xf32> to vector<16xf32>
      tpu.vector_store %arg19[%swap3A_284], %swap3A_287 {strides = array<i32>} : memref<288xf32, #tpu.memory_space<vmem>>, vector<16xf32>,
      %get3A_288 = arith.constant 0 : index
      %get3A_289 = tpu.vector_load %arg15[%get3A_288] {strides = array<i32>} : memref<64xf32, #tpu.memory_space<vmem>>, vector<16xf32>,
      %get3A_290 = vector.shape_cast %get3A_289 : vector<16xf32> to vector<16xf32>
      %mul3A_291 = vector.broadcast %select_n3A_51 : f32 to vector<16xf32>
      %mul3A_292 = arith.mulf %get3A_290, %mul3A_291 : vector<16xf32>
      %get3A_293 = arith.constant 16 : index
      %get3A_294 = tpu.vector_load %arg15[%get3A_293] {strides = array<i32>} : memref<64xf32, #tpu.memory_space<vmem>>, vector<16xf32>,
      %get3A_295 = vector.shape_cast %get3A_294 : vector<16xf32> to vector<16xf32>
      %mul3A_296 = vector.broadcast %select_n3A_51 : f32 to vector<16xf32>
      %mul3A_297 = arith.mulf %get3A_295, %mul3A_296 : vector<16xf32>
      %get3A_298 = arith.constant 32 : index
      %get3A_299 = tpu.vector_load %arg15[%get3A_298] {strides = array<i32>} : memref<64xf32, #tpu.memory_space<vmem>>, vector<16xf32>,
      %get3A_300 = vector.shape_cast %get3A_299 : vector<16xf32> to vector<16xf32>
      %mul3A_301 = vector.broadcast %select_n3A_51 : f32 to vector<16xf32>
      %mul3A_302 = arith.mulf %get3A_300, %mul3A_301 : vector<16xf32>
      %get3A_303 = arith.constant 48 : index
      %get3A_304 = tpu.vector_load %arg15[%get3A_303] {strides = array<i32>} : memref<64xf32, #tpu.memory_space<vmem>>, vector<16xf32>,
      %get3A_305 = vector.shape_cast %get3A_304 : vector<16xf32> to vector<16xf32>
      %mul3A_306 = vector.broadcast %select_n3A_51 : f32 to vector<16xf32>
      %mul3A_307 = arith.mulf %get3A_305, %mul3A_306 : vector<16xf32>
      %scan3A_308 = arith.constant 0 : i32
      %scan3A_309 = arith.constant 6 : i32
      %scan3A_310 = arith.addi %scan3A_308, %scan3A_309 : i32
      %scan3A_311 = arith.constant 1 : i32
      %scan3A_312:4 = scf.for %scan3A_780 = %scan3A_308 to %scan3A_310 step %scan3A_311 iter_args(%scan3A_781 = %mul3A_292, %scan3A_782 = %mul3A_297, %scan3A_783 = %mul3A_302, %scan3A_784 = %mul3A_307) -> (vector<16xf32>, vector<16xf32>, vector<16xf32>, vector<16xf32>)  : i32 {
        %mul3A_785 = arith.constant 16 : i32
        %mul3A_786 = arith.muli %scan3A_780, %mul3A_785 : i32
        %add3A_787 = arith.constant 192 : i32
        %add3A_788 = arith.addi %add3A_787, %mul3A_786 : i32
        %get3A_789 = arith.index_cast %add3A_788 : i32 to index
        %get3A_790 = tpu.vector_load %arg19[%get3A_789] {strides = array<i32>} : memref<288xf32, #tpu.memory_space<vmem>>, vector<16xf32>,
        %get3A_791 = vector.shape_cast %get3A_790 : vector<16xf32> to vector<16xf32>
        %lt3A_792 = arith.constant 4 : i32
        %lt3A_793 = arith.cmpi slt, %scan3A_780, %lt3A_792 : i32
        %mul3A_794 = arith.constant 16 : i32
        %mul3A_795 = arith.muli %scan3A_780, %mul3A_794 : i32
        %add3A_796 = arith.addi %mul3A_46, %mul3A_795 : i32
        %mul3A_797 = arith.constant 32 : i32
        %mul3A_798 = arith.muli %select_n3A_30, %mul3A_797 : i32
        %add3A_799 = arith.constant 128 : i32
        %add3A_800 = arith.addi %add3A_799, %mul3A_798 : i32
        %sub3A_801 = arith.constant 4 : i32
        %sub3A_802 = arith.subi %scan3A_780, %sub3A_801 : i32
        %mul3A_803 = arith.constant 16 : i32
        %mul3A_804 = arith.muli %sub3A_802, %mul3A_803 : i32
        %add3A_805 = arith.addi %add3A_800, %mul3A_804 : i32
        %select_n3A_806 = arith.select %lt3A_793, %add3A_796, %add3A_805 : i32
        %slice3A_807 = vector.extract_strided_slice %get3A_791 {offsets = [0], sizes = [1], strides = [1]} : vector<16xf32> to vector<1xf32>
        %squeeze3A_808 = vector.extract %slice3A_807[0] : f32 from vector<1xf32>
        %add3A_809 = arith.constant 0 : i32
        %add3A_810 = arith.addi %select_n3A_806, %add3A_809 : i32
        %mul3A_811 = arith.constant 64 : i32
        %mul3A_812 = arith.muli %add3A_810, %mul3A_811 : i32
        %add3A_813 = arith.constant 0 : i32
        %add3A_814 = arith.addi %mul3A_812, %add3A_813 : i32
        %get3A_815 = arith.index_cast %add3A_814 : i32 to index
        %get3A_816 = tpu.vector_load %arg13[%get3A_815] {strides = array<i32>} : memref<12288xf32, #tpu.memory_space<vmem>>, vector<16xf32>,
        %get3A_817 = vector.shape_cast %get3A_816 : vector<16xf32> to vector<16xf32>
        %mul3A_818 = vector.broadcast %squeeze3A_808 : f32 to vector<16xf32>
        %mul3A_819 = arith.mulf %mul3A_818, %get3A_817 : vector<16xf32>
        %add3A_820 = arith.addf %scan3A_781, %mul3A_819 : vector<16xf32>
        %add3A_821 = arith.constant 16 : i32
        %add3A_822 = arith.addi %mul3A_812, %add3A_821 : i32
        %get3A_823 = arith.index_cast %add3A_822 : i32 to index
        %get3A_824 = tpu.vector_load %arg13[%get3A_823] {strides = array<i32>} : memref<12288xf32, #tpu.memory_space<vmem>>, vector<16xf32>,
        %get3A_825 = vector.shape_cast %get3A_824 : vector<16xf32> to vector<16xf32>
        %mul3A_826 = vector.broadcast %squeeze3A_808 : f32 to vector<16xf32>
        %mul3A_827 = arith.mulf %mul3A_826, %get3A_825 : vector<16xf32>
        %add3A_828 = arith.addf %scan3A_782, %mul3A_827 : vector<16xf32>
        %add3A_829 = arith.constant 32 : i32
        %add3A_830 = arith.addi %mul3A_812, %add3A_829 : i32
        %get3A_831 = arith.index_cast %add3A_830 : i32 to index
        %get3A_832 = tpu.vector_load %arg13[%get3A_831] {strides = array<i32>} : memref<12288xf32, #tpu.memory_space<vmem>>, vector<16xf32>,
        %get3A_833 = vector.shape_cast %get3A_832 : vector<16xf32> to vector<16xf32>
        %mul3A_834 = vector.broadcast %squeeze3A_808 : f32 to vector<16xf32>
        %mul3A_835 = arith.mulf %mul3A_834, %get3A_833 : vector<16xf32>
        %add3A_836 = arith.addf %scan3A_783, %mul3A_835 : vector<16xf32>
        %add3A_837 = arith.constant 48 : i32
        %add3A_838 = arith.addi %mul3A_812, %add3A_837 : i32
        %get3A_839 = arith.index_cast %add3A_838 : i32 to index
        %get3A_840 = tpu.vector_load %arg13[%get3A_839] {strides = array<i32>} : memref<12288xf32, #tpu.memory_space<vmem>>, vector<16xf32>,
        %get3A_841 = vector.shape_cast %get3A_840 : vector<16xf32> to vector<16xf32>
        %mul3A_842 = vector.broadcast %squeeze3A_808 : f32 to vector<16xf32>
        %mul3A_843 = arith.mulf %mul3A_842, %get3A_841 : vector<16xf32>
        %add3A_844 = arith.addf %scan3A_784, %mul3A_843 : vector<16xf32>
        %slice3A_845 = vector.extract_strided_slice %get3A_791 {offsets = [1], sizes = [1], strides = [1]} : vector<16xf32> to vector<1xf32>
        %squeeze3A_846 = vector.extract %slice3A_845[0] : f32 from vector<1xf32>
        %add3A_847 = arith.constant 1 : i32
        %add3A_848 = arith.addi %select_n3A_806, %add3A_847 : i32
        %mul3A_849 = arith.constant 64 : i32
        %mul3A_850 = arith.muli %add3A_848, %mul3A_849 : i32
        %add3A_851 = arith.constant 0 : i32
        %add3A_852 = arith.addi %mul3A_850, %add3A_851 : i32
        %get3A_853 = arith.index_cast %add3A_852 : i32 to index
        %get3A_854 = tpu.vector_load %arg13[%get3A_853] {strides = array<i32>} : memref<12288xf32, #tpu.memory_space<vmem>>, vector<16xf32>,
        %get3A_855 = vector.shape_cast %get3A_854 : vector<16xf32> to vector<16xf32>
        %mul3A_856 = vector.broadcast %squeeze3A_846 : f32 to vector<16xf32>
        %mul3A_857 = arith.mulf %mul3A_856, %get3A_855 : vector<16xf32>
        %add3A_858 = arith.addf %add3A_820, %mul3A_857 : vector<16xf32>
        %add3A_859 = arith.constant 16 : i32
        %add3A_860 = arith.addi %mul3A_850, %add3A_859 : i32
        %get3A_861 = arith.index_cast %add3A_860 : i32 to index
        %get3A_862 = tpu.vector_load %arg13[%get3A_861] {strides = array<i32>} : memref<12288xf32, #tpu.memory_space<vmem>>, vector<16xf32>,
        %get3A_863 = vector.shape_cast %get3A_862 : vector<16xf32> to vector<16xf32>
        %mul3A_864 = vector.broadcast %squeeze3A_846 : f32 to vector<16xf32>
        %mul3A_865 = arith.mulf %mul3A_864, %get3A_863 : vector<16xf32>
        %add3A_866 = arith.addf %add3A_828, %mul3A_865 : vector<16xf32>
        %add3A_867 = arith.constant 32 : i32
        %add3A_868 = arith.addi %mul3A_850, %add3A_867 : i32
        %get3A_869 = arith.index_cast %add3A_868 : i32 to index
        %get3A_870 = tpu.vector_load %arg13[%get3A_869] {strides = array<i32>} : memref<12288xf32, #tpu.memory_space<vmem>>, vector<16xf32>,
        %get3A_871 = vector.shape_cast %get3A_870 : vector<16xf32> to vector<16xf32>
        %mul3A_872 = vector.broadcast %squeeze3A_846 : f32 to vector<16xf32>
        %mul3A_873 = arith.mulf %mul3A_872, %get3A_871 : vector<16xf32>
        %add3A_874 = arith.addf %add3A_836, %mul3A_873 : vector<16xf32>
        %add3A_875 = arith.constant 48 : i32
        %add3A_876 = arith.addi %mul3A_850, %add3A_875 : i32
        %get3A_877 = arith.index_cast %add3A_876 : i32 to index
        %get3A_878 = tpu.vector_load %arg13[%get3A_877] {strides = array<i32>} : memref<12288xf32, #tpu.memory_space<vmem>>, vector<16xf32>,
        %get3A_879 = vector.shape_cast %get3A_878 : vector<16xf32> to vector<16xf32>
        %mul3A_880 = vector.broadcast %squeeze3A_846 : f32 to vector<16xf32>
        %mul3A_881 = arith.mulf %mul3A_880, %get3A_879 : vector<16xf32>
        %add3A_882 = arith.addf %add3A_844, %mul3A_881 : vector<16xf32>
        %slice3A_883 = vector.extract_strided_slice %get3A_791 {offsets = [2], sizes = [1], strides = [1]} : vector<16xf32> to vector<1xf32>
        %squeeze3A_884 = vector.extract %slice3A_883[0] : f32 from vector<1xf32>
        %add3A_885 = arith.constant 2 : i32
        %add3A_886 = arith.addi %select_n3A_806, %add3A_885 : i32
        %mul3A_887 = arith.constant 64 : i32
        %mul3A_888 = arith.muli %add3A_886, %mul3A_887 : i32
        %add3A_889 = arith.constant 0 : i32
        %add3A_890 = arith.addi %mul3A_888, %add3A_889 : i32
        %get3A_891 = arith.index_cast %add3A_890 : i32 to index
        %get3A_892 = tpu.vector_load %arg13[%get3A_891] {strides = array<i32>} : memref<12288xf32, #tpu.memory_space<vmem>>, vector<16xf32>,
        %get3A_893 = vector.shape_cast %get3A_892 : vector<16xf32> to vector<16xf32>
        %mul3A_894 = vector.broadcast %squeeze3A_884 : f32 to vector<16xf32>
        %mul3A_895 = arith.mulf %mul3A_894, %get3A_893 : vector<16xf32>
        %add3A_896 = arith.addf %add3A_858, %mul3A_895 : vector<16xf32>
        %add3A_897 = arith.constant 16 : i32
        %add3A_898 = arith.addi %mul3A_888, %add3A_897 : i32
        %get3A_899 = arith.index_cast %add3A_898 : i32 to index
        %get3A_900 = tpu.vector_load %arg13[%get3A_899] {strides = array<i32>} : memref<12288xf32, #tpu.memory_space<vmem>>, vector<16xf32>,
        %get3A_901 = vector.shape_cast %get3A_900 : vector<16xf32> to vector<16xf32>
        %mul3A_902 = vector.broadcast %squeeze3A_884 : f32 to vector<16xf32>
        %mul3A_903 = arith.mulf %mul3A_902, %get3A_901 : vector<16xf32>
        %add3A_904 = arith.addf %add3A_866, %mul3A_903 : vector<16xf32>
        %add3A_905 = arith.constant 32 : i32
        %add3A_906 = arith.addi %mul3A_888, %add3A_905 : i32
        %get3A_907 = arith.index_cast %add3A_906 : i32 to index
        %get3A_908 = tpu.vector_load %arg13[%get3A_907] {strides = array<i32>} : memref<12288xf32, #tpu.memory_space<vmem>>, vector<16xf32>,
        %get3A_909 = vector.shape_cast %get3A_908 : vector<16xf32> to vector<16xf32>
        %mul3A_910 = vector.broadcast %squeeze3A_884 : f32 to vector<16xf32>
        %mul3A_911 = arith.mulf %mul3A_910, %get3A_909 : vector<16xf32>
        %add3A_912 = arith.addf %add3A_874, %mul3A_911 : vector<16xf32>
        %add3A_913 = arith.constant 48 : i32
        %add3A_914 = arith.addi %mul3A_888, %add3A_913 : i32
        %get3A_915 = arith.index_cast %add3A_914 : i32 to index
        %get3A_916 = tpu.vector_load %arg13[%get3A_915] {strides = array<i32>} : memref<12288xf32, #tpu.memory_space<vmem>>, vector<16xf32>,
        %get3A_917 = vector.shape_cast %get3A_916 : vector<16xf32> to vector<16xf32>
        %mul3A_918 = vector.broadcast %squeeze3A_884 : f32 to vector<16xf32>
        %mul3A_919 = arith.mulf %mul3A_918, %get3A_917 : vector<16xf32>
        %add3A_920 = arith.addf %add3A_882, %mul3A_919 : vector<16xf32>
        %slice3A_921 = vector.extract_strided_slice %get3A_791 {offsets = [3], sizes = [1], strides = [1]} : vector<16xf32> to vector<1xf32>
        %squeeze3A_922 = vector.extract %slice3A_921[0] : f32 from vector<1xf32>
        %add3A_923 = arith.constant 3 : i32
        %add3A_924 = arith.addi %select_n3A_806, %add3A_923 : i32
        %mul3A_925 = arith.constant 64 : i32
        %mul3A_926 = arith.muli %add3A_924, %mul3A_925 : i32
        %add3A_927 = arith.constant 0 : i32
        %add3A_928 = arith.addi %mul3A_926, %add3A_927 : i32
        %get3A_929 = arith.index_cast %add3A_928 : i32 to index
        %get3A_930 = tpu.vector_load %arg13[%get3A_929] {strides = array<i32>} : memref<12288xf32, #tpu.memory_space<vmem>>, vector<16xf32>,
        %get3A_931 = vector.shape_cast %get3A_930 : vector<16xf32> to vector<16xf32>
        %mul3A_932 = vector.broadcast %squeeze3A_922 : f32 to vector<16xf32>
        %mul3A_933 = arith.mulf %mul3A_932, %get3A_931 : vector<16xf32>
        %add3A_934 = arith.addf %add3A_896, %mul3A_933 : vector<16xf32>
        %add3A_935 = arith.constant 16 : i32
        %add3A_936 = arith.addi %mul3A_926, %add3A_935 : i32
        %get3A_937 = arith.index_cast %add3A_936 : i32 to index
        %get3A_938 = tpu.vector_load %arg13[%get3A_937] {strides = array<i32>} : memref<12288xf32, #tpu.memory_space<vmem>>, vector<16xf32>,
        %get3A_939 = vector.shape_cast %get3A_938 : vector<16xf32> to vector<16xf32>
        %mul3A_940 = vector.broadcast %squeeze3A_922 : f32 to vector<16xf32>
        %mul3A_941 = arith.mulf %mul3A_940, %get3A_939 : vector<16xf32>
        %add3A_942 = arith.addf %add3A_904, %mul3A_941 : vector<16xf32>
        %add3A_943 = arith.constant 32 : i32
        %add3A_944 = arith.addi %mul3A_926, %add3A_943 : i32
        %get3A_945 = arith.index_cast %add3A_944 : i32 to index
        %get3A_946 = tpu.vector_load %arg13[%get3A_945] {strides = array<i32>} : memref<12288xf32, #tpu.memory_space<vmem>>, vector<16xf32>,
        %get3A_947 = vector.shape_cast %get3A_946 : vector<16xf32> to vector<16xf32>
        %mul3A_948 = vector.broadcast %squeeze3A_922 : f32 to vector<16xf32>
        %mul3A_949 = arith.mulf %mul3A_948, %get3A_947 : vector<16xf32>
        %add3A_950 = arith.addf %add3A_912, %mul3A_949 : vector<16xf32>
        %add3A_951 = arith.constant 48 : i32
        %add3A_952 = arith.addi %mul3A_926, %add3A_951 : i32
        %get3A_953 = arith.index_cast %add3A_952 : i32 to index
        %get3A_954 = tpu.vector_load %arg13[%get3A_953] {strides = array<i32>} : memref<12288xf32, #tpu.memory_space<vmem>>, vector<16xf32>,
        %get3A_955 = vector.shape_cast %get3A_954 : vector<16xf32> to vector<16xf32>
        %mul3A_956 = vector.broadcast %squeeze3A_922 : f32 to vector<16xf32>
        %mul3A_957 = arith.mulf %mul3A_956, %get3A_955 : vector<16xf32>
        %add3A_958 = arith.addf %add3A_920, %mul3A_957 : vector<16xf32>
        %slice3A_959 = vector.extract_strided_slice %get3A_791 {offsets = [4], sizes = [1], strides = [1]} : vector<16xf32> to vector<1xf32>
        %squeeze3A_960 = vector.extract %slice3A_959[0] : f32 from vector<1xf32>
        %add3A_961 = arith.constant 4 : i32
        %add3A_962 = arith.addi %select_n3A_806, %add3A_961 : i32
        %mul3A_963 = arith.constant 64 : i32
        %mul3A_964 = arith.muli %add3A_962, %mul3A_963 : i32
        %add3A_965 = arith.constant 0 : i32
        %add3A_966 = arith.addi %mul3A_964, %add3A_965 : i32
        %get3A_967 = arith.index_cast %add3A_966 : i32 to index
        %get3A_968 = tpu.vector_load %arg13[%get3A_967] {strides = array<i32>} : memref<12288xf32, #tpu.memory_space<vmem>>, vector<16xf32>,
        %get3A_969 = vector.shape_cast %get3A_968 : vector<16xf32> to vector<16xf32>
        %mul3A_970 = vector.broadcast %squeeze3A_960 : f32 to vector<16xf32>
        %mul3A_971 = arith.mulf %mul3A_970, %get3A_969 : vector<16xf32>
        %add3A_972 = arith.addf %add3A_934, %mul3A_971 : vector<16xf32>
        %add3A_973 = arith.constant 16 : i32
        %add3A_974 = arith.addi %mul3A_964, %add3A_973 : i32
        %get3A_975 = arith.index_cast %add3A_974 : i32 to index
        %get3A_976 = tpu.vector_load %arg13[%get3A_975] {strides = array<i32>} : memref<12288xf32, #tpu.memory_space<vmem>>, vector<16xf32>,
        %get3A_977 = vector.shape_cast %get3A_976 : vector<16xf32> to vector<16xf32>
        %mul3A_978 = vector.broadcast %squeeze3A_960 : f32 to vector<16xf32>
        %mul3A_979 = arith.mulf %mul3A_978, %get3A_977 : vector<16xf32>
        %add3A_980 = arith.addf %add3A_942, %mul3A_979 : vector<16xf32>
        %add3A_981 = arith.constant 32 : i32
        %add3A_982 = arith.addi %mul3A_964, %add3A_981 : i32
        %get3A_983 = arith.index_cast %add3A_982 : i32 to index
        %get3A_984 = tpu.vector_load %arg13[%get3A_983] {strides = array<i32>} : memref<12288xf32, #tpu.memory_space<vmem>>, vector<16xf32>,
        %get3A_985 = vector.shape_cast %get3A_984 : vector<16xf32> to vector<16xf32>
        %mul3A_986 = vector.broadcast %squeeze3A_960 : f32 to vector<16xf32>
        %mul3A_987 = arith.mulf %mul3A_986, %get3A_985 : vector<16xf32>
        %add3A_988 = arith.addf %add3A_950, %mul3A_987 : vector<16xf32>
        %add3A_989 = arith.constant 48 : i32
        %add3A_990 = arith.addi %mul3A_964, %add3A_989 : i32
        %get3A_991 = arith.index_cast %add3A_990 : i32 to index
        %get3A_992 = tpu.vector_load %arg13[%get3A_991] {strides = array<i32>} : memref<12288xf32, #tpu.memory_space<vmem>>, vector<16xf32>,
        %get3A_993 = vector.shape_cast %get3A_992 : vector<16xf32> to vector<16xf32>
        %mul3A_994 = vector.broadcast %squeeze3A_960 : f32 to vector<16xf32>
        %mul3A_995 = arith.mulf %mul3A_994, %get3A_993 : vector<16xf32>
        %add3A_996 = arith.addf %add3A_958, %mul3A_995 : vector<16xf32>
        %slice3A_997 = vector.extract_strided_slice %get3A_791 {offsets = [5], sizes = [1], strides = [1]} : vector<16xf32> to vector<1xf32>
        %squeeze3A_998 = vector.extract %slice3A_997[0] : f32 from vector<1xf32>
        %add3A_999 = arith.constant 5 : i32
        %add3A_1000 = arith.addi %select_n3A_806, %add3A_999 : i32
        %mul3A_1001 = arith.constant 64 : i32
        %mul3A_1002 = arith.muli %add3A_1000, %mul3A_1001 : i32
        %add3A_1003 = arith.constant 0 : i32
        %add3A_1004 = arith.addi %mul3A_1002, %add3A_1003 : i32
        %get3A_1005 = arith.index_cast %add3A_1004 : i32 to index
        %get3A_1006 = tpu.vector_load %arg13[%get3A_1005] {strides = array<i32>} : memref<12288xf32, #tpu.memory_space<vmem>>, vector<16xf32>,
        %get3A_1007 = vector.shape_cast %get3A_1006 : vector<16xf32> to vector<16xf32>
        %mul3A_1008 = vector.broadcast %squeeze3A_998 : f32 to vector<16xf32>
        %mul3A_1009 = arith.mulf %mul3A_1008, %get3A_1007 : vector<16xf32>
        %add3A_1010 = arith.addf %add3A_972, %mul3A_1009 : vector<16xf32>
        %add3A_1011 = arith.constant 16 : i32
        %add3A_1012 = arith.addi %mul3A_1002, %add3A_1011 : i32
        %get3A_1013 = arith.index_cast %add3A_1012 : i32 to index
        %get3A_1014 = tpu.vector_load %arg13[%get3A_1013] {strides = array<i32>} : memref<12288xf32, #tpu.memory_space<vmem>>, vector<16xf32>,
        %get3A_1015 = vector.shape_cast %get3A_1014 : vector<16xf32> to vector<16xf32>
        %mul3A_1016 = vector.broadcast %squeeze3A_998 : f32 to vector<16xf32>
        %mul3A_1017 = arith.mulf %mul3A_1016, %get3A_1015 : vector<16xf32>
        %add3A_1018 = arith.addf %add3A_980, %mul3A_1017 : vector<16xf32>
        %add3A_1019 = arith.constant 32 : i32
        %add3A_1020 = arith.addi %mul3A_1002, %add3A_1019 : i32
        %get3A_1021 = arith.index_cast %add3A_1020 : i32 to index
        %get3A_1022 = tpu.vector_load %arg13[%get3A_1021] {strides = array<i32>} : memref<12288xf32, #tpu.memory_space<vmem>>, vector<16xf32>,
        %get3A_1023 = vector.shape_cast %get3A_1022 : vector<16xf32> to vector<16xf32>
        %mul3A_1024 = vector.broadcast %squeeze3A_998 : f32 to vector<16xf32>
        %mul3A_1025 = arith.mulf %mul3A_1024, %get3A_1023 : vector<16xf32>
        %add3A_1026 = arith.addf %add3A_988, %mul3A_1025 : vector<16xf32>
        %add3A_1027 = arith.constant 48 : i32
        %add3A_1028 = arith.addi %mul3A_1002, %add3A_1027 : i32
        %get3A_1029 = arith.index_cast %add3A_1028 : i32 to index
        %get3A_1030 = tpu.vector_load %arg13[%get3A_1029] {strides = array<i32>} : memref<12288xf32, #tpu.memory_space<vmem>>, vector<16xf32>,
        %get3A_1031 = vector.shape_cast %get3A_1030 : vector<16xf32> to vector<16xf32>
        %mul3A_1032 = vector.broadcast %squeeze3A_998 : f32 to vector<16xf32>
        %mul3A_1033 = arith.mulf %mul3A_1032, %get3A_1031 : vector<16xf32>
        %add3A_1034 = arith.addf %add3A_996, %mul3A_1033 : vector<16xf32>
        %slice3A_1035 = vector.extract_strided_slice %get3A_791 {offsets = [6], sizes = [1], strides = [1]} : vector<16xf32> to vector<1xf32>
        %squeeze3A_1036 = vector.extract %slice3A_1035[0] : f32 from vector<1xf32>
        %add3A_1037 = arith.constant 6 : i32
        %add3A_1038 = arith.addi %select_n3A_806, %add3A_1037 : i32
        %mul3A_1039 = arith.constant 64 : i32
        %mul3A_1040 = arith.muli %add3A_1038, %mul3A_1039 : i32
        %add3A_1041 = arith.constant 0 : i32
        %add3A_1042 = arith.addi %mul3A_1040, %add3A_1041 : i32
        %get3A_1043 = arith.index_cast %add3A_1042 : i32 to index
        %get3A_1044 = tpu.vector_load %arg13[%get3A_1043] {strides = array<i32>} : memref<12288xf32, #tpu.memory_space<vmem>>, vector<16xf32>,
        %get3A_1045 = vector.shape_cast %get3A_1044 : vector<16xf32> to vector<16xf32>
        %mul3A_1046 = vector.broadcast %squeeze3A_1036 : f32 to vector<16xf32>
        %mul3A_1047 = arith.mulf %mul3A_1046, %get3A_1045 : vector<16xf32>
        %add3A_1048 = arith.addf %add3A_1010, %mul3A_1047 : vector<16xf32>
        %add3A_1049 = arith.constant 16 : i32
        %add3A_1050 = arith.addi %mul3A_1040, %add3A_1049 : i32
        %get3A_1051 = arith.index_cast %add3A_1050 : i32 to index
        %get3A_1052 = tpu.vector_load %arg13[%get3A_1051] {strides = array<i32>} : memref<12288xf32, #tpu.memory_space<vmem>>, vector<16xf32>,
        %get3A_1053 = vector.shape_cast %get3A_1052 : vector<16xf32> to vector<16xf32>
        %mul3A_1054 = vector.broadcast %squeeze3A_1036 : f32 to vector<16xf32>
        %mul3A_1055 = arith.mulf %mul3A_1054, %get3A_1053 : vector<16xf32>
        %add3A_1056 = arith.addf %add3A_1018, %mul3A_1055 : vector<16xf32>
        %add3A_1057 = arith.constant 32 : i32
        %add3A_1058 = arith.addi %mul3A_1040, %add3A_1057 : i32
        %get3A_1059 = arith.index_cast %add3A_1058 : i32 to index
        %get3A_1060 = tpu.vector_load %arg13[%get3A_1059] {strides = array<i32>} : memref<12288xf32, #tpu.memory_space<vmem>>, vector<16xf32>,
        %get3A_1061 = vector.shape_cast %get3A_1060 : vector<16xf32> to vector<16xf32>
        %mul3A_1062 = vector.broadcast %squeeze3A_1036 : f32 to vector<16xf32>
        %mul3A_1063 = arith.mulf %mul3A_1062, %get3A_1061 : vector<16xf32>
        %add3A_1064 = arith.addf %add3A_1026, %mul3A_1063 : vector<16xf32>
        %add3A_1065 = arith.constant 48 : i32
        %add3A_1066 = arith.addi %mul3A_1040, %add3A_1065 : i32
        %get3A_1067 = arith.index_cast %add3A_1066 : i32 to index
        %get3A_1068 = tpu.vector_load %arg13[%get3A_1067] {strides = array<i32>} : memref<12288xf32, #tpu.memory_space<vmem>>, vector<16xf32>,
        %get3A_1069 = vector.shape_cast %get3A_1068 : vector<16xf32> to vector<16xf32>
        %mul3A_1070 = vector.broadcast %squeeze3A_1036 : f32 to vector<16xf32>
        %mul3A_1071 = arith.mulf %mul3A_1070, %get3A_1069 : vector<16xf32>
        %add3A_1072 = arith.addf %add3A_1034, %mul3A_1071 : vector<16xf32>
        %slice3A_1073 = vector.extract_strided_slice %get3A_791 {offsets = [7], sizes = [1], strides = [1]} : vector<16xf32> to vector<1xf32>
        %squeeze3A_1074 = vector.extract %slice3A_1073[0] : f32 from vector<1xf32>
        %add3A_1075 = arith.constant 7 : i32
        %add3A_1076 = arith.addi %select_n3A_806, %add3A_1075 : i32
        %mul3A_1077 = arith.constant 64 : i32
        %mul3A_1078 = arith.muli %add3A_1076, %mul3A_1077 : i32
        %add3A_1079 = arith.constant 0 : i32
        %add3A_1080 = arith.addi %mul3A_1078, %add3A_1079 : i32
        %get3A_1081 = arith.index_cast %add3A_1080 : i32 to index
        %get3A_1082 = tpu.vector_load %arg13[%get3A_1081] {strides = array<i32>} : memref<12288xf32, #tpu.memory_space<vmem>>, vector<16xf32>,
        %get3A_1083 = vector.shape_cast %get3A_1082 : vector<16xf32> to vector<16xf32>
        %mul3A_1084 = vector.broadcast %squeeze3A_1074 : f32 to vector<16xf32>
        %mul3A_1085 = arith.mulf %mul3A_1084, %get3A_1083 : vector<16xf32>
        %add3A_1086 = arith.addf %add3A_1048, %mul3A_1085 : vector<16xf32>
        %add3A_1087 = arith.constant 16 : i32
        %add3A_1088 = arith.addi %mul3A_1078, %add3A_1087 : i32
        %get3A_1089 = arith.index_cast %add3A_1088 : i32 to index
        %get3A_1090 = tpu.vector_load %arg13[%get3A_1089] {strides = array<i32>} : memref<12288xf32, #tpu.memory_space<vmem>>, vector<16xf32>,
        %get3A_1091 = vector.shape_cast %get3A_1090 : vector<16xf32> to vector<16xf32>
        %mul3A_1092 = vector.broadcast %squeeze3A_1074 : f32 to vector<16xf32>
        %mul3A_1093 = arith.mulf %mul3A_1092, %get3A_1091 : vector<16xf32>
        %add3A_1094 = arith.addf %add3A_1056, %mul3A_1093 : vector<16xf32>
        %add3A_1095 = arith.constant 32 : i32
        %add3A_1096 = arith.addi %mul3A_1078, %add3A_1095 : i32
        %get3A_1097 = arith.index_cast %add3A_1096 : i32 to index
        %get3A_1098 = tpu.vector_load %arg13[%get3A_1097] {strides = array<i32>} : memref<12288xf32, #tpu.memory_space<vmem>>, vector<16xf32>,
        %get3A_1099 = vector.shape_cast %get3A_1098 : vector<16xf32> to vector<16xf32>
        %mul3A_1100 = vector.broadcast %squeeze3A_1074 : f32 to vector<16xf32>
        %mul3A_1101 = arith.mulf %mul3A_1100, %get3A_1099 : vector<16xf32>
        %add3A_1102 = arith.addf %add3A_1064, %mul3A_1101 : vector<16xf32>
        %add3A_1103 = arith.constant 48 : i32
        %add3A_1104 = arith.addi %mul3A_1078, %add3A_1103 : i32
        %get3A_1105 = arith.index_cast %add3A_1104 : i32 to index
        %get3A_1106 = tpu.vector_load %arg13[%get3A_1105] {strides = array<i32>} : memref<12288xf32, #tpu.memory_space<vmem>>, vector<16xf32>,
        %get3A_1107 = vector.shape_cast %get3A_1106 : vector<16xf32> to vector<16xf32>
        %mul3A_1108 = vector.broadcast %squeeze3A_1074 : f32 to vector<16xf32>
        %mul3A_1109 = arith.mulf %mul3A_1108, %get3A_1107 : vector<16xf32>
        %add3A_1110 = arith.addf %add3A_1072, %mul3A_1109 : vector<16xf32>
        %slice3A_1111 = vector.extract_strided_slice %get3A_791 {offsets = [8], sizes = [1], strides = [1]} : vector<16xf32> to vector<1xf32>
        %squeeze3A_1112 = vector.extract %slice3A_1111[0] : f32 from vector<1xf32>
        %add3A_1113 = arith.constant 8 : i32
        %add3A_1114 = arith.addi %select_n3A_806, %add3A_1113 : i32
        %mul3A_1115 = arith.constant 64 : i32
        %mul3A_1116 = arith.muli %add3A_1114, %mul3A_1115 : i32
        %add3A_1117 = arith.constant 0 : i32
        %add3A_1118 = arith.addi %mul3A_1116, %add3A_1117 : i32
        %get3A_1119 = arith.index_cast %add3A_1118 : i32 to index
        %get3A_1120 = tpu.vector_load %arg13[%get3A_1119] {strides = array<i32>} : memref<12288xf32, #tpu.memory_space<vmem>>, vector<16xf32>,
        %get3A_1121 = vector.shape_cast %get3A_1120 : vector<16xf32> to vector<16xf32>
        %mul3A_1122 = vector.broadcast %squeeze3A_1112 : f32 to vector<16xf32>
        %mul3A_1123 = arith.mulf %mul3A_1122, %get3A_1121 : vector<16xf32>
        %add3A_1124 = arith.addf %add3A_1086, %mul3A_1123 : vector<16xf32>
        %add3A_1125 = arith.constant 16 : i32
        %add3A_1126 = arith.addi %mul3A_1116, %add3A_1125 : i32
        %get3A_1127 = arith.index_cast %add3A_1126 : i32 to index
        %get3A_1128 = tpu.vector_load %arg13[%get3A_1127] {strides = array<i32>} : memref<12288xf32, #tpu.memory_space<vmem>>, vector<16xf32>,
        %get3A_1129 = vector.shape_cast %get3A_1128 : vector<16xf32> to vector<16xf32>
        %mul3A_1130 = vector.broadcast %squeeze3A_1112 : f32 to vector<16xf32>
        %mul3A_1131 = arith.mulf %mul3A_1130, %get3A_1129 : vector<16xf32>
        %add3A_1132 = arith.addf %add3A_1094, %mul3A_1131 : vector<16xf32>
        %add3A_1133 = arith.constant 32 : i32
        %add3A_1134 = arith.addi %mul3A_1116, %add3A_1133 : i32
        %get3A_1135 = arith.index_cast %add3A_1134 : i32 to index
        %get3A_1136 = tpu.vector_load %arg13[%get3A_1135] {strides = array<i32>} : memref<12288xf32, #tpu.memory_space<vmem>>, vector<16xf32>,
        %get3A_1137 = vector.shape_cast %get3A_1136 : vector<16xf32> to vector<16xf32>
        %mul3A_1138 = vector.broadcast %squeeze3A_1112 : f32 to vector<16xf32>
        %mul3A_1139 = arith.mulf %mul3A_1138, %get3A_1137 : vector<16xf32>
        %add3A_1140 = arith.addf %add3A_1102, %mul3A_1139 : vector<16xf32>
        %add3A_1141 = arith.constant 48 : i32
        %add3A_1142 = arith.addi %mul3A_1116, %add3A_1141 : i32
        %get3A_1143 = arith.index_cast %add3A_1142 : i32 to index
        %get3A_1144 = tpu.vector_load %arg13[%get3A_1143] {strides = array<i32>} : memref<12288xf32, #tpu.memory_space<vmem>>, vector<16xf32>,
        %get3A_1145 = vector.shape_cast %get3A_1144 : vector<16xf32> to vector<16xf32>
        %mul3A_1146 = vector.broadcast %squeeze3A_1112 : f32 to vector<16xf32>
        %mul3A_1147 = arith.mulf %mul3A_1146, %get3A_1145 : vector<16xf32>
        %add3A_1148 = arith.addf %add3A_1110, %mul3A_1147 : vector<16xf32>
        %slice3A_1149 = vector.extract_strided_slice %get3A_791 {offsets = [9], sizes = [1], strides = [1]} : vector<16xf32> to vector<1xf32>
        %squeeze3A_1150 = vector.extract %slice3A_1149[0] : f32 from vector<1xf32>
        %add3A_1151 = arith.constant 9 : i32
        %add3A_1152 = arith.addi %select_n3A_806, %add3A_1151 : i32
        %mul3A_1153 = arith.constant 64 : i32
        %mul3A_1154 = arith.muli %add3A_1152, %mul3A_1153 : i32
        %add3A_1155 = arith.constant 0 : i32
        %add3A_1156 = arith.addi %mul3A_1154, %add3A_1155 : i32
        %get3A_1157 = arith.index_cast %add3A_1156 : i32 to index
        %get3A_1158 = tpu.vector_load %arg13[%get3A_1157] {strides = array<i32>} : memref<12288xf32, #tpu.memory_space<vmem>>, vector<16xf32>,
        %get3A_1159 = vector.shape_cast %get3A_1158 : vector<16xf32> to vector<16xf32>
        %mul3A_1160 = vector.broadcast %squeeze3A_1150 : f32 to vector<16xf32>
        %mul3A_1161 = arith.mulf %mul3A_1160, %get3A_1159 : vector<16xf32>
        %add3A_1162 = arith.addf %add3A_1124, %mul3A_1161 : vector<16xf32>
        %add3A_1163 = arith.constant 16 : i32
        %add3A_1164 = arith.addi %mul3A_1154, %add3A_1163 : i32
        %get3A_1165 = arith.index_cast %add3A_1164 : i32 to index
        %get3A_1166 = tpu.vector_load %arg13[%get3A_1165] {strides = array<i32>} : memref<12288xf32, #tpu.memory_space<vmem>>, vector<16xf32>,
        %get3A_1167 = vector.shape_cast %get3A_1166 : vector<16xf32> to vector<16xf32>
        %mul3A_1168 = vector.broadcast %squeeze3A_1150 : f32 to vector<16xf32>
        %mul3A_1169 = arith.mulf %mul3A_1168, %get3A_1167 : vector<16xf32>
        %add3A_1170 = arith.addf %add3A_1132, %mul3A_1169 : vector<16xf32>
        %add3A_1171 = arith.constant 32 : i32
        %add3A_1172 = arith.addi %mul3A_1154, %add3A_1171 : i32
        %get3A_1173 = arith.index_cast %add3A_1172 : i32 to index
        %get3A_1174 = tpu.vector_load %arg13[%get3A_1173] {strides = array<i32>} : memref<12288xf32, #tpu.memory_space<vmem>>, vector<16xf32>,
        %get3A_1175 = vector.shape_cast %get3A_1174 : vector<16xf32> to vector<16xf32>
        %mul3A_1176 = vector.broadcast %squeeze3A_1150 : f32 to vector<16xf32>
        %mul3A_1177 = arith.mulf %mul3A_1176, %get3A_1175 : vector<16xf32>
        %add3A_1178 = arith.addf %add3A_1140, %mul3A_1177 : vector<16xf32>
        %add3A_1179 = arith.constant 48 : i32
        %add3A_1180 = arith.addi %mul3A_1154, %add3A_1179 : i32
        %get3A_1181 = arith.index_cast %add3A_1180 : i32 to index
        %get3A_1182 = tpu.vector_load %arg13[%get3A_1181] {strides = array<i32>} : memref<12288xf32, #tpu.memory_space<vmem>>, vector<16xf32>,
        %get3A_1183 = vector.shape_cast %get3A_1182 : vector<16xf32> to vector<16xf32>
        %mul3A_1184 = vector.broadcast %squeeze3A_1150 : f32 to vector<16xf32>
        %mul3A_1185 = arith.mulf %mul3A_1184, %get3A_1183 : vector<16xf32>
        %add3A_1186 = arith.addf %add3A_1148, %mul3A_1185 : vector<16xf32>
        %slice3A_1187 = vector.extract_strided_slice %get3A_791 {offsets = [10], sizes = [1], strides = [1]} : vector<16xf32> to vector<1xf32>
        %squeeze3A_1188 = vector.extract %slice3A_1187[0] : f32 from vector<1xf32>
        %add3A_1189 = arith.constant 10 : i32
        %add3A_1190 = arith.addi %select_n3A_806, %add3A_1189 : i32
        %mul3A_1191 = arith.constant 64 : i32
        %mul3A_1192 = arith.muli %add3A_1190, %mul3A_1191 : i32
        %add3A_1193 = arith.constant 0 : i32
        %add3A_1194 = arith.addi %mul3A_1192, %add3A_1193 : i32
        %get3A_1195 = arith.index_cast %add3A_1194 : i32 to index
        %get3A_1196 = tpu.vector_load %arg13[%get3A_1195] {strides = array<i32>} : memref<12288xf32, #tpu.memory_space<vmem>>, vector<16xf32>,
        %get3A_1197 = vector.shape_cast %get3A_1196 : vector<16xf32> to vector<16xf32>
        %mul3A_1198 = vector.broadcast %squeeze3A_1188 : f32 to vector<16xf32>
        %mul3A_1199 = arith.mulf %mul3A_1198, %get3A_1197 : vector<16xf32>
        %add3A_1200 = arith.addf %add3A_1162, %mul3A_1199 : vector<16xf32>
        %add3A_1201 = arith.constant 16 : i32
        %add3A_1202 = arith.addi %mul3A_1192, %add3A_1201 : i32
        %get3A_1203 = arith.index_cast %add3A_1202 : i32 to index
        %get3A_1204 = tpu.vector_load %arg13[%get3A_1203] {strides = array<i32>} : memref<12288xf32, #tpu.memory_space<vmem>>, vector<16xf32>,
        %get3A_1205 = vector.shape_cast %get3A_1204 : vector<16xf32> to vector<16xf32>
        %mul3A_1206 = vector.broadcast %squeeze3A_1188 : f32 to vector<16xf32>
        %mul3A_1207 = arith.mulf %mul3A_1206, %get3A_1205 : vector<16xf32>
        %add3A_1208 = arith.addf %add3A_1170, %mul3A_1207 : vector<16xf32>
        %add3A_1209 = arith.constant 32 : i32
        %add3A_1210 = arith.addi %mul3A_1192, %add3A_1209 : i32
        %get3A_1211 = arith.index_cast %add3A_1210 : i32 to index
        %get3A_1212 = tpu.vector_load %arg13[%get3A_1211] {strides = array<i32>} : memref<12288xf32, #tpu.memory_space<vmem>>, vector<16xf32>,
        %get3A_1213 = vector.shape_cast %get3A_1212 : vector<16xf32> to vector<16xf32>
        %mul3A_1214 = vector.broadcast %squeeze3A_1188 : f32 to vector<16xf32>
        %mul3A_1215 = arith.mulf %mul3A_1214, %get3A_1213 : vector<16xf32>
        %add3A_1216 = arith.addf %add3A_1178, %mul3A_1215 : vector<16xf32>
        %add3A_1217 = arith.constant 48 : i32
        %add3A_1218 = arith.addi %mul3A_1192, %add3A_1217 : i32
        %get3A_1219 = arith.index_cast %add3A_1218 : i32 to index
        %get3A_1220 = tpu.vector_load %arg13[%get3A_1219] {strides = array<i32>} : memref<12288xf32, #tpu.memory_space<vmem>>, vector<16xf32>,
        %get3A_1221 = vector.shape_cast %get3A_1220 : vector<16xf32> to vector<16xf32>
        %mul3A_1222 = vector.broadcast %squeeze3A_1188 : f32 to vector<16xf32>
        %mul3A_1223 = arith.mulf %mul3A_1222, %get3A_1221 : vector<16xf32>
        %add3A_1224 = arith.addf %add3A_1186, %mul3A_1223 : vector<16xf32>
        %slice3A_1225 = vector.extract_strided_slice %get3A_791 {offsets = [11], sizes = [1], strides = [1]} : vector<16xf32> to vector<1xf32>
        %squeeze3A_1226 = vector.extract %slice3A_1225[0] : f32 from vector<1xf32>
        %add3A_1227 = arith.constant 11 : i32
        %add3A_1228 = arith.addi %select_n3A_806, %add3A_1227 : i32
        %mul3A_1229 = arith.constant 64 : i32
        %mul3A_1230 = arith.muli %add3A_1228, %mul3A_1229 : i32
        %add3A_1231 = arith.constant 0 : i32
        %add3A_1232 = arith.addi %mul3A_1230, %add3A_1231 : i32
        %get3A_1233 = arith.index_cast %add3A_1232 : i32 to index
        %get3A_1234 = tpu.vector_load %arg13[%get3A_1233] {strides = array<i32>} : memref<12288xf32, #tpu.memory_space<vmem>>, vector<16xf32>,
        %get3A_1235 = vector.shape_cast %get3A_1234 : vector<16xf32> to vector<16xf32>
        %mul3A_1236 = vector.broadcast %squeeze3A_1226 : f32 to vector<16xf32>
        %mul3A_1237 = arith.mulf %mul3A_1236, %get3A_1235 : vector<16xf32>
        %add3A_1238 = arith.addf %add3A_1200, %mul3A_1237 : vector<16xf32>
        %add3A_1239 = arith.constant 16 : i32
        %add3A_1240 = arith.addi %mul3A_1230, %add3A_1239 : i32
        %get3A_1241 = arith.index_cast %add3A_1240 : i32 to index
        %get3A_1242 = tpu.vector_load %arg13[%get3A_1241] {strides = array<i32>} : memref<12288xf32, #tpu.memory_space<vmem>>, vector<16xf32>,
        %get3A_1243 = vector.shape_cast %get3A_1242 : vector<16xf32> to vector<16xf32>
        %mul3A_1244 = vector.broadcast %squeeze3A_1226 : f32 to vector<16xf32>
        %mul3A_1245 = arith.mulf %mul3A_1244, %get3A_1243 : vector<16xf32>
        %add3A_1246 = arith.addf %add3A_1208, %mul3A_1245 : vector<16xf32>
        %add3A_1247 = arith.constant 32 : i32
        %add3A_1248 = arith.addi %mul3A_1230, %add3A_1247 : i32
        %get3A_1249 = arith.index_cast %add3A_1248 : i32 to index
        %get3A_1250 = tpu.vector_load %arg13[%get3A_1249] {strides = array<i32>} : memref<12288xf32, #tpu.memory_space<vmem>>, vector<16xf32>,
        %get3A_1251 = vector.shape_cast %get3A_1250 : vector<16xf32> to vector<16xf32>
        %mul3A_1252 = vector.broadcast %squeeze3A_1226 : f32 to vector<16xf32>
        %mul3A_1253 = arith.mulf %mul3A_1252, %get3A_1251 : vector<16xf32>
        %add3A_1254 = arith.addf %add3A_1216, %mul3A_1253 : vector<16xf32>
        %add3A_1255 = arith.constant 48 : i32
        %add3A_1256 = arith.addi %mul3A_1230, %add3A_1255 : i32
        %get3A_1257 = arith.index_cast %add3A_1256 : i32 to index
        %get3A_1258 = tpu.vector_load %arg13[%get3A_1257] {strides = array<i32>} : memref<12288xf32, #tpu.memory_space<vmem>>, vector<16xf32>,
        %get3A_1259 = vector.shape_cast %get3A_1258 : vector<16xf32> to vector<16xf32>
        %mul3A_1260 = vector.broadcast %squeeze3A_1226 : f32 to vector<16xf32>
        %mul3A_1261 = arith.mulf %mul3A_1260, %get3A_1259 : vector<16xf32>
        %add3A_1262 = arith.addf %add3A_1224, %mul3A_1261 : vector<16xf32>
        %slice3A_1263 = vector.extract_strided_slice %get3A_791 {offsets = [12], sizes = [1], strides = [1]} : vector<16xf32> to vector<1xf32>
        %squeeze3A_1264 = vector.extract %slice3A_1263[0] : f32 from vector<1xf32>
        %add3A_1265 = arith.constant 12 : i32
        %add3A_1266 = arith.addi %select_n3A_806, %add3A_1265 : i32
        %mul3A_1267 = arith.constant 64 : i32
        %mul3A_1268 = arith.muli %add3A_1266, %mul3A_1267 : i32
        %add3A_1269 = arith.constant 0 : i32
        %add3A_1270 = arith.addi %mul3A_1268, %add3A_1269 : i32
        %get3A_1271 = arith.index_cast %add3A_1270 : i32 to index
        %get3A_1272 = tpu.vector_load %arg13[%get3A_1271] {strides = array<i32>} : memref<12288xf32, #tpu.memory_space<vmem>>, vector<16xf32>,
        %get3A_1273 = vector.shape_cast %get3A_1272 : vector<16xf32> to vector<16xf32>
        %mul3A_1274 = vector.broadcast %squeeze3A_1264 : f32 to vector<16xf32>
        %mul3A_1275 = arith.mulf %mul3A_1274, %get3A_1273 : vector<16xf32>
        %add3A_1276 = arith.addf %add3A_1238, %mul3A_1275 : vector<16xf32>
        %add3A_1277 = arith.constant 16 : i32
        %add3A_1278 = arith.addi %mul3A_1268, %add3A_1277 : i32
        %get3A_1279 = arith.index_cast %add3A_1278 : i32 to index
        %get3A_1280 = tpu.vector_load %arg13[%get3A_1279] {strides = array<i32>} : memref<12288xf32, #tpu.memory_space<vmem>>, vector<16xf32>,
        %get3A_1281 = vector.shape_cast %get3A_1280 : vector<16xf32> to vector<16xf32>
        %mul3A_1282 = vector.broadcast %squeeze3A_1264 : f32 to vector<16xf32>
        %mul3A_1283 = arith.mulf %mul3A_1282, %get3A_1281 : vector<16xf32>
        %add3A_1284 = arith.addf %add3A_1246, %mul3A_1283 : vector<16xf32>
        %add3A_1285 = arith.constant 32 : i32
        %add3A_1286 = arith.addi %mul3A_1268, %add3A_1285 : i32
        %get3A_1287 = arith.index_cast %add3A_1286 : i32 to index
        %get3A_1288 = tpu.vector_load %arg13[%get3A_1287] {strides = array<i32>} : memref<12288xf32, #tpu.memory_space<vmem>>, vector<16xf32>,
        %get3A_1289 = vector.shape_cast %get3A_1288 : vector<16xf32> to vector<16xf32>
        %mul3A_1290 = vector.broadcast %squeeze3A_1264 : f32 to vector<16xf32>
        %mul3A_1291 = arith.mulf %mul3A_1290, %get3A_1289 : vector<16xf32>
        %add3A_1292 = arith.addf %add3A_1254, %mul3A_1291 : vector<16xf32>
        %add3A_1293 = arith.constant 48 : i32
        %add3A_1294 = arith.addi %mul3A_1268, %add3A_1293 : i32
        %get3A_1295 = arith.index_cast %add3A_1294 : i32 to index
        %get3A_1296 = tpu.vector_load %arg13[%get3A_1295] {strides = array<i32>} : memref<12288xf32, #tpu.memory_space<vmem>>, vector<16xf32>,
        %get3A_1297 = vector.shape_cast %get3A_1296 : vector<16xf32> to vector<16xf32>
        %mul3A_1298 = vector.broadcast %squeeze3A_1264 : f32 to vector<16xf32>
        %mul3A_1299 = arith.mulf %mul3A_1298, %get3A_1297 : vector<16xf32>
        %add3A_1300 = arith.addf %add3A_1262, %mul3A_1299 : vector<16xf32>
        %slice3A_1301 = vector.extract_strided_slice %get3A_791 {offsets = [13], sizes = [1], strides = [1]} : vector<16xf32> to vector<1xf32>
        %squeeze3A_1302 = vector.extract %slice3A_1301[0] : f32 from vector<1xf32>
        %add3A_1303 = arith.constant 13 : i32
        %add3A_1304 = arith.addi %select_n3A_806, %add3A_1303 : i32
        %mul3A_1305 = arith.constant 64 : i32
        %mul3A_1306 = arith.muli %add3A_1304, %mul3A_1305 : i32
        %add3A_1307 = arith.constant 0 : i32
        %add3A_1308 = arith.addi %mul3A_1306, %add3A_1307 : i32
        %get3A_1309 = arith.index_cast %add3A_1308 : i32 to index
        %get3A_1310 = tpu.vector_load %arg13[%get3A_1309] {strides = array<i32>} : memref<12288xf32, #tpu.memory_space<vmem>>, vector<16xf32>,
        %get3A_1311 = vector.shape_cast %get3A_1310 : vector<16xf32> to vector<16xf32>
        %mul3A_1312 = vector.broadcast %squeeze3A_1302 : f32 to vector<16xf32>
        %mul3A_1313 = arith.mulf %mul3A_1312, %get3A_1311 : vector<16xf32>
        %add3A_1314 = arith.addf %add3A_1276, %mul3A_1313 : vector<16xf32>
        %add3A_1315 = arith.constant 16 : i32
        %add3A_1316 = arith.addi %mul3A_1306, %add3A_1315 : i32
        %get3A_1317 = arith.index_cast %add3A_1316 : i32 to index
        %get3A_1318 = tpu.vector_load %arg13[%get3A_1317] {strides = array<i32>} : memref<12288xf32, #tpu.memory_space<vmem>>, vector<16xf32>,
        %get3A_1319 = vector.shape_cast %get3A_1318 : vector<16xf32> to vector<16xf32>
        %mul3A_1320 = vector.broadcast %squeeze3A_1302 : f32 to vector<16xf32>
        %mul3A_1321 = arith.mulf %mul3A_1320, %get3A_1319 : vector<16xf32>
        %add3A_1322 = arith.addf %add3A_1284, %mul3A_1321 : vector<16xf32>
        %add3A_1323 = arith.constant 32 : i32
        %add3A_1324 = arith.addi %mul3A_1306, %add3A_1323 : i32
        %get3A_1325 = arith.index_cast %add3A_1324 : i32 to index
        %get3A_1326 = tpu.vector_load %arg13[%get3A_1325] {strides = array<i32>} : memref<12288xf32, #tpu.memory_space<vmem>>, vector<16xf32>,
        %get3A_1327 = vector.shape_cast %get3A_1326 : vector<16xf32> to vector<16xf32>
        %mul3A_1328 = vector.broadcast %squeeze3A_1302 : f32 to vector<16xf32>
        %mul3A_1329 = arith.mulf %mul3A_1328, %get3A_1327 : vector<16xf32>
        %add3A_1330 = arith.addf %add3A_1292, %mul3A_1329 : vector<16xf32>
        %add3A_1331 = arith.constant 48 : i32
        %add3A_1332 = arith.addi %mul3A_1306, %add3A_1331 : i32
        %get3A_1333 = arith.index_cast %add3A_1332 : i32 to index
        %get3A_1334 = tpu.vector_load %arg13[%get3A_1333] {strides = array<i32>} : memref<12288xf32, #tpu.memory_space<vmem>>, vector<16xf32>,
        %get3A_1335 = vector.shape_cast %get3A_1334 : vector<16xf32> to vector<16xf32>
        %mul3A_1336 = vector.broadcast %squeeze3A_1302 : f32 to vector<16xf32>
        %mul3A_1337 = arith.mulf %mul3A_1336, %get3A_1335 : vector<16xf32>
        %add3A_1338 = arith.addf %add3A_1300, %mul3A_1337 : vector<16xf32>
        %slice3A_1339 = vector.extract_strided_slice %get3A_791 {offsets = [14], sizes = [1], strides = [1]} : vector<16xf32> to vector<1xf32>
        %squeeze3A_1340 = vector.extract %slice3A_1339[0] : f32 from vector<1xf32>
        %add3A_1341 = arith.constant 14 : i32
        %add3A_1342 = arith.addi %select_n3A_806, %add3A_1341 : i32
        %mul3A_1343 = arith.constant 64 : i32
        %mul3A_1344 = arith.muli %add3A_1342, %mul3A_1343 : i32
        %add3A_1345 = arith.constant 0 : i32
        %add3A_1346 = arith.addi %mul3A_1344, %add3A_1345 : i32
        %get3A_1347 = arith.index_cast %add3A_1346 : i32 to index
        %get3A_1348 = tpu.vector_load %arg13[%get3A_1347] {strides = array<i32>} : memref<12288xf32, #tpu.memory_space<vmem>>, vector<16xf32>,
        %get3A_1349 = vector.shape_cast %get3A_1348 : vector<16xf32> to vector<16xf32>
        %mul3A_1350 = vector.broadcast %squeeze3A_1340 : f32 to vector<16xf32>
        %mul3A_1351 = arith.mulf %mul3A_1350, %get3A_1349 : vector<16xf32>
        %add3A_1352 = arith.addf %add3A_1314, %mul3A_1351 : vector<16xf32>
        %add3A_1353 = arith.constant 16 : i32
        %add3A_1354 = arith.addi %mul3A_1344, %add3A_1353 : i32
        %get3A_1355 = arith.index_cast %add3A_1354 : i32 to index
        %get3A_1356 = tpu.vector_load %arg13[%get3A_1355] {strides = array<i32>} : memref<12288xf32, #tpu.memory_space<vmem>>, vector<16xf32>,
        %get3A_1357 = vector.shape_cast %get3A_1356 : vector<16xf32> to vector<16xf32>
        %mul3A_1358 = vector.broadcast %squeeze3A_1340 : f32 to vector<16xf32>
        %mul3A_1359 = arith.mulf %mul3A_1358, %get3A_1357 : vector<16xf32>
        %add3A_1360 = arith.addf %add3A_1322, %mul3A_1359 : vector<16xf32>
        %add3A_1361 = arith.constant 32 : i32
        %add3A_1362 = arith.addi %mul3A_1344, %add3A_1361 : i32
        %get3A_1363 = arith.index_cast %add3A_1362 : i32 to index
        %get3A_1364 = tpu.vector_load %arg13[%get3A_1363] {strides = array<i32>} : memref<12288xf32, #tpu.memory_space<vmem>>, vector<16xf32>,
        %get3A_1365 = vector.shape_cast %get3A_1364 : vector<16xf32> to vector<16xf32>
        %mul3A_1366 = vector.broadcast %squeeze3A_1340 : f32 to vector<16xf32>
        %mul3A_1367 = arith.mulf %mul3A_1366, %get3A_1365 : vector<16xf32>
        %add3A_1368 = arith.addf %add3A_1330, %mul3A_1367 : vector<16xf32>
        %add3A_1369 = arith.constant 48 : i32
        %add3A_1370 = arith.addi %mul3A_1344, %add3A_1369 : i32
        %get3A_1371 = arith.index_cast %add3A_1370 : i32 to index
        %get3A_1372 = tpu.vector_load %arg13[%get3A_1371] {strides = array<i32>} : memref<12288xf32, #tpu.memory_space<vmem>>, vector<16xf32>,
        %get3A_1373 = vector.shape_cast %get3A_1372 : vector<16xf32> to vector<16xf32>
        %mul3A_1374 = vector.broadcast %squeeze3A_1340 : f32 to vector<16xf32>
        %mul3A_1375 = arith.mulf %mul3A_1374, %get3A_1373 : vector<16xf32>
        %add3A_1376 = arith.addf %add3A_1338, %mul3A_1375 : vector<16xf32>
        %slice3A_1377 = vector.extract_strided_slice %get3A_791 {offsets = [15], sizes = [1], strides = [1]} : vector<16xf32> to vector<1xf32>
        %squeeze3A_1378 = vector.extract %slice3A_1377[0] : f32 from vector<1xf32>
        %add3A_1379 = arith.constant 15 : i32
        %add3A_1380 = arith.addi %select_n3A_806, %add3A_1379 : i32
        %mul3A_1381 = arith.constant 64 : i32
        %mul3A_1382 = arith.muli %add3A_1380, %mul3A_1381 : i32
        %add3A_1383 = arith.constant 0 : i32
        %add3A_1384 = arith.addi %mul3A_1382, %add3A_1383 : i32
        %get3A_1385 = arith.index_cast %add3A_1384 : i32 to index
        %get3A_1386 = tpu.vector_load %arg13[%get3A_1385] {strides = array<i32>} : memref<12288xf32, #tpu.memory_space<vmem>>, vector<16xf32>,
        %get3A_1387 = vector.shape_cast %get3A_1386 : vector<16xf32> to vector<16xf32>
        %mul3A_1388 = vector.broadcast %squeeze3A_1378 : f32 to vector<16xf32>
        %mul3A_1389 = arith.mulf %mul3A_1388, %get3A_1387 : vector<16xf32>
        %add3A_1390 = arith.addf %add3A_1352, %mul3A_1389 : vector<16xf32>
        %add3A_1391 = arith.constant 16 : i32
        %add3A_1392 = arith.addi %mul3A_1382, %add3A_1391 : i32
        %get3A_1393 = arith.index_cast %add3A_1392 : i32 to index
        %get3A_1394 = tpu.vector_load %arg13[%get3A_1393] {strides = array<i32>} : memref<12288xf32, #tpu.memory_space<vmem>>, vector<16xf32>,
        %get3A_1395 = vector.shape_cast %get3A_1394 : vector<16xf32> to vector<16xf32>
        %mul3A_1396 = vector.broadcast %squeeze3A_1378 : f32 to vector<16xf32>
        %mul3A_1397 = arith.mulf %mul3A_1396, %get3A_1395 : vector<16xf32>
        %add3A_1398 = arith.addf %add3A_1360, %mul3A_1397 : vector<16xf32>
        %add3A_1399 = arith.constant 32 : i32
        %add3A_1400 = arith.addi %mul3A_1382, %add3A_1399 : i32
        %get3A_1401 = arith.index_cast %add3A_1400 : i32 to index
        %get3A_1402 = tpu.vector_load %arg13[%get3A_1401] {strides = array<i32>} : memref<12288xf32, #tpu.memory_space<vmem>>, vector<16xf32>,
        %get3A_1403 = vector.shape_cast %get3A_1402 : vector<16xf32> to vector<16xf32>
        %mul3A_1404 = vector.broadcast %squeeze3A_1378 : f32 to vector<16xf32>
        %mul3A_1405 = arith.mulf %mul3A_1404, %get3A_1403 : vector<16xf32>
        %add3A_1406 = arith.addf %add3A_1368, %mul3A_1405 : vector<16xf32>
        %add3A_1407 = arith.constant 48 : i32
        %add3A_1408 = arith.addi %mul3A_1382, %add3A_1407 : i32
        %get3A_1409 = arith.index_cast %add3A_1408 : i32 to index
        %get3A_1410 = tpu.vector_load %arg13[%get3A_1409] {strides = array<i32>} : memref<12288xf32, #tpu.memory_space<vmem>>, vector<16xf32>,
        %get3A_1411 = vector.shape_cast %get3A_1410 : vector<16xf32> to vector<16xf32>
        %mul3A_1412 = vector.broadcast %squeeze3A_1378 : f32 to vector<16xf32>
        %mul3A_1413 = arith.mulf %mul3A_1412, %get3A_1411 : vector<16xf32>
        %add3A_1414 = arith.addf %add3A_1376, %mul3A_1413 : vector<16xf32>
        scf.yield %add3A_1390, %add3A_1398, %add3A_1406, %add3A_1414 : vector<16xf32>, vector<16xf32>, vector<16xf32>, vector<16xf32>
      }
      %scan3A_313 = arith.constant 6 : i32
      %swap3A_314 = arith.constant 0 : index
      %swap3A_315 = tpu.vector_load %arg20[%swap3A_314] {strides = array<i32>} : memref<128xf32, #tpu.memory_space<vmem>>, vector<16xf32>,
      %swap3A_316 = vector.shape_cast %swap3A_315 : vector<16xf32> to vector<16xf32>
      %swap3A_317 = vector.shape_cast %max3A_240 : vector<16xf32> to vector<16xf32>
      tpu.vector_store %arg20[%swap3A_314], %swap3A_317 {strides = array<i32>} : memref<128xf32, #tpu.memory_space<vmem>>, vector<16xf32>,
      %swap3A_318 = arith.constant 64 : index
      %swap3A_319 = tpu.vector_load %arg20[%swap3A_318] {strides = array<i32>} : memref<128xf32, #tpu.memory_space<vmem>>, vector<16xf32>,
      %swap3A_320 = vector.shape_cast %swap3A_319 : vector<16xf32> to vector<16xf32>
      %swap3A_321 = vector.shape_cast %scan3A_312#0 : vector<16xf32> to vector<16xf32>
      tpu.vector_store %arg20[%swap3A_318], %swap3A_321 {strides = array<i32>} : memref<128xf32, #tpu.memory_space<vmem>>, vector<16xf32>,
      %swap3A_322 = arith.constant 16 : index
      %swap3A_323 = tpu.vector_load %arg20[%swap3A_322] {strides = array<i32>} : memref<128xf32, #tpu.memory_space<vmem>>, vector<16xf32>,
      %swap3A_324 = vector.shape_cast %swap3A_323 : vector<16xf32> to vector<16xf32>
      %swap3A_325 = vector.shape_cast %max3A_243 : vector<16xf32> to vector<16xf32>
      tpu.vector_store %arg20[%swap3A_322], %swap3A_325 {strides = array<i32>} : memref<128xf32, #tpu.memory_space<vmem>>, vector<16xf32>,
      %swap3A_326 = arith.constant 80 : index
      %swap3A_327 = tpu.vector_load %arg20[%swap3A_326] {strides = array<i32>} : memref<128xf32, #tpu.memory_space<vmem>>, vector<16xf32>,
      %swap3A_328 = vector.shape_cast %swap3A_327 : vector<16xf32> to vector<16xf32>
      %swap3A_329 = vector.shape_cast %scan3A_312#1 : vector<16xf32> to vector<16xf32>
      tpu.vector_store %arg20[%swap3A_326], %swap3A_329 {strides = array<i32>} : memref<128xf32, #tpu.memory_space<vmem>>, vector<16xf32>,
      %swap3A_330 = arith.constant 32 : index
      %swap3A_331 = tpu.vector_load %arg20[%swap3A_330] {strides = array<i32>} : memref<128xf32, #tpu.memory_space<vmem>>, vector<16xf32>,
      %swap3A_332 = vector.shape_cast %swap3A_331 : vector<16xf32> to vector<16xf32>
      %swap3A_333 = vector.shape_cast %max3A_246 : vector<16xf32> to vector<16xf32>
      tpu.vector_store %arg20[%swap3A_330], %swap3A_333 {strides = array<i32>} : memref<128xf32, #tpu.memory_space<vmem>>, vector<16xf32>,
      %swap3A_334 = arith.constant 96 : index
      %swap3A_335 = tpu.vector_load %arg20[%swap3A_334] {strides = array<i32>} : memref<128xf32, #tpu.memory_space<vmem>>, vector<16xf32>,
      %swap3A_336 = vector.shape_cast %swap3A_335 : vector<16xf32> to vector<16xf32>
      %swap3A_337 = vector.shape_cast %scan3A_312#2 : vector<16xf32> to vector<16xf32>
      tpu.vector_store %arg20[%swap3A_334], %swap3A_337 {strides = array<i32>} : memref<128xf32, #tpu.memory_space<vmem>>, vector<16xf32>,
      %swap3A_338 = arith.constant 48 : index
      %swap3A_339 = tpu.vector_load %arg20[%swap3A_338] {strides = array<i32>} : memref<128xf32, #tpu.memory_space<vmem>>, vector<16xf32>,
      %swap3A_340 = vector.shape_cast %swap3A_339 : vector<16xf32> to vector<16xf32>
      %swap3A_341 = vector.shape_cast %max3A_249 : vector<16xf32> to vector<16xf32>
      tpu.vector_store %arg20[%swap3A_338], %swap3A_341 {strides = array<i32>} : memref<128xf32, #tpu.memory_space<vmem>>, vector<16xf32>,
      %swap3A_342 = arith.constant 112 : index
      %swap3A_343 = tpu.vector_load %arg20[%swap3A_342] {strides = array<i32>} : memref<128xf32, #tpu.memory_space<vmem>>, vector<16xf32>,
      %swap3A_344 = vector.shape_cast %swap3A_343 : vector<16xf32> to vector<16xf32>
      %swap3A_345 = vector.shape_cast %scan3A_312#3 : vector<16xf32> to vector<16xf32>
      tpu.vector_store %arg20[%swap3A_342], %swap3A_345 {strides = array<i32>} : memref<128xf32, #tpu.memory_space<vmem>>, vector<16xf32>,
      %jit3A_346 = arith.constant 2 : i32
      %eq3A_347 = arith.constant 0 : i32
      %eq3A_348 = arith.cmpi eq, %jit3A_346, %eq3A_347 : i32
      %jit3A_349 = arith.constant 1 : i32
      %select_n3A_350 = arith.select %eq3A_348, %jit3A_349, %jit3A_346 : i32
      %rem3A_351 = arith.remsi %scan3A_63, %select_n3A_350 : i32
      %ne3A_352 = arith.constant 0 : i32
      %ne3A_353 = arith.cmpi ne, %rem3A_351, %ne3A_352 : i32
      %lt3A_354 = arith.constant 0 : i32
      %lt3A_355 = arith.cmpi slt, %rem3A_351, %lt3A_354 : i32
      %lt3A_356 = arith.constant 0 : i32
      %lt3A_357 = arith.cmpi slt, %select_n3A_350, %lt3A_356 : i32
      %ne3A_358 = arith.xori %lt3A_355, %lt3A_357 : i1
      %and3A_359 = arith.andi %ne3A_358, %ne3A_353 : i1
      %add3A_360 = arith.addi %rem3A_351, %select_n3A_350 : i32
      %select_n3A_361 = arith.select %and3A_359, %add3A_360, %rem3A_351 : i32
      %dma_start3A = arith.constant 0 : i32
      %dma_start3A_362 = tpu.memref_slice %arg22[%select_n3A_361, %arg1, %dma_start3A] : memref<2x16x128xf32, #tpu.memory_space<vmem_shared>> -> memref<1x1x128xf32, #tpu.memory_space<vmem_shared>>
      %dma_start3A_363 = tpu.memref_squeeze %dma_start3A_362 : memref<1x1x128xf32, #tpu.memory_space<vmem_shared>> -> memref<128xf32, #tpu.memory_space<vmem_shared>>
      %dma_start3A_364 = arith.constant 0 : i32
      %dma_start3A_365 = tpu.memref_slice %arg22[%select_n3A_361, %arg1, %dma_start3A_364] : memref<2x16x128xf32, #tpu.memory_space<vmem_shared>> -> memref<1x1x128xf32, #tpu.memory_space<vmem_shared>>
      %dma_start3A_366 = tpu.memref_squeeze %dma_start3A_365 : memref<1x1x128xf32, #tpu.memory_space<vmem_shared>> -> memref<128xf32, #tpu.memory_space<vmem_shared>>
      tpu.enqueue_dma source(%arg20 : memref<128xf32, #tpu.memory_space<vmem>>) target(%dma_start3A_366 : memref<128xf32, #tpu.memory_space<vmem_shared>>) target_semaphore(%arg23 : memref<!tpu.dma_semaphore, #tpu.memory_space<semaphore_mem>>)
      %mul3A_367 = arith.constant 16 : i32
      %mul3A_368 = arith.muli %min3A, %mul3A_367 : i32
      %get3A_369 = arith.index_cast %mul3A_368 : i32 to index
      %get3A_370 = tpu.vector_load %arg11[%get3A_369] {strides = array<i32>} : memref<256xf32, #tpu.memory_space<vmem>>, vector<16xf32>,
      %get3A_371 = vector.shape_cast %get3A_370 : vector<16xf32> to vector<16xf32>
      %jit3A_372 = arith.constant 1.000000e+00 : f32
      %jit3A_373 = arith.constant 0.000000e+00 : f32
      %select_n3A_374 = arith.select %lt3A_66, %jit3A_372, %jit3A_373 : f32
      %mul3A_375 = vector.broadcast %select_n3A_374 : f32 to vector<16xf32>
      %mul3A_376 = arith.mulf %get3A_371, %mul3A_375 : vector<16xf32>
      %broadcast_in_dim3A_377 = arith.constant 0.000000e+00 : f32
      %broadcast_in_dim3A_378 = vector.broadcast %broadcast_in_dim3A_377 : f32 to vector<16xf32>
      %slice3A_379 = vector.extract_strided_slice %mul3A_376 {offsets = [0], sizes = [1], strides = [1]} : vector<16xf32> to vector<1xf32>
      %squeeze3A_380 = vector.extract %slice3A_379[0] : f32 from vector<1xf32>
      %eq3A_381 = arith.constant 0.000000e+00 : f32
      %eq3A_382 = vector.broadcast %eq3A_381 : f32 to vector<16xf32>
      %eq3A_383 = arith.cmpf oeq, %convert_element_type3A, %eq3A_382 : vector<16xf32>
      %jit3A_384 = arith.constant 1.000000e+00 : f32
      %jit3A_385 = arith.constant 0.000000e+00 : f32
      %broadcast_in_dim3A_386 = vector.broadcast %jit3A_384 : f32 to vector<16xf32>
      %broadcast_in_dim3A_387 = vector.broadcast %jit3A_385 : f32 to vector<16xf32>
      %select_n3A_388 = arith.select %eq3A_383, %broadcast_in_dim3A_386, %broadcast_in_dim3A_387 : vector<16xi1>, vector<16xf32>
      %mul3A_389 = arith.constant 0.000000e+00 : f32
      %mul3A_390 = arith.mulf %squeeze3A_380, %mul3A_389 : f32
      %mul3A_391 = vector.broadcast %mul3A_390 : f32 to vector<16xf32>
      %mul3A_392 = arith.mulf %mul3A_391, %select_n3A_388 : vector<16xf32>
      %add3A_393 = arith.addf %broadcast_in_dim3A_378, %mul3A_392 : vector<16xf32>
      %add3A_394 = arith.constant 0.000000e+00 : f32
      %add3A_395 = arith.addf %add3A_394, %squeeze3A_380 : f32
      %slice3A_396 = vector.extract_strided_slice %mul3A_376 {offsets = [1], sizes = [1], strides = [1]} : vector<16xf32> to vector<1xf32>
      %squeeze3A_397 = vector.extract %slice3A_396[0] : f32 from vector<1xf32>
      %eq3A_398 = vector.broadcast %add3A_395 : f32 to vector<16xf32>
      %eq3A_399 = arith.cmpf oeq, %convert_element_type3A, %eq3A_398 : vector<16xf32>
      %jit3A_400 = arith.constant 1.000000e+00 : f32
      %jit3A_401 = arith.constant 0.000000e+00 : f32
      %broadcast_in_dim3A_402 = vector.broadcast %jit3A_400 : f32 to vector<16xf32>
      %broadcast_in_dim3A_403 = vector.broadcast %jit3A_401 : f32 to vector<16xf32>
      %select_n3A_404 = arith.select %eq3A_399, %broadcast_in_dim3A_402, %broadcast_in_dim3A_403 : vector<16xi1>, vector<16xf32>
      %mul3A_405 = arith.constant 1.000000e+00 : f32
      %mul3A_406 = arith.mulf %squeeze3A_397, %mul3A_405 : f32
      %mul3A_407 = vector.broadcast %mul3A_406 : f32 to vector<16xf32>
      %mul3A_408 = arith.mulf %mul3A_407, %select_n3A_404 : vector<16xf32>
      %add3A_409 = arith.addf %add3A_393, %mul3A_408 : vector<16xf32>
      %add3A_410 = arith.addf %add3A_395, %squeeze3A_397 : f32
      %slice3A_411 = vector.extract_strided_slice %mul3A_376 {offsets = [2], sizes = [1], strides = [1]} : vector<16xf32> to vector<1xf32>
      %squeeze3A_412 = vector.extract %slice3A_411[0] : f32 from vector<1xf32>
      %eq3A_413 = vector.broadcast %add3A_410 : f32 to vector<16xf32>
      %eq3A_414 = arith.cmpf oeq, %convert_element_type3A, %eq3A_413 : vector<16xf32>
      %jit3A_415 = arith.constant 1.000000e+00 : f32
      %jit3A_416 = arith.constant 0.000000e+00 : f32
      %broadcast_in_dim3A_417 = vector.broadcast %jit3A_415 : f32 to vector<16xf32>
      %broadcast_in_dim3A_418 = vector.broadcast %jit3A_416 : f32 to vector<16xf32>
      %select_n3A_419 = arith.select %eq3A_414, %broadcast_in_dim3A_417, %broadcast_in_dim3A_418 : vector<16xi1>, vector<16xf32>
      %mul3A_420 = arith.constant 2.000000e+00 : f32
      %mul3A_421 = arith.mulf %squeeze3A_412, %mul3A_420 : f32
      %mul3A_422 = vector.broadcast %mul3A_421 : f32 to vector<16xf32>
      %mul3A_423 = arith.mulf %mul3A_422, %select_n3A_419 : vector<16xf32>
      %add3A_424 = arith.addf %add3A_409, %mul3A_423 : vector<16xf32>
      %add3A_425 = arith.addf %add3A_410, %squeeze3A_412 : f32
      %slice3A_426 = vector.extract_strided_slice %mul3A_376 {offsets = [3], sizes = [1], strides = [1]} : vector<16xf32> to vector<1xf32>
      %squeeze3A_427 = vector.extract %slice3A_426[0] : f32 from vector<1xf32>
      %eq3A_428 = vector.broadcast %add3A_425 : f32 to vector<16xf32>
      %eq3A_429 = arith.cmpf oeq, %convert_element_type3A, %eq3A_428 : vector<16xf32>
      %jit3A_430 = arith.constant 1.000000e+00 : f32
      %jit3A_431 = arith.constant 0.000000e+00 : f32
      %broadcast_in_dim3A_432 = vector.broadcast %jit3A_430 : f32 to vector<16xf32>
      %broadcast_in_dim3A_433 = vector.broadcast %jit3A_431 : f32 to vector<16xf32>
      %select_n3A_434 = arith.select %eq3A_429, %broadcast_in_dim3A_432, %broadcast_in_dim3A_433 : vector<16xi1>, vector<16xf32>
      %mul3A_435 = arith.constant 3.000000e+00 : f32
      %mul3A_436 = arith.mulf %squeeze3A_427, %mul3A_435 : f32
      %mul3A_437 = vector.broadcast %mul3A_436 : f32 to vector<16xf32>
      %mul3A_438 = arith.mulf %mul3A_437, %select_n3A_434 : vector<16xf32>
      %add3A_439 = arith.addf %add3A_424, %mul3A_438 : vector<16xf32>
      %add3A_440 = arith.addf %add3A_425, %squeeze3A_427 : f32
      %slice3A_441 = vector.extract_strided_slice %mul3A_376 {offsets = [4], sizes = [1], strides = [1]} : vector<16xf32> to vector<1xf32>
      %squeeze3A_442 = vector.extract %slice3A_441[0] : f32 from vector<1xf32>
      %eq3A_443 = vector.broadcast %add3A_440 : f32 to vector<16xf32>
      %eq3A_444 = arith.cmpf oeq, %convert_element_type3A, %eq3A_443 : vector<16xf32>
      %jit3A_445 = arith.constant 1.000000e+00 : f32
      %jit3A_446 = arith.constant 0.000000e+00 : f32
      %broadcast_in_dim3A_447 = vector.broadcast %jit3A_445 : f32 to vector<16xf32>
      %broadcast_in_dim3A_448 = vector.broadcast %jit3A_446 : f32 to vector<16xf32>
      %select_n3A_449 = arith.select %eq3A_444, %broadcast_in_dim3A_447, %broadcast_in_dim3A_448 : vector<16xi1>, vector<16xf32>
      %mul3A_450 = arith.constant 4.000000e+00 : f32
      %mul3A_451 = arith.mulf %squeeze3A_442, %mul3A_450 : f32
      %mul3A_452 = vector.broadcast %mul3A_451 : f32 to vector<16xf32>
      %mul3A_453 = arith.mulf %mul3A_452, %select_n3A_449 : vector<16xf32>
      %add3A_454 = arith.addf %add3A_439, %mul3A_453 : vector<16xf32>
      %add3A_455 = arith.addf %add3A_440, %squeeze3A_442 : f32
      %slice3A_456 = vector.extract_strided_slice %mul3A_376 {offsets = [5], sizes = [1], strides = [1]} : vector<16xf32> to vector<1xf32>
      %squeeze3A_457 = vector.extract %slice3A_456[0] : f32 from vector<1xf32>
      %eq3A_458 = vector.broadcast %add3A_455 : f32 to vector<16xf32>
      %eq3A_459 = arith.cmpf oeq, %convert_element_type3A, %eq3A_458 : vector<16xf32>
      %jit3A_460 = arith.constant 1.000000e+00 : f32
      %jit3A_461 = arith.constant 0.000000e+00 : f32
      %broadcast_in_dim3A_462 = vector.broadcast %jit3A_460 : f32 to vector<16xf32>
      %broadcast_in_dim3A_463 = vector.broadcast %jit3A_461 : f32 to vector<16xf32>
      %select_n3A_464 = arith.select %eq3A_459, %broadcast_in_dim3A_462, %broadcast_in_dim3A_463 : vector<16xi1>, vector<16xf32>
      %mul3A_465 = arith.constant 5.000000e+00 : f32
      %mul3A_466 = arith.mulf %squeeze3A_457, %mul3A_465 : f32
      %mul3A_467 = vector.broadcast %mul3A_466 : f32 to vector<16xf32>
      %mul3A_468 = arith.mulf %mul3A_467, %select_n3A_464 : vector<16xf32>
      %add3A_469 = arith.addf %add3A_454, %mul3A_468 : vector<16xf32>
      %add3A_470 = arith.addf %add3A_455, %squeeze3A_457 : f32
      %slice3A_471 = vector.extract_strided_slice %mul3A_376 {offsets = [6], sizes = [1], strides = [1]} : vector<16xf32> to vector<1xf32>
      %squeeze3A_472 = vector.extract %slice3A_471[0] : f32 from vector<1xf32>
      %eq3A_473 = vector.broadcast %add3A_470 : f32 to vector<16xf32>
      %eq3A_474 = arith.cmpf oeq, %convert_element_type3A, %eq3A_473 : vector<16xf32>
      %jit3A_475 = arith.constant 1.000000e+00 : f32
      %jit3A_476 = arith.constant 0.000000e+00 : f32
      %broadcast_in_dim3A_477 = vector.broadcast %jit3A_475 : f32 to vector<16xf32>
      %broadcast_in_dim3A_478 = vector.broadcast %jit3A_476 : f32 to vector<16xf32>
      %select_n3A_479 = arith.select %eq3A_474, %broadcast_in_dim3A_477, %broadcast_in_dim3A_478 : vector<16xi1>, vector<16xf32>
      %mul3A_480 = arith.constant 6.000000e+00 : f32
      %mul3A_481 = arith.mulf %squeeze3A_472, %mul3A_480 : f32
      %mul3A_482 = vector.broadcast %mul3A_481 : f32 to vector<16xf32>
      %mul3A_483 = arith.mulf %mul3A_482, %select_n3A_479 : vector<16xf32>
      %add3A_484 = arith.addf %add3A_469, %mul3A_483 : vector<16xf32>
      %add3A_485 = arith.addf %add3A_470, %squeeze3A_472 : f32
      %slice3A_486 = vector.extract_strided_slice %mul3A_376 {offsets = [7], sizes = [1], strides = [1]} : vector<16xf32> to vector<1xf32>
      %squeeze3A_487 = vector.extract %slice3A_486[0] : f32 from vector<1xf32>
      %eq3A_488 = vector.broadcast %add3A_485 : f32 to vector<16xf32>
      %eq3A_489 = arith.cmpf oeq, %convert_element_type3A, %eq3A_488 : vector<16xf32>
      %jit3A_490 = arith.constant 1.000000e+00 : f32
      %jit3A_491 = arith.constant 0.000000e+00 : f32
      %broadcast_in_dim3A_492 = vector.broadcast %jit3A_490 : f32 to vector<16xf32>
      %broadcast_in_dim3A_493 = vector.broadcast %jit3A_491 : f32 to vector<16xf32>
      %select_n3A_494 = arith.select %eq3A_489, %broadcast_in_dim3A_492, %broadcast_in_dim3A_493 : vector<16xi1>, vector<16xf32>
      %mul3A_495 = arith.constant 7.000000e+00 : f32
      %mul3A_496 = arith.mulf %squeeze3A_487, %mul3A_495 : f32
      %mul3A_497 = vector.broadcast %mul3A_496 : f32 to vector<16xf32>
      %mul3A_498 = arith.mulf %mul3A_497, %select_n3A_494 : vector<16xf32>
      %add3A_499 = arith.addf %add3A_484, %mul3A_498 : vector<16xf32>
      %add3A_500 = arith.addf %add3A_485, %squeeze3A_487 : f32
      %slice3A_501 = vector.extract_strided_slice %mul3A_376 {offsets = [8], sizes = [1], strides = [1]} : vector<16xf32> to vector<1xf32>
      %squeeze3A_502 = vector.extract %slice3A_501[0] : f32 from vector<1xf32>
      %eq3A_503 = vector.broadcast %add3A_500 : f32 to vector<16xf32>
      %eq3A_504 = arith.cmpf oeq, %convert_element_type3A, %eq3A_503 : vector<16xf32>
      %jit3A_505 = arith.constant 1.000000e+00 : f32
      %jit3A_506 = arith.constant 0.000000e+00 : f32
      %broadcast_in_dim3A_507 = vector.broadcast %jit3A_505 : f32 to vector<16xf32>
      %broadcast_in_dim3A_508 = vector.broadcast %jit3A_506 : f32 to vector<16xf32>
      %select_n3A_509 = arith.select %eq3A_504, %broadcast_in_dim3A_507, %broadcast_in_dim3A_508 : vector<16xi1>, vector<16xf32>
      %mul3A_510 = arith.constant 8.000000e+00 : f32
      %mul3A_511 = arith.mulf %squeeze3A_502, %mul3A_510 : f32
      %mul3A_512 = vector.broadcast %mul3A_511 : f32 to vector<16xf32>
      %mul3A_513 = arith.mulf %mul3A_512, %select_n3A_509 : vector<16xf32>
      %add3A_514 = arith.addf %add3A_499, %mul3A_513 : vector<16xf32>
      %add3A_515 = arith.addf %add3A_500, %squeeze3A_502 : f32
      %slice3A_516 = vector.extract_strided_slice %mul3A_376 {offsets = [9], sizes = [1], strides = [1]} : vector<16xf32> to vector<1xf32>
      %squeeze3A_517 = vector.extract %slice3A_516[0] : f32 from vector<1xf32>
      %eq3A_518 = vector.broadcast %add3A_515 : f32 to vector<16xf32>
      %eq3A_519 = arith.cmpf oeq, %convert_element_type3A, %eq3A_518 : vector<16xf32>
      %jit3A_520 = arith.constant 1.000000e+00 : f32
      %jit3A_521 = arith.constant 0.000000e+00 : f32
      %broadcast_in_dim3A_522 = vector.broadcast %jit3A_520 : f32 to vector<16xf32>
      %broadcast_in_dim3A_523 = vector.broadcast %jit3A_521 : f32 to vector<16xf32>
      %select_n3A_524 = arith.select %eq3A_519, %broadcast_in_dim3A_522, %broadcast_in_dim3A_523 : vector<16xi1>, vector<16xf32>
      %mul3A_525 = arith.constant 9.000000e+00 : f32
      %mul3A_526 = arith.mulf %squeeze3A_517, %mul3A_525 : f32
      %mul3A_527 = vector.broadcast %mul3A_526 : f32 to vector<16xf32>
      %mul3A_528 = arith.mulf %mul3A_527, %select_n3A_524 : vector<16xf32>
      %add3A_529 = arith.addf %add3A_514, %mul3A_528 : vector<16xf32>
      %add3A_530 = arith.addf %add3A_515, %squeeze3A_517 : f32
      %slice3A_531 = vector.extract_strided_slice %mul3A_376 {offsets = [10], sizes = [1], strides = [1]} : vector<16xf32> to vector<1xf32>
      %squeeze3A_532 = vector.extract %slice3A_531[0] : f32 from vector<1xf32>
      %eq3A_533 = vector.broadcast %add3A_530 : f32 to vector<16xf32>
      %eq3A_534 = arith.cmpf oeq, %convert_element_type3A, %eq3A_533 : vector<16xf32>
      %jit3A_535 = arith.constant 1.000000e+00 : f32
      %jit3A_536 = arith.constant 0.000000e+00 : f32
      %broadcast_in_dim3A_537 = vector.broadcast %jit3A_535 : f32 to vector<16xf32>
      %broadcast_in_dim3A_538 = vector.broadcast %jit3A_536 : f32 to vector<16xf32>
      %select_n3A_539 = arith.select %eq3A_534, %broadcast_in_dim3A_537, %broadcast_in_dim3A_538 : vector<16xi1>, vector<16xf32>
      %mul3A_540 = arith.constant 1.000000e+01 : f32
      %mul3A_541 = arith.mulf %squeeze3A_532, %mul3A_540 : f32
      %mul3A_542 = vector.broadcast %mul3A_541 : f32 to vector<16xf32>
      %mul3A_543 = arith.mulf %mul3A_542, %select_n3A_539 : vector<16xf32>
      %add3A_544 = arith.addf %add3A_529, %mul3A_543 : vector<16xf32>
      %add3A_545 = arith.addf %add3A_530, %squeeze3A_532 : f32
      %slice3A_546 = vector.extract_strided_slice %mul3A_376 {offsets = [11], sizes = [1], strides = [1]} : vector<16xf32> to vector<1xf32>
      %squeeze3A_547 = vector.extract %slice3A_546[0] : f32 from vector<1xf32>
      %eq3A_548 = vector.broadcast %add3A_545 : f32 to vector<16xf32>
      %eq3A_549 = arith.cmpf oeq, %convert_element_type3A, %eq3A_548 : vector<16xf32>
      %jit3A_550 = arith.constant 1.000000e+00 : f32
      %jit3A_551 = arith.constant 0.000000e+00 : f32
      %broadcast_in_dim3A_552 = vector.broadcast %jit3A_550 : f32 to vector<16xf32>
      %broadcast_in_dim3A_553 = vector.broadcast %jit3A_551 : f32 to vector<16xf32>
      %select_n3A_554 = arith.select %eq3A_549, %broadcast_in_dim3A_552, %broadcast_in_dim3A_553 : vector<16xi1>, vector<16xf32>
      %mul3A_555 = arith.constant 1.100000e+01 : f32
      %mul3A_556 = arith.mulf %squeeze3A_547, %mul3A_555 : f32
      %mul3A_557 = vector.broadcast %mul3A_556 : f32 to vector<16xf32>
      %mul3A_558 = arith.mulf %mul3A_557, %select_n3A_554 : vector<16xf32>
      %add3A_559 = arith.addf %add3A_544, %mul3A_558 : vector<16xf32>
      %add3A_560 = arith.addf %add3A_545, %squeeze3A_547 : f32
      %slice3A_561 = vector.extract_strided_slice %mul3A_376 {offsets = [12], sizes = [1], strides = [1]} : vector<16xf32> to vector<1xf32>
      %squeeze3A_562 = vector.extract %slice3A_561[0] : f32 from vector<1xf32>
      %eq3A_563 = vector.broadcast %add3A_560 : f32 to vector<16xf32>
      %eq3A_564 = arith.cmpf oeq, %convert_element_type3A, %eq3A_563 : vector<16xf32>
      %jit3A_565 = arith.constant 1.000000e+00 : f32
      %jit3A_566 = arith.constant 0.000000e+00 : f32
      %broadcast_in_dim3A_567 = vector.broadcast %jit3A_565 : f32 to vector<16xf32>
      %broadcast_in_dim3A_568 = vector.broadcast %jit3A_566 : f32 to vector<16xf32>
      %select_n3A_569 = arith.select %eq3A_564, %broadcast_in_dim3A_567, %broadcast_in_dim3A_568 : vector<16xi1>, vector<16xf32>
      %mul3A_570 = arith.constant 1.200000e+01 : f32
      %mul3A_571 = arith.mulf %squeeze3A_562, %mul3A_570 : f32
      %mul3A_572 = vector.broadcast %mul3A_571 : f32 to vector<16xf32>
      %mul3A_573 = arith.mulf %mul3A_572, %select_n3A_569 : vector<16xf32>
      %add3A_574 = arith.addf %add3A_559, %mul3A_573 : vector<16xf32>
      %add3A_575 = arith.addf %add3A_560, %squeeze3A_562 : f32
      %slice3A_576 = vector.extract_strided_slice %mul3A_376 {offsets = [13], sizes = [1], strides = [1]} : vector<16xf32> to vector<1xf32>
      %squeeze3A_577 = vector.extract %slice3A_576[0] : f32 from vector<1xf32>
      %eq3A_578 = vector.broadcast %add3A_575 : f32 to vector<16xf32>
      %eq3A_579 = arith.cmpf oeq, %convert_element_type3A, %eq3A_578 : vector<16xf32>
      %jit3A_580 = arith.constant 1.000000e+00 : f32
      %jit3A_581 = arith.constant 0.000000e+00 : f32
      %broadcast_in_dim3A_582 = vector.broadcast %jit3A_580 : f32 to vector<16xf32>
      %broadcast_in_dim3A_583 = vector.broadcast %jit3A_581 : f32 to vector<16xf32>
      %select_n3A_584 = arith.select %eq3A_579, %broadcast_in_dim3A_582, %broadcast_in_dim3A_583 : vector<16xi1>, vector<16xf32>
      %mul3A_585 = arith.constant 1.300000e+01 : f32
      %mul3A_586 = arith.mulf %squeeze3A_577, %mul3A_585 : f32
      %mul3A_587 = vector.broadcast %mul3A_586 : f32 to vector<16xf32>
      %mul3A_588 = arith.mulf %mul3A_587, %select_n3A_584 : vector<16xf32>
      %add3A_589 = arith.addf %add3A_574, %mul3A_588 : vector<16xf32>
      %add3A_590 = arith.addf %add3A_575, %squeeze3A_577 : f32
      %slice3A_591 = vector.extract_strided_slice %mul3A_376 {offsets = [14], sizes = [1], strides = [1]} : vector<16xf32> to vector<1xf32>
      %squeeze3A_592 = vector.extract %slice3A_591[0] : f32 from vector<1xf32>
      %eq3A_593 = vector.broadcast %add3A_590 : f32 to vector<16xf32>
      %eq3A_594 = arith.cmpf oeq, %convert_element_type3A, %eq3A_593 : vector<16xf32>
      %jit3A_595 = arith.constant 1.000000e+00 : f32
      %jit3A_596 = arith.constant 0.000000e+00 : f32
      %broadcast_in_dim3A_597 = vector.broadcast %jit3A_595 : f32 to vector<16xf32>
      %broadcast_in_dim3A_598 = vector.broadcast %jit3A_596 : f32 to vector<16xf32>
      %select_n3A_599 = arith.select %eq3A_594, %broadcast_in_dim3A_597, %broadcast_in_dim3A_598 : vector<16xi1>, vector<16xf32>
      %mul3A_600 = arith.constant 1.400000e+01 : f32
      %mul3A_601 = arith.mulf %squeeze3A_592, %mul3A_600 : f32
      %mul3A_602 = vector.broadcast %mul3A_601 : f32 to vector<16xf32>
      %mul3A_603 = arith.mulf %mul3A_602, %select_n3A_599 : vector<16xf32>
      %add3A_604 = arith.addf %add3A_589, %mul3A_603 : vector<16xf32>
      %add3A_605 = arith.addf %add3A_590, %squeeze3A_592 : f32
      %slice3A_606 = vector.extract_strided_slice %mul3A_376 {offsets = [15], sizes = [1], strides = [1]} : vector<16xf32> to vector<1xf32>
      %squeeze3A_607 = vector.extract %slice3A_606[0] : f32 from vector<1xf32>
      %eq3A_608 = vector.broadcast %add3A_605 : f32 to vector<16xf32>
      %eq3A_609 = arith.cmpf oeq, %convert_element_type3A, %eq3A_608 : vector<16xf32>
      %jit3A_610 = arith.constant 1.000000e+00 : f32
      %jit3A_611 = arith.constant 0.000000e+00 : f32
      %broadcast_in_dim3A_612 = vector.broadcast %jit3A_610 : f32 to vector<16xf32>
      %broadcast_in_dim3A_613 = vector.broadcast %jit3A_611 : f32 to vector<16xf32>
      %select_n3A_614 = arith.select %eq3A_609, %broadcast_in_dim3A_612, %broadcast_in_dim3A_613 : vector<16xi1>, vector<16xf32>
      %mul3A_615 = arith.constant 1.500000e+01 : f32
      %mul3A_616 = arith.mulf %squeeze3A_607, %mul3A_615 : f32
      %mul3A_617 = vector.broadcast %mul3A_616 : f32 to vector<16xf32>
      %mul3A_618 = arith.mulf %mul3A_617, %select_n3A_614 : vector<16xf32>
      %add3A_619 = arith.addf %add3A_604, %mul3A_618 : vector<16xf32>
      %add3A_620 = arith.addf %add3A_605, %squeeze3A_607 : f32
      %min3A_621 = arith.constant 80 : i32
      %min3A_622 = arith.minsi %scan3A_65, %min3A_621 : i32
      %convert_element_type3A_623 = arith.fptosi %add3A_619 : vector<16xf32> to vector<16xi32>
      %swap3A_624 = arith.index_cast %min3A_622 : i32 to index
      %swap3A_625 = tpu.vector_load %arg16[%swap3A_624] {strides = array<i32>} : memref<96xi32, #tpu.memory_space<vmem>>, vector<16xi32>,
      %swap3A_626 = vector.shape_cast %swap3A_625 : vector<16xi32> to vector<16xi32>
      %swap3A_627 = vector.shape_cast %convert_element_type3A_623 : vector<16xi32> to vector<16xi32>
      tpu.vector_store %arg16[%swap3A_624], %swap3A_627 {strides = array<i32>} : memref<96xi32, #tpu.memory_space<vmem>>, vector<16xi32>,
      %broadcast_in_dim3A_628 = vector.broadcast %scan3A_63 : i32 to vector<16xi32>
      %swap3A_629 = arith.index_cast %min3A_622 : i32 to index
      %swap3A_630 = tpu.vector_load %arg17[%swap3A_629] {strides = array<i32>} : memref<96xi32, #tpu.memory_space<vmem>>, vector<16xi32>,
      %swap3A_631 = vector.shape_cast %swap3A_630 : vector<16xi32> to vector<16xi32>
      %swap3A_632 = vector.shape_cast %broadcast_in_dim3A_628 : vector<16xi32> to vector<16xi32>
      tpu.vector_store %arg17[%swap3A_629], %swap3A_632 {strides = array<i32>} : memref<96xi32, #tpu.memory_space<vmem>>, vector<16xi32>,
      %dma_wait3A = arith.constant 0 : i32
      %dma_wait3A_633 = tpu.memref_slice %arg22[%select_n3A_361, %arg1, %dma_wait3A] : memref<2x16x128xf32, #tpu.memory_space<vmem_shared>> -> memref<1x1x128xf32, #tpu.memory_space<vmem_shared>>
      %dma_wait3A_634 = tpu.memref_squeeze %dma_wait3A_633 : memref<1x1x128xf32, #tpu.memory_space<vmem_shared>> -> memref<128xf32, #tpu.memory_space<vmem_shared>>
      %dma_wait3A_635 = arith.constant 0 : i32
      %dma_wait3A_636 = tpu.memref_slice %arg22[%select_n3A_361, %arg1, %dma_wait3A_635] : memref<2x16x128xf32, #tpu.memory_space<vmem_shared>> -> memref<1x1x128xf32, #tpu.memory_space<vmem_shared>>
      %dma_wait3A_637 = tpu.memref_squeeze %dma_wait3A_636 : memref<1x1x128xf32, #tpu.memory_space<vmem_shared>> -> memref<128xf32, #tpu.memory_space<vmem_shared>>
      tpu.wait_dma2 semaphore(%arg23 : memref<!tpu.dma_semaphore, #tpu.memory_space<semaphore_mem>>) src(%arg20 : memref<128xf32, #tpu.memory_space<vmem>>) dst(%dma_wait3A_637 : memref<128xf32, #tpu.memory_space<vmem_shared>>)
      %barrier3A = arith.constant 0 : index
      tpu.barrier barrier_id(%barrier3A)
      "tpu.region"() ({
        %run_scoped3A = tpu.sem_alloc : memref<!tpu.dma_semaphore, #tpu.memory_space<semaphore_mem>>
        %dma_start3A_780 = arith.constant 0 : i32
        %dma_start3A_781 = tpu.memref_slice %arg22[%select_n3A_361, %add3A_35, %dma_start3A_780] : memref<2x16x128xf32, #tpu.memory_space<vmem_shared>> -> memref<1x1x128xf32, #tpu.memory_space<vmem_shared>>
        %dma_start3A_782 = tpu.memref_squeeze %dma_start3A_781 : memref<1x1x128xf32, #tpu.memory_space<vmem_shared>> -> memref<128xf32, #tpu.memory_space<vmem_shared>>
        %dma_start3A_783 = arith.constant 0 : i32
        %dma_start3A_784 = tpu.memref_slice %arg22[%select_n3A_361, %add3A_35, %dma_start3A_783] : memref<2x16x128xf32, #tpu.memory_space<vmem_shared>> -> memref<1x1x128xf32, #tpu.memory_space<vmem_shared>>
        %dma_start3A_785 = tpu.memref_squeeze %dma_start3A_784 : memref<1x1x128xf32, #tpu.memory_space<vmem_shared>> -> memref<128xf32, #tpu.memory_space<vmem_shared>>
        tpu.enqueue_dma source(%dma_start3A_785 : memref<128xf32, #tpu.memory_space<vmem_shared>>) target(%arg21 : memref<128xf32, #tpu.memory_space<vmem>>) target_semaphore(%run_scoped3A : memref<!tpu.dma_semaphore, #tpu.memory_space<semaphore_mem>>)
        %dma_wait3A_786 = arith.constant 0 : i32
        %dma_wait3A_787 = tpu.memref_slice %arg22[%select_n3A_361, %add3A_35, %dma_wait3A_786] : memref<2x16x128xf32, #tpu.memory_space<vmem_shared>> -> memref<1x1x128xf32, #tpu.memory_space<vmem_shared>>
        %dma_wait3A_788 = tpu.memref_squeeze %dma_wait3A_787 : memref<1x1x128xf32, #tpu.memory_space<vmem_shared>> -> memref<128xf32, #tpu.memory_space<vmem_shared>>
        %dma_wait3A_789 = arith.constant 0 : i32
        %dma_wait3A_790 = tpu.memref_slice %arg22[%select_n3A_361, %add3A_35, %dma_wait3A_789] : memref<2x16x128xf32, #tpu.memory_space<vmem_shared>> -> memref<1x1x128xf32, #tpu.memory_space<vmem_shared>>
        %dma_wait3A_791 = tpu.memref_squeeze %dma_wait3A_790 : memref<1x1x128xf32, #tpu.memory_space<vmem_shared>> -> memref<128xf32, #tpu.memory_space<vmem_shared>>
        tpu.wait_dma2 semaphore(%run_scoped3A : memref<!tpu.dma_semaphore, #tpu.memory_space<semaphore_mem>>) src(%dma_wait3A_791 : memref<128xf32, #tpu.memory_space<vmem_shared>>) dst(%arg21 : memref<128xf32, #tpu.memory_space<vmem>>)
        tpu.yield
      }) : () -> ()
      %jit3A_638 = arith.constant 16 : i32
      %select_n3A_639 = arith.select %lt3A_66, %min3A, %jit3A_638 : i32
      %sub3A_640 = arith.constant 64 : i32
      %sub3A_641 = arith.subi %sub3A_640, %mul3A_46 : i32
      %mul3A_642 = arith.constant 128 : i32
      %mul3A_643 = arith.muli %select_n3A_639, %mul3A_642 : i32
      %add3A_644 = arith.addi %mul3A_643, %mul3A_46 : i32
      %add3A_645 = arith.constant 0 : i32
      %add3A_646 = arith.addi %add3A_644, %add3A_645 : i32
      %swap3A_647 = arith.index_cast %add3A_646 : i32 to index
      %swap3A_648 = tpu.vector_load %arg10[%swap3A_647] {strides = array<i32>} : memref<2176xf32, #tpu.memory_space<vmem>>, vector<16xf32>,
      %swap3A_649 = vector.shape_cast %swap3A_648 : vector<16xf32> to vector<16xf32>
      %swap3A_650 = vector.shape_cast %max3A_240 : vector<16xf32> to vector<16xf32>
      tpu.vector_store %arg10[%swap3A_647], %swap3A_650 {strides = array<i32>} : memref<2176xf32, #tpu.memory_space<vmem>>, vector<16xf32>,
      %get3A_651 = arith.constant 0 : index
      %get3A_652 = tpu.vector_load %arg21[%get3A_651] {strides = array<i32>} : memref<128xf32, #tpu.memory_space<vmem>>, vector<16xf32>,
      %get3A_653 = vector.shape_cast %get3A_652 : vector<16xf32> to vector<16xf32>
      %mul3A_654 = arith.constant 128 : i32
      %mul3A_655 = arith.muli %select_n3A_639, %mul3A_654 : i32
      %add3A_656 = arith.addi %mul3A_655, %sub3A_641 : i32
      %add3A_657 = arith.constant 0 : i32
      %add3A_658 = arith.addi %add3A_656, %add3A_657 : i32
      %swap3A_659 = arith.index_cast %add3A_658 : i32 to index
      %swap3A_660 = tpu.vector_load %arg10[%swap3A_659] {strides = array<i32>} : memref<2176xf32, #tpu.memory_space<vmem>>, vector<16xf32>,
      %swap3A_661 = vector.shape_cast %swap3A_660 : vector<16xf32> to vector<16xf32>
      %swap3A_662 = vector.shape_cast %get3A_653 : vector<16xf32> to vector<16xf32>
      tpu.vector_store %arg10[%swap3A_659], %swap3A_662 {strides = array<i32>} : memref<2176xf32, #tpu.memory_space<vmem>>, vector<16xf32>,
      %mul3A_663 = arith.constant 128 : i32
      %mul3A_664 = arith.muli %select_n3A_639, %mul3A_663 : i32
      %add3A_665 = arith.addi %mul3A_664, %mul3A_46 : i32
      %add3A_666 = arith.constant 16 : i32
      %add3A_667 = arith.addi %add3A_665, %add3A_666 : i32
      %swap3A_668 = arith.index_cast %add3A_667 : i32 to index
      %swap3A_669 = tpu.vector_load %arg10[%swap3A_668] {strides = array<i32>} : memref<2176xf32, #tpu.memory_space<vmem>>, vector<16xf32>,
      %swap3A_670 = vector.shape_cast %swap3A_669 : vector<16xf32> to vector<16xf32>
      %swap3A_671 = vector.shape_cast %max3A_243 : vector<16xf32> to vector<16xf32>
      tpu.vector_store %arg10[%swap3A_668], %swap3A_671 {strides = array<i32>} : memref<2176xf32, #tpu.memory_space<vmem>>, vector<16xf32>,
      %get3A_672 = arith.constant 16 : index
      %get3A_673 = tpu.vector_load %arg21[%get3A_672] {strides = array<i32>} : memref<128xf32, #tpu.memory_space<vmem>>, vector<16xf32>,
      %get3A_674 = vector.shape_cast %get3A_673 : vector<16xf32> to vector<16xf32>
      %mul3A_675 = arith.constant 128 : i32
      %mul3A_676 = arith.muli %select_n3A_639, %mul3A_675 : i32
      %add3A_677 = arith.addi %mul3A_676, %sub3A_641 : i32
      %add3A_678 = arith.constant 16 : i32
      %add3A_679 = arith.addi %add3A_677, %add3A_678 : i32
      %swap3A_680 = arith.index_cast %add3A_679 : i32 to index
      %swap3A_681 = tpu.vector_load %arg10[%swap3A_680] {strides = array<i32>} : memref<2176xf32, #tpu.memory_space<vmem>>, vector<16xf32>,
      %swap3A_682 = vector.shape_cast %swap3A_681 : vector<16xf32> to vector<16xf32>
      %swap3A_683 = vector.shape_cast %get3A_674 : vector<16xf32> to vector<16xf32>
      tpu.vector_store %arg10[%swap3A_680], %swap3A_683 {strides = array<i32>} : memref<2176xf32, #tpu.memory_space<vmem>>, vector<16xf32>,
      %mul3A_684 = arith.constant 128 : i32
      %mul3A_685 = arith.muli %select_n3A_639, %mul3A_684 : i32
      %add3A_686 = arith.addi %mul3A_685, %mul3A_46 : i32
      %add3A_687 = arith.constant 32 : i32
      %add3A_688 = arith.addi %add3A_686, %add3A_687 : i32
      %swap3A_689 = arith.index_cast %add3A_688 : i32 to index
      %swap3A_690 = tpu.vector_load %arg10[%swap3A_689] {strides = array<i32>} : memref<2176xf32, #tpu.memory_space<vmem>>, vector<16xf32>,
      %swap3A_691 = vector.shape_cast %swap3A_690 : vector<16xf32> to vector<16xf32>
      %swap3A_692 = vector.shape_cast %max3A_246 : vector<16xf32> to vector<16xf32>
      tpu.vector_store %arg10[%swap3A_689], %swap3A_692 {strides = array<i32>} : memref<2176xf32, #tpu.memory_space<vmem>>, vector<16xf32>,
      %get3A_693 = arith.constant 32 : index
      %get3A_694 = tpu.vector_load %arg21[%get3A_693] {strides = array<i32>} : memref<128xf32, #tpu.memory_space<vmem>>, vector<16xf32>,
      %get3A_695 = vector.shape_cast %get3A_694 : vector<16xf32> to vector<16xf32>
      %mul3A_696 = arith.constant 128 : i32
      %mul3A_697 = arith.muli %select_n3A_639, %mul3A_696 : i32
      %add3A_698 = arith.addi %mul3A_697, %sub3A_641 : i32
      %add3A_699 = arith.constant 32 : i32
      %add3A_700 = arith.addi %add3A_698, %add3A_699 : i32
      %swap3A_701 = arith.index_cast %add3A_700 : i32 to index
      %swap3A_702 = tpu.vector_load %arg10[%swap3A_701] {strides = array<i32>} : memref<2176xf32, #tpu.memory_space<vmem>>, vector<16xf32>,
      %swap3A_703 = vector.shape_cast %swap3A_702 : vector<16xf32> to vector<16xf32>
      %swap3A_704 = vector.shape_cast %get3A_695 : vector<16xf32> to vector<16xf32>
      tpu.vector_store %arg10[%swap3A_701], %swap3A_704 {strides = array<i32>} : memref<2176xf32, #tpu.memory_space<vmem>>, vector<16xf32>,
      %mul3A_705 = arith.constant 128 : i32
      %mul3A_706 = arith.muli %select_n3A_639, %mul3A_705 : i32
      %add3A_707 = arith.addi %mul3A_706, %mul3A_46 : i32
      %add3A_708 = arith.constant 48 : i32
      %add3A_709 = arith.addi %add3A_707, %add3A_708 : i32
      %swap3A_710 = arith.index_cast %add3A_709 : i32 to index
      %swap3A_711 = tpu.vector_load %arg10[%swap3A_710] {strides = array<i32>} : memref<2176xf32, #tpu.memory_space<vmem>>, vector<16xf32>,
      %swap3A_712 = vector.shape_cast %swap3A_711 : vector<16xf32> to vector<16xf32>
      %swap3A_713 = vector.shape_cast %max3A_249 : vector<16xf32> to vector<16xf32>
      tpu.vector_store %arg10[%swap3A_710], %swap3A_713 {strides = array<i32>} : memref<2176xf32, #tpu.memory_space<vmem>>, vector<16xf32>,
      %get3A_714 = arith.constant 48 : index
      %get3A_715 = tpu.vector_load %arg21[%get3A_714] {strides = array<i32>} : memref<128xf32, #tpu.memory_space<vmem>>, vector<16xf32>,
      %get3A_716 = vector.shape_cast %get3A_715 : vector<16xf32> to vector<16xf32>
      %mul3A_717 = arith.constant 128 : i32
      %mul3A_718 = arith.muli %select_n3A_639, %mul3A_717 : i32
      %add3A_719 = arith.addi %mul3A_718, %sub3A_641 : i32
      %add3A_720 = arith.constant 48 : i32
      %add3A_721 = arith.addi %add3A_719, %add3A_720 : i32
      %swap3A_722 = arith.index_cast %add3A_721 : i32 to index
      %swap3A_723 = tpu.vector_load %arg10[%swap3A_722] {strides = array<i32>} : memref<2176xf32, #tpu.memory_space<vmem>>, vector<16xf32>,
      %swap3A_724 = vector.shape_cast %swap3A_723 : vector<16xf32> to vector<16xf32>
      %swap3A_725 = vector.shape_cast %get3A_716 : vector<16xf32> to vector<16xf32>
      tpu.vector_store %arg10[%swap3A_722], %swap3A_725 {strides = array<i32>} : memref<2176xf32, #tpu.memory_space<vmem>>, vector<16xf32>,
      %get3A_726 = arith.constant 64 : index
      %get3A_727 = tpu.vector_load %arg21[%get3A_726] {strides = array<i32>} : memref<128xf32, #tpu.memory_space<vmem>>, vector<16xf32>,
      %get3A_728 = vector.shape_cast %get3A_727 : vector<16xf32> to vector<16xf32>
      %add3A_729 = arith.addf %scan3A_312#0, %get3A_728 : vector<16xf32>
      %mul3A_730 = arith.constant 64 : i32
      %mul3A_731 = arith.muli %scan3A_63, %mul3A_730 : i32
      %add3A_732 = arith.constant 0 : i32
      %add3A_733 = arith.addi %mul3A_731, %add3A_732 : i32
      %swap3A_734 = arith.index_cast %add3A_733 : i32 to index
      %swap3A_735 = tpu.vector_load %arg18[%swap3A_734] {strides = array<i32>} : memref<5184xf32, #tpu.memory_space<vmem>>, vector<16xf32>,
      %swap3A_736 = vector.shape_cast %swap3A_735 : vector<16xf32> to vector<16xf32>
      %swap3A_737 = vector.shape_cast %add3A_729 : vector<16xf32> to vector<16xf32>
      tpu.vector_store %arg18[%swap3A_734], %swap3A_737 {strides = array<i32>} : memref<5184xf32, #tpu.memory_space<vmem>>, vector<16xf32>,
      %get3A_738 = arith.constant 80 : index
      %get3A_739 = tpu.vector_load %arg21[%get3A_738] {strides = array<i32>} : memref<128xf32, #tpu.memory_space<vmem>>, vector<16xf32>,
      %get3A_740 = vector.shape_cast %get3A_739 : vector<16xf32> to vector<16xf32>
      %add3A_741 = arith.addf %scan3A_312#1, %get3A_740 : vector<16xf32>
      %mul3A_742 = arith.constant 64 : i32
      %mul3A_743 = arith.muli %scan3A_63, %mul3A_742 : i32
      %add3A_744 = arith.constant 16 : i32
      %add3A_745 = arith.addi %mul3A_743, %add3A_744 : i32
      %swap3A_746 = arith.index_cast %add3A_745 : i32 to index
      %swap3A_747 = tpu.vector_load %arg18[%swap3A_746] {strides = array<i32>} : memref<5184xf32, #tpu.memory_space<vmem>>, vector<16xf32>,
      %swap3A_748 = vector.shape_cast %swap3A_747 : vector<16xf32> to vector<16xf32>
      %swap3A_749 = vector.shape_cast %add3A_741 : vector<16xf32> to vector<16xf32>
      tpu.vector_store %arg18[%swap3A_746], %swap3A_749 {strides = array<i32>} : memref<5184xf32, #tpu.memory_space<vmem>>, vector<16xf32>,
      %get3A_750 = arith.constant 96 : index
      %get3A_751 = tpu.vector_load %arg21[%get3A_750] {strides = array<i32>} : memref<128xf32, #tpu.memory_space<vmem>>, vector<16xf32>,
      %get3A_752 = vector.shape_cast %get3A_751 : vector<16xf32> to vector<16xf32>
      %add3A_753 = arith.addf %scan3A_312#2, %get3A_752 : vector<16xf32>
      %mul3A_754 = arith.constant 64 : i32
      %mul3A_755 = arith.muli %scan3A_63, %mul3A_754 : i32
      %add3A_756 = arith.constant 32 : i32
      %add3A_757 = arith.addi %mul3A_755, %add3A_756 : i32
      %swap3A_758 = arith.index_cast %add3A_757 : i32 to index
      %swap3A_759 = tpu.vector_load %arg18[%swap3A_758] {strides = array<i32>} : memref<5184xf32, #tpu.memory_space<vmem>>, vector<16xf32>,
      %swap3A_760 = vector.shape_cast %swap3A_759 : vector<16xf32> to vector<16xf32>
      %swap3A_761 = vector.shape_cast %add3A_753 : vector<16xf32> to vector<16xf32>
      tpu.vector_store %arg18[%swap3A_758], %swap3A_761 {strides = array<i32>} : memref<5184xf32, #tpu.memory_space<vmem>>, vector<16xf32>,
      %get3A_762 = arith.constant 112 : index
      %get3A_763 = tpu.vector_load %arg21[%get3A_762] {strides = array<i32>} : memref<128xf32, #tpu.memory_space<vmem>>, vector<16xf32>,
      %get3A_764 = vector.shape_cast %get3A_763 : vector<16xf32> to vector<16xf32>
      %add3A_765 = arith.addf %scan3A_312#3, %get3A_764 : vector<16xf32>
      %mul3A_766 = arith.constant 64 : i32
      %mul3A_767 = arith.muli %scan3A_63, %mul3A_766 : i32
      %add3A_768 = arith.constant 48 : i32
      %add3A_769 = arith.addi %mul3A_767, %add3A_768 : i32
      %swap3A_770 = arith.index_cast %add3A_769 : i32 to index
      %swap3A_771 = tpu.vector_load %arg18[%swap3A_770] {strides = array<i32>} : memref<5184xf32, #tpu.memory_space<vmem>>, vector<16xf32>,
      %swap3A_772 = vector.shape_cast %swap3A_771 : vector<16xf32> to vector<16xf32>
      %swap3A_773 = vector.shape_cast %add3A_765 : vector<16xf32> to vector<16xf32>
      tpu.vector_store %arg18[%swap3A_770], %swap3A_773 {strides = array<i32>} : memref<5184xf32, #tpu.memory_space<vmem>>, vector<16xf32>,
      %jit3A_774 = arith.constant 1 : i32
      %jit3A_775 = arith.constant 0 : i32
      %select_n3A_776 = arith.select %lt3A_66, %jit3A_774, %jit3A_775 : i32
      %add3A_777 = arith.addi %scan3A_64, %select_n3A_776 : i32
      %convert_element_type3A_778 = arith.fptosi %add3A_620 : f32 to i32
      %add3A_779 = arith.addi %scan3A_65, %convert_element_type3A_778 : i32
      scf.yield %add3A_777, %add3A_779 : i32, i32
    }
    %scan3A_58 = arith.constant 80 : i32
    %eq3A_59 = arith.constant 0 : i32
    %eq3A_60 = arith.cmpi eq, %select_n3A_30, %eq3A_59 : i32
    %convert_element_type3A_61 = arith.extui %eq3A_60 : i1 to i32
    %cond3A = arith.constant 0 : i32
    %cond3A_62 = arith.cmpi ne, %convert_element_type3A_61, %cond3A : i32
    scf.if %cond3A_62 {
      %mul3A_63 = arith.constant 128 : i32
      %mul3A_64 = arith.muli %add3A, %mul3A_63 : i32
      %mul3A_65 = arith.constant 128 : i32
      %mul3A_66 = arith.muli %add3A, %mul3A_65 : i32
      "tpu.region"() ({
        %run_scoped3A = tpu.sem_alloc : memref<!tpu.dma_semaphore, #tpu.memory_space<semaphore_mem>>
        %dma_start3A = tpu.memref_slice %arg10[%mul3A_64] : memref<2176xf32, #tpu.memory_space<vmem>> -> memref<128xf32, #tpu.memory_space<vmem>>
        %dma_start3A_67 = tpu.memref_slice %arg9[%mul3A_66] : memref<2048xf32, #tpu.memory_space<hbm>> -> memref<128xf32, #tpu.memory_space<hbm>>
        %dma_start3A_68 = tpu.memref_slice %arg9[%mul3A_66] : memref<2048xf32, #tpu.memory_space<hbm>> -> memref<128xf32, #tpu.memory_space<hbm>>
        %dma_start3A_69 = tpu.memref_slice %arg10[%mul3A_64] : memref<2176xf32, #tpu.memory_space<vmem>> -> memref<128xf32, #tpu.memory_space<vmem>>
        tpu.enqueue_dma source(%dma_start3A_69 : memref<128xf32, #tpu.memory_space<vmem>>) target(%dma_start3A_68 : memref<128xf32, #tpu.memory_space<hbm>>) target_semaphore(%run_scoped3A : memref<!tpu.dma_semaphore, #tpu.memory_space<semaphore_mem>>)
        %dma_wait3A = tpu.memref_slice %arg10[%mul3A_64] : memref<2176xf32, #tpu.memory_space<vmem>> -> memref<128xf32, #tpu.memory_space<vmem>>
        %dma_wait3A_70 = tpu.memref_slice %arg9[%mul3A_66] : memref<2048xf32, #tpu.memory_space<hbm>> -> memref<128xf32, #tpu.memory_space<hbm>>
        %dma_wait3A_71 = tpu.memref_slice %arg9[%mul3A_66] : memref<2048xf32, #tpu.memory_space<hbm>> -> memref<128xf32, #tpu.memory_space<hbm>>
        %dma_wait3A_72 = tpu.memref_slice %arg10[%mul3A_64] : memref<2176xf32, #tpu.memory_space<vmem>> -> memref<128xf32, #tpu.memory_space<vmem>>
        tpu.wait_dma2 semaphore(%run_scoped3A : memref<!tpu.dma_semaphore, #tpu.memory_space<semaphore_mem>>) src(%dma_wait3A_72 : memref<128xf32, #tpu.memory_space<vmem>>) dst(%dma_wait3A_71 : memref<128xf32, #tpu.memory_space<hbm>>)
        tpu.yield
      }) : () -> ()
    } else {
    }
    return
  }
}

module attributes {stable_mosaic.version = 14 : i64} {
  func.func @_enc_body(%arg0: memref<16x128xf32, #tpu.memory_space<vmem>>, %arg1: memref<128x128xf32, #tpu.memory_space<vmem>>, %arg2: memref<1x128xf32, #tpu.memory_space<vmem>>, %arg3: memref<8x64xi32, #tpu.memory_space<vmem>>, %arg4: memref<128x192xf32, #tpu.memory_space<vmem>>, %arg5: memref<64x192xf32, #tpu.memory_space<vmem>>, %arg6: memref<16x128xf32, #tpu.memory_space<vmem>>, %arg7: memref<16x16xf32, #tpu.memory_space<vmem>>, %arg8: memref<192x128xf32, #tpu.memory_space<vmem>>, %arg9: memref<192x64xf32, #tpu.memory_space<vmem>>) attributes {dimension_semantics = [], scalar_prefetch = 0 : i64, scratch_operands = 0 : i64, tpu.core_type = #tpu.core_type<tc>} {
    %get3A = arith.constant 0 : index
    %get3A_0 = arith.constant 0 : index
    %get3A_1 = vector.load %arg0[%get3A, %get3A_0] : memref<16x128xf32, #tpu.memory_space<vmem>>, vector<16x128xf32>
    %get3A_2 = arith.constant 0 : index
    %get3A_3 = arith.constant 0 : index
    %get3A_4 = vector.load %arg1[%get3A_2, %get3A_3] : memref<128x128xf32, #tpu.memory_space<vmem>>, vector<128x128xf32>
    %dot_general3A = arith.constant dense<0.000000e+00> : vector<16x128xf32>
    %dot_general3A_5 = tpu.matmul %get3A_1, %get3A_4, %dot_general3A {dimension_numbers = #tpu.dot_dimension_numbers<[1], [1], [0], [0], [0, 0, 1, 0], [], []>, transpose_lhs_hint = false} : vector<16x128xf32>, vector<128x128xf32>, vector<16x128xf32> -> vector<16x128xf32>
    %get3A_6 = arith.constant 0 : index
    %get3A_7 = arith.constant 0 : index
    %get3A_8 = vector.load %arg2[%get3A_6, %get3A_7] : memref<1x128xf32, #tpu.memory_space<vmem>>, vector<1x128xf32>
    %add3A = vector.broadcast %get3A_8 : vector<1x128xf32> to vector<16x128xf32>
    %add3A_9 = arith.addf %dot_general3A_5, %add3A : vector<16x128xf32>
    %swap3A = arith.constant 0 : index
    %swap3A_10 = arith.constant 0 : index
    %swap3A_11 = vector.load %arg6[%swap3A, %swap3A_10] : memref<16x128xf32, #tpu.memory_space<vmem>>, vector<16x128xf32>
    tpu.vector_store %arg6[%swap3A, %swap3A_10], %add3A_9 {strides = array<i32>} : memref<16x128xf32, #tpu.memory_space<vmem>>, vector<16x128xf32>,
    %get3A_12 = arith.constant 0 : index
    %get3A_13 = arith.constant 0 : index
    %get3A_14 = vector.load %arg3[%get3A_12, %get3A_13] : memref<8x64xi32, #tpu.memory_space<vmem>>, vector<1x64xi32>
    %get3A_15 = arith.constant 1 : index
    %get3A_16 = arith.constant 0 : index
    %get3A_17 = vector.load %arg3[%get3A_15, %get3A_16] : memref<8x64xi32, #tpu.memory_space<vmem>>, vector<1x64xi32>
    %iota3A = tpu.iota {dimensions = array<i32: 0>} : vector<16x64xi32>
    %eq3A = vector.broadcast %get3A_14 : vector<1x64xi32> to vector<16x64xi32>
    %eq3A_18 = arith.cmpi eq, %iota3A, %eq3A : vector<16x64xi32>
    %convert_element_type3A = arith.extui %eq3A_18 : vector<16x64xi1> to vector<16x64xi32>
    %convert_element_type3A_19 = arith.sitofp %convert_element_type3A : vector<16x64xi32> to vector<16x64xf32>
    %eq3A_20 = vector.broadcast %get3A_17 : vector<1x64xi32> to vector<16x64xi32>
    %eq3A_21 = arith.cmpi eq, %iota3A, %eq3A_20 : vector<16x64xi32>
    %convert_element_type3A_22 = arith.extui %eq3A_21 : vector<16x64xi1> to vector<16x64xi32>
    %convert_element_type3A_23 = arith.sitofp %convert_element_type3A_22 : vector<16x64xi32> to vector<16x64xf32>
    %dot_general3A_24 = arith.constant dense<0.000000e+00> : vector<16x16xf32>
    %dot_general3A_25 = tpu.matmul %convert_element_type3A_19, %convert_element_type3A_23, %dot_general3A_24 {dimension_numbers = #tpu.dot_dimension_numbers<[1], [1], [0], [0], [0, 0, 1, 0], [], []>, transpose_lhs_hint = false} : vector<16x64xf32>, vector<16x64xf32>, vector<16x16xf32> -> vector<16x16xf32>
    %dot_general3A_26 = arith.constant dense<0.000000e+00> : vector<16x16xf32>
    %dot_general3A_27 = tpu.matmul %convert_element_type3A_23, %convert_element_type3A_19, %dot_general3A_26 {dimension_numbers = #tpu.dot_dimension_numbers<[1], [1], [0], [0], [0, 0, 1, 0], [], []>, transpose_lhs_hint = false} : vector<16x64xf32>, vector<16x64xf32>, vector<16x16xf32> -> vector<16x16xf32>
    %add3A_28 = arith.addf %dot_general3A_25, %dot_general3A_27 : vector<16x16xf32>
    %gt3A = arith.constant 0.000000e+00 : f32
    %gt3A_29 = vector.broadcast %gt3A : f32 to vector<16x16xf32>
    %gt3A_30 = arith.cmpf ogt, %add3A_28, %gt3A_29 : vector<16x16xf32>
    %convert_element_type3A_31 = arith.extui %gt3A_30 : vector<16x16xi1> to vector<16x16xi32>
    %convert_element_type3A_32 = arith.sitofp %convert_element_type3A_31 : vector<16x16xi32> to vector<16x16xf32>
    %swap3A_33 = arith.constant 0 : index
    %swap3A_34 = arith.constant 0 : index
    %swap3A_35 = vector.load %arg7[%swap3A_33, %swap3A_34] : memref<16x16xf32, #tpu.memory_space<vmem>>, vector<16x16xf32>
    tpu.vector_store %arg7[%swap3A_33, %swap3A_34], %convert_element_type3A_32 {strides = array<i32>} : memref<16x16xf32, #tpu.memory_space<vmem>>, vector<16x16xf32>,
    %get3A_36 = arith.constant 0 : index
    %get3A_37 = arith.constant 0 : index
    %get3A_38 = vector.load %arg4[%get3A_36, %get3A_37] : memref<128x192xf32, #tpu.memory_space<vmem>>, vector<128x192xf32>
    %transpose3A = tpu.transpose %get3A_38, [1, 0] : vector<128x192xf32> -> vector<192x128xf32>
    %swap3A_39 = arith.constant 0 : index
    %swap3A_40 = arith.constant 0 : index
    %swap3A_41 = vector.load %arg8[%swap3A_39, %swap3A_40] : memref<192x128xf32, #tpu.memory_space<vmem>>, vector<192x128xf32>
    tpu.vector_store %arg8[%swap3A_39, %swap3A_40], %transpose3A {strides = array<i32>} : memref<192x128xf32, #tpu.memory_space<vmem>>, vector<192x128xf32>,
    %get3A_42 = arith.constant 0 : index
    %get3A_43 = arith.constant 0 : index
    %get3A_44 = vector.load %arg5[%get3A_42, %get3A_43] : memref<64x192xf32, #tpu.memory_space<vmem>>, vector<64x192xf32>
    %transpose3A_45 = tpu.transpose %get3A_44, [1, 0] : vector<64x192xf32> -> vector<192x64xf32>
    %swap3A_46 = arith.constant 0 : index
    %swap3A_47 = arith.constant 0 : index
    %swap3A_48 = vector.load %arg9[%swap3A_46, %swap3A_47] : memref<192x64xf32, #tpu.memory_space<vmem>>, vector<192x64xf32>
    tpu.vector_store %arg9[%swap3A_46, %swap3A_47], %transpose3A_45 {strides = array<i32>} : memref<192x64xf32, #tpu.memory_space<vmem>>, vector<192x64xf32>,
    return
  }
}

module attributes {stable_mosaic.version = 14 : i64} {
  func.func @_dec_body(%arg0: memref<16x128xf32, #tpu.memory_space<vmem>>, %arg1: memref<64x128xf32, #tpu.memory_space<vmem>>, %arg2: memref<1x64xf32, #tpu.memory_space<vmem>>, %arg3: memref<16x64xf32, #tpu.memory_space<vmem>>) attributes {dimension_semantics = [], scalar_prefetch = 0 : i64, scratch_operands = 0 : i64, tpu.core_type = #tpu.core_type<tc>} {
    %get3A = arith.constant 0 : index
    %get3A_0 = arith.constant 0 : index
    %get3A_1 = vector.load %arg0[%get3A, %get3A_0] : memref<16x128xf32, #tpu.memory_space<vmem>>, vector<16x128xf32>
    %get3A_2 = arith.constant 0 : index
    %get3A_3 = arith.constant 0 : index
    %get3A_4 = vector.load %arg1[%get3A_2, %get3A_3] : memref<64x128xf32, #tpu.memory_space<vmem>>, vector<64x128xf32>
    %dot_general3A = arith.constant dense<0.000000e+00> : vector<16x64xf32>
    %dot_general3A_5 = tpu.matmul %get3A_1, %get3A_4, %dot_general3A {dimension_numbers = #tpu.dot_dimension_numbers<[1], [1], [0], [0], [0, 0, 1, 0], [], []>, transpose_lhs_hint = false} : vector<16x128xf32>, vector<64x128xf32>, vector<16x64xf32> -> vector<16x64xf32>
    %get3A_6 = arith.constant 0 : index
    %get3A_7 = arith.constant 0 : index
    %get3A_8 = vector.load %arg2[%get3A_6, %get3A_7] : memref<1x64xf32, #tpu.memory_space<vmem>>, vector<1x64xf32>
    %add3A = vector.broadcast %get3A_8 : vector<1x64xf32> to vector<16x64xf32>
    %add3A_9 = arith.addf %dot_general3A_5, %add3A : vector<16x64xf32>
    %reduce_max3A = arith.constant dense<0xFF800000> : vector<16xf32>
    %reduce_max3A_10 = vector.multi_reduction <maximumf>, %add3A_9, %reduce_max3A [1] : vector<16x64xf32> to vector<16xf32>
    %broadcast_in_dim3A = vector.shape_cast %reduce_max3A_10 : vector<16xf32> to vector<16x1xf32>
    %sub3A = vector.broadcast %broadcast_in_dim3A : vector<16x1xf32> to vector<16x64xf32>
    %sub3A_11 = arith.subf %add3A_9, %sub3A : vector<16x64xf32>
    %exp3A = math.exp %sub3A_11 : vector<16x64xf32>
    %reduce_sum3A = arith.constant dense<0.000000e+00> : vector<16xf32>
    %reduce_sum3A_12 = vector.multi_reduction <add>, %exp3A, %reduce_sum3A [1] : vector<16x64xf32> to vector<16xf32>
    %broadcast_in_dim3A_13 = vector.shape_cast %reduce_sum3A_12 : vector<16xf32> to vector<16x1xf32>
    %log3A = math.log %broadcast_in_dim3A_13 : vector<16x1xf32>
    %sub3A_14 = vector.broadcast %log3A : vector<16x1xf32> to vector<16x64xf32>
    %sub3A_15 = arith.subf %sub3A_11, %sub3A_14 : vector<16x64xf32>
    %swap3A = arith.constant 0 : index
    %swap3A_16 = arith.constant 0 : index
    %swap3A_17 = vector.load %arg3[%swap3A, %swap3A_16] : memref<16x64xf32, #tpu.memory_space<vmem>>, vector<16x64xf32>
    tpu.vector_store %arg3[%swap3A, %swap3A_16], %sub3A_15 {strides = array<i32>} : memref<16x64xf32, #tpu.memory_space<vmem>>, vector<16x64xf32>,
    return
  }
}

</mosaic_0001>

<sc_bundles>
// kernel: kernel.5.cloned.1.call-start
scs
__scs_entry_jumppad:
0x0: {  	(pc) =	sbr.rel $0x88, $3  }
0x1: {  	(tag) =	ssettag $0x0;
	lr =	simm.s32 $0x1  }
0x2: {  	[smem:$0x3F96] =	sst lr;
	_ =	strace $0xD0000000  }
0x3: {  	_ = 	snop  }
0x4: {  	_ = 	snop  }
0x5: {  	_ = 	snop  }
0x6: {  	_ = 	snop  }
0x7: {  	_ = 	snop  }
__scs_overlays_trampoline_lowered:
0x8: {  	[smem:$0x3FA5] =	sst s0  }
0x9: {  	[smem:$0x3FA6] =	sst s1  }
0xa: {  	[smem:$0x3FA7] =	sst s2  }
0xb: {  	[smem:$0x3FA8] =	sst s3  }
0xc: {  	[smem:$0x3FA9] =	sst s4  }
0xd: {  	[smem:$0x3FAA] =	sst s5  }
0xe: {  	[smem:$0x3FAB] =	sst s6  }
0xf: {  	[smem:$0x3FAC] =	sst s7  }
0x10: {  	[smem:$0x3FAD] =	sst s8  }
0x11: {  	[smem:$0x3FAE] =	sst s9;
	s0 =	simm.s32 @!p0 $0x0  }
0x12: {  	s1 =	sld [smem:$0x3F94];
	s0 =	simm.s32 @p0 $0x1  }
0x13: {  	[smem:$0x3FAF] =	sst s0;
	s0 =	simm.s32 @!p1 $0x0  }
0x14: {  	s2 =	sld [smem:$0x3F93];
	s0 =	simm.s32 @p1 $0x1  }
0x15: {  	[smem:$0x3FB0] =	sst s0;
	s0 =	simm.s32 @!p2 $0x0  }
0x16: {  	s3 =	sld [smem:$0x3FDB];
	s0 =	simm.s32 @p2 $0x1  }
0x17: {  	s4 =	simm.s32 $0x1BF5;
	[smem:$0x3FB2] =	sst s0  }
0x18: {  	s0 =	sld [smem:$0x3F95];
	_ =	swait.ge [sflag:s4], $0x0  }
0x19: {  	s7 =	sld [smem:$0x3F96]  }
0x1a: {  	s8 =	sadd.s32 $0xFFFFE003, lr  }
0x1b: {  	s9 =	sadd.s32 $0xFFFFFEF7, lr;
	s5 =	simm.s32 $0xFFFFFFFF;
	p2 =	slt.u32 s8, $0xFFFFF086  }
0x1c: {  	p1 =	slt.u32 s9, $0xF7A;
	s5 =	simm.s32 @!p2 $0x0  }
0x1d: {  	s5 =	simm.s32 @p1 $0x1;
	p0 =	seq.s32 s7, s2  }
0x1e: {  	s7 =	smul.u32 @!p0 $0xF7A, s2;
	p2 =	seq.s32 @!p0 s5, $0x0  }
0x1f: {  	s9 =	smul.u32 $0xF7A, s1;
	s8 =	simm.s32 @!p0 $0x1BF5;
	p2 =	por !p2, p0  }
0x20: {  	[sflag:s8] =	ssyncset.s32 @!p0 $0xFFFFF086;
	s6 =	sadd.s32 @!p0 s3, s7;
	s7 =	simm.s32 @!p0 $0x108  }
0x21: {  	s3 =	sadd.s32 s3, s9;
	s6 =	sadd.s32 @!p0 $0x88, s6;
	s7 =	simm.s32 @p2 $0x1082  }
0x22: {  	[simem:s7], [sflag:s8] =	dma.local @!p0 [hbm:s6], $0xF7A  }
0x23: {  	s9 =	sor.u32 $0xD0000000, s2;
	s6 =	simm.s32 $0x108;
	_ =	swait.ge @!p0 [sflag:s8], $0x0  }
0x24: {  	s3 =	sadd.s32 $0x88, s3;
	s6 =	simm.s32 @!p1 $0x1082;
	[sflag:s4] =	ssyncset.s32 $0xFFFFF086  }
0x25: {  	[simem:s6], [sflag:s4] =	dma.local [hbm:s3], $0xF7A  }
0x26: {  	[smem:$0x3F96] =	sst s1;
	(tag) =	ssettag s2;
	_ =	strace s9  }
0x27: {  	s1 =	sld [smem:$0x3FA6]  }
0x28: {  	s2 =	sld [smem:$0x3FA7]  }
0x29: {  	s4 =	sld [smem:$0x3FA9]  }
0x2a: {  	p0 =	seq.s32 s5, $0x0;
	s5 =	sld [smem:$0x3FAA]  }
0x2b: {  	s6 =	sld [smem:$0x3FAB]  }
0x2c: {  	s7 =	sld [smem:$0x3FAC]  }
0x2d: {  	s3 =	simm.s32 $0x108;
	s8 =	sld [smem:$0x3FAD]  }
0x2e: {  	s3 =	simm.s32 @!p0 $0x1082;
	s9 =	sld [smem:$0x3FAE]  }
0x2f: {  	lr =	sadd.s32 s0, s3;
	s0 =	sld [smem:$0x3FA5]  }
0x30: {  	s3 =	sld [smem:$0x3FA8]  }
0x31: {  	[smem:$0x3FB1] =	sst s10  }
0x32: {  	s10 =	sld [smem:$0x3FAF];
	_ =	sdelay $0x3  }
0x33: {  	p0 =	seq.s32 s10, $0x1;
	s10 =	sld [smem:$0x3FB1];
	_ =	sdelay $0x3  }
0x34: {  	[smem:$0x3FB1] =	sst s10  }
0x35: {  	s10 =	sld [smem:$0x3FB0];
	_ =	sdelay $0x3  }
0x36: {  	p1 =	seq.s32 s10, $0x1;
	s10 =	sld [smem:$0x3FB1];
	_ =	sdelay $0x3  }
0x37: {  	[smem:$0x3FB1] =	sst s10  }
0x38: {  	s10 =	sld [smem:$0x3FB2]  }
0x39: {  	_ = 	snop;
	(pc) =	sbr.ind lr, $3  }
0x3a: {  	_ = 	snop  }
0x3b: {  	_ = 	snop  }
0x3c: {  	p2 =	seq.s32 s10, $0x1;
	s10 =	sld [smem:$0x3FB1]  }
0x3d: {  	_ =	shalt  }
0x3e: {  	_ =	shalt  }
0x3f: {  	_ =	shalt  }
0x40: {  	_ =	shalt  }
0x41: {  	_ =	shalt  }
0x42: {  	_ =	shalt  }
0x43: {  	_ =	shalt  }
0x44: {  	_ =	shalt  }
0x45: {  	_ =	shalt  }
0x46: {  	_ =	shalt  }
0x47: {  	_ =	shalt  }
0x48: {  	_ =	shalt  }
0x49: {  	_ =	shalt  }
0x4a: {  	_ =	shalt  }
0x4b: {  	_ =	shalt  }
0x4c: {  	_ =	shalt  }
0x4d: {  	_ =	shalt  }
0x4e: {  	_ =	shalt  }
0x4f: {  	_ =	shalt  }
0x50: {  	_ =	shalt  }
0x51: {  	_ =	shalt  }
0x52: {  	_ =	shalt  }
0x53: {  	_ =	shalt  }
0x54: {  	_ =	shalt  }
0x55: {  	_ =	shalt  }
0x56: {  	_ =	shalt  }
0x57: {  	_ =	shalt  }
0x58: {  	_ =	shalt  }
0x59: {  	_ =	shalt  }
0x5a: {  	_ =	shalt  }
0x5b: {  	_ =	shalt  }
0x5c: {  	_ =	shalt  }
0x5d: {  	_ =	shalt  }
0x5e: {  	_ =	shalt  }
0x5f: {  	_ =	shalt  }
0x60: {  	_ =	shalt  }
0x61: {  	_ =	shalt  }
0x62: {  	_ =	shalt  }
0x63: {  	_ =	shalt  }
0x64: {  	_ =	shalt  }
0x65: {  	_ =	shalt  }
0x66: {  	_ =	shalt  }
0x67: {  	_ =	shalt  }
0x68: {  	_ =	shalt  }
0x69: {  	_ =	shalt  }
0x6a: {  	_ =	shalt  }
0x6b: {  	_ =	shalt  }
0x6c: {  	_ =	shalt  }
0x6d: {  	_ =	shalt  }
0x6e: {  	_ =	shalt  }
0x6f: {  	_ =	shalt  }
0x70: {  	_ =	shalt  }
0x71: {  	_ =	shalt  }
0x72: {  	_ =	shalt  }
0x73: {  	_ =	shalt  }
0x74: {  	_ =	shalt  }
0x75: {  	_ =	shalt  }
0x76: {  	_ =	shalt  }
0x77: {  	_ =	shalt  }
0x78: {  	_ =	shalt  }
0x79: {  	_ =	shalt  }
0x7a: {  	_ =	shalt  }
0x7b: {  	_ =	shalt  }
0x7c: {  	_ =	shalt  }
0x7d: {  	_ =	shalt  }
0x7e: {  	_ =	shalt  }
0x7f: {  	_ =	shalt  }
0x80: {  	_ =	shalt  }
0x81: {  	_ =	shalt  }
0x82: {  	_ =	shalt  }
0x83: {  	_ =	shalt  }
0x84: {  	_ =	shalt  }
0x85: {  	_ =	shalt  }
0x86: {  	_ =	shalt  }
0x87: {  	_ =	shalt  }
.Lfunc_end0:
.L_simem_size_0:
called_computation_lowered:
.L_overlay_start_0:
0x88: {  	s2 =	sld [smem:$0x3FD9]  }
0x89: {  	s3 =	sld [smem:$0x3FFE];
	_ =	sdelay $0x1  }
0x8a: {  	s1 =	srdreg.scid  }
0x8b: {  	s0 =	sand.u32 $0x1, s1  }
0x8c: {  	s14 =	sshll.u32 s0, $0xA;
	s2 =	sadd.s32 s3, s2  }
0x8d: {  	s2 =	sadd.s32 s2, s14  }
0x8e: {  	[smem:$0x3FBD] =	sst s2  }
0x8f: {  	_ = 	snop  }
0x90: {  	s2 =	sld [smem:$0x3FD0]  }
0x91: {  	s15 =	sld [smem:$0x3FC4]  }
0x92: {  	s4 =	sld [smem:$0x3FC2]  }
0x93: {  	s6 =	simm.s32 $0xA;
	s7 =	simm.s32 $0x10;
	s5 =	sld [smem:$0x3FBF]  }
0x94: {  	[smem:s7], [sflag:s6] =	dma.local [hbm:s2], $0x1  }
0x95: {  	_ =	swait.eq [sflag:s6], $0x1  }
0x96: {  	[sflag:s6] =	ssyncset.done $0x0  }
0x97: {  	[sflag:s6] =	ssyncadd.s32 $0xFFFFFFFF  }
0x98: {  	s16 =	sld [smem:$0x10];
	(tm) =	ssettm $0x1  }
0x99: {  	s17 =	sld [smem:$0x3FFB];
	_ =	sdelay $0x3  }
0x9a: {  	_ =	strace s17  }
0x9b: {  	s6 =	sld [smem:$0x3FFC];
	_ =	sdelay $0x3  }
0x9c: {  	_ =	strace s6  }
0x9d: {  	s6 =	sld [smem:$0x3FFD];
	_ =	sdelay $0x3  }
0x9e: {  	_ =	strace s6  }
0x9f: {  	_ =	strace $0x8FFFFFFF  }
0xa0: {  	s18 =	sld [smem:$0x3FDB];
	_ =	sdelay $0x1  }
0xa1: {  	s19 =	simm.s32 $_scs_section_size  }
0xa2: {  	s8 =	simm.s32 $_size__tile_overlayer_lowered;
	s9 =	simm.s32 $_tile_overlayer_lowered  }
0xa3: {  	s22 =	simm.s32 $0x1BFF;
	s21 =	sshll.u32 s9, $0x1;
	s6 =	sadd.s32 s19, s18  }
0xa4: {  	s10 =	simm.s32 $0x0;
	s20 =	sshll.u32 s8, $0x1;
	s8 =	sadd.s32 s21, s6  }
0xa5: {  	[timem:s10], [sflag:s22] =	dma.local [hbm:s8], s20  }
0xa6: {  	_ =	swait.ge [sflag:s22], s20  }
0xa7: {  	s7 =	ssub.s32 $0x0, s20;
	[sflag:s22] =	ssyncset.done $0x0  }
0xa8: {  	[sflag:s22] =	ssyncadd.s32 s7;
	_ =	sdelay $0x1  }
0xa9: {  	s23 =	simm.s32 $0x1B8B  }
0xaa: {  	_ =	swait.ge [sflag:s23], $0x1  }
0xab: {  	[sflag:s23] =	ssyncset.done $0x0  }
0xac: {  	s25 =	simm.s32 $0x1B8E;
	s24 =	sld [smem:$0x3FFE];
	[sflag:s23] =	ssyncadd.s32 $0xFFFFFFFF  }
0xad: {  	s26 =	simm.s32 $execute0_lowered;
	[smem:$0x3FD2] =	sst s25  }
0xae: {  	s8 =	sshll.u32 s26, $0x1;
	_ =	strace $0x80000046;
	[dreg:$0x1] =	wrdreg $0xFFFFFFFF  }
0xaf: {  	s28 =	simm.s32 $_size_execute0_lowered;
	s6 =	sadd.s32 s6, s8;
	[dreg:$0x0] =	wrdreg $0x0  }
0xb0: {  	s8 =	sshll.u32 s28, $0x1;
	[dreg:$0x2] =	wrdreg s6  }
0xb1: {  	[dreg:$0x3] =	wrdreg s8  }
0xb2: {  	[dreg:$0x4] =	wrdreg $0xC0  }
0xb3: {  	_ =	task [dreg:s10], $0x5FFFF  }
0xb4: {  	[dreg:$0x1] =	wrdreg $0xFFFFFFFF  }
0xb5: {  	[dreg:$0x0] =	wrdreg $0x60  }
0xb6: {  	[dreg:$0x2] =	wrdreg s16  }
0xb7: {  	[dreg:$0x3] =	wrdreg s24  }
0xb8: {  	[dreg:$0x4] =	wrdreg s15  }
0xb9: {  	[dreg:$0x5] =	wrdreg s4  }
0xba: {  	[dreg:$0x6] =	wrdreg s5  }
0xbb: {  	[dreg:$0x7] =	wrdreg $0xB2800  }
0xbc: {  	[dreg:$0x8] =	wrdreg $0x9  }
0xbd: {  	_ =	task.clear_ibuf [dreg:s10], $0x9FFFF;
	_ =	strace $0x90000046  }
0xbe: {  	s29 =	simm.s32 $0x9;
	_ =	strace $0x80000048  }
0xbf: {  	_ =	swait.ge [sflag:s29], $0x1  }
0xc0: {  	[sflag:s29] =	ssyncadd.s32 $0xFFFFFFFF  }
0xc1: {  	_ =	strace $0x90000048  }
0xc2: {  	_ =	sfence  }
0xc3: {  	s30 =	sld [smem:$0x0];
	_ =	sdelay $0x2  }
0xc4: {  	s31 =	sshll.u32 s1, $0xD;
	s1 =	sshrl.u32 s1, $0x2  }
0xc5: {  	s3 =	sand.u32 $0x4000, s31;
	s1 =	sadd.s32 s1, s30  }
0xc6: {  	s0 =	sor.u32 s3, s0;
	s1 =	sshll.u32 s1, $0x11  }
0xc7: {  	s0 =	sor.u32 s1, s0  }
0xc8: {  	s0 =	sadd.s32 $0x8F2B, s0  }
0xc9: {  	[sflag:s0] =	ssyncadd.remote.s32 $0x1  }
0xca: {  	_ =	sfence.sel $0xFFFF  }
0xcb: {  	[dreg:$0x0] =	wrdreg $0xFFFFFFFF;
	(pc) =	sbr.abs _section_cstart, $3  }
0xcc: {  	[dreg:$0x1] =	wrdreg $0xFFFFFFFF  }
0xcd: {  	_ =	task.clear_ibuf [dreg:s10], $0x2FFFF;
	_ =	strace $0x9FFFFFFF  }
0xce: {  	(tm) =	ssettm $0x7FFFFFFF  }
0xcf: {  	_ =	shalt  }
tec
execute0_lowered:
.L_overlay_start_1:
0x0: {  	(tag) =	ssettag $0x1  }
0x1: {  	s0 =	rddreg [dreg:$0x1];
	vm0 =	vcmask $0x300;
	v0 =	vimm.f32 $1.500000000e+01  }
0x2: {  	s5 =	rddreg [dreg:$0x5];
	s6 =	simm.s32 $0x0;
	s1 =	srdreg.scid;
	vm1 =	vcmask $0x704;
	v0 =	vsel vm0, $0x0, v0  }
0x3: {  	s14 =	stileid.u32;
	vm15 =	vcmask $0xB08;
	s7 =	simm.f32 $1.000000000e+00;
	s18 =	simm.s32 $0x2;
	v0 =	vsel vm1, $0x3F800000, v0  }
0x4: {  	vm4 =	vcmask $0xF0C;
	s22 =	simm.s32 $0x9980;
	s23 =	simm.s32 $0x9A00;
	s24 =	simm.s32 $0xAF80;
	v0 =	vsel vm15, $0x40000000, v0  }
0x5: {  	vm5 =	vcmask $0x1310;
	s28 =	simm.s32 $0x1;
	s29 =	simm.s32 $0xB200;
	s30 =	simm.s32 $0x0;
	v0 =	vsel vm4, $0x40400000, v0  }
0x6: {  	vm6 =	vcmask $0x1714;
	[smem:$0x7FF] =	sst s6;
	s1 =	sand.u32 $0x1, s1;
	s3 =	sshrl.u32 s14, $0x1;
	v0 =	vsel vm5, $0x40800000, v0  }
0x7: {  	vm7 =	vcmask $0x1B18;
	s8 =	sadd.s32 $0x2C00, s0;
	s9 =	sadd.s32 $0x1A00, s0;
	s10 =	sadd.s32 $0x2600, s0;
	v0 =	vsel vm6, $0x40A00000, v0  }
0x8: {  	vm8 =	vcmask $0x1F1C;
	s4 =	sand.u32 $0x1, s14;
	s13 =	sshll.u32 s14, $0x7;
	s19 =	sshll.u32 s14, $0x9;
	v0 =	vsel vm7, $0x40C00000, v0  }
0x9: {  	vm9 =	vcmask $0x2320;
	_ =	strace $0x80000047;
	s2 =	sshll.u32 s1, $0x3;
	s1 =	ssub.s32 $0x2, s1;
	v0 =	vsel vm8, $0x40E00000, v0  }
0xa: {  	vm10 =	vcmask $0x2724;
	p0 =	seq.s32 s4, $0x0;
	s11 =	sshll.u32 s4, $0x6;
	s12 =	sshll.u32 s4, $0x5;
	v0 =	vsel vm9, $0x41000000, v0  }
0xb: {  	vm11 =	vcmask $0x2B28;
	vm12 =	vcmask $0x2F2C;
	s16 =	sshll.u32 s4, $0x8;
	s2 =	sor.u32 s3, s2;
	s7 =	simm.s32 @!p0 $0x0;
	v1 =	vsel vm10, $0x41100000, v0  }
0xc: {  	vm13 =	vcmask $0x3330;
	s25 =	sshrl.u32 s1, $0x1;
	s21 =	sor.u32 $0x40, s12;
	s26 =	ssub.f32 $1.000000000e+00, s7;
	v0 =	vmov s2;
	v2 =	vsel vm11, $0x41200000, v1  }
0xd: {  	vm14 =	vcmask $0x3734;
	s13 =	ssub.s32 s13, s16;
	s31 =	sshrl.u32 s16, $0x2;
	p0 =	sne.s32 s4, $0x0;
	[tilespmem:$0x1FFC0] =	vst v0;
	v0 =	vmov s7;
	v3 =	vsel vm12, $0x41300000, v2  }
0xe: {  	s3 =	sshll.u32 s2, $0x4;
	s1 =	ssub.s32 s1, s25;
	s15 =	sshll.u32 s2, $0x7;
	[tilespmem:$0x1FFD0] =	vst v0;
	v0 =	vmov s26;
	v4 =	vsel vm13, $0x41400000, v3;
	v3 =	vimm.f32 $0.0e+00  }
0xf: {  	vm15 =	vcmask $0x3B38;
	s17 =	sor.u32 $0xD80, s31;
	s25 =	sshrl.u32 s19, $0x2;
	s0 =	sadd.s32 s3, s0;
	[tilespmem:$0x1FFE0] =	vst v0;
	v6 =	vsel vm14, $0x41500000, v4;
	v0 =	vsel vm0, $0x3F800000, v3  }
0x10: {  	s16 =	smax.u32 s1, $0x1;
	s14 =	sadd.s32 $0x2E00, s0;
	s26 =	simm.s32 $0xB180;
	[tilespmem:$0x1FFF0] =	vst v0;
	v6 =	vsel vm15, $0x41600000, v6  }
.LBB2_1:
0x11: {  	s0 =	rddreg [dreg:$0x0]  }
0x12: {  	[tilespmem:s6], [sflag:$0x2] =	stream.linear.gather [hbm4b:s0+s6], $0x800, $0x38;
	[tilespmem:$0xB380] =	vst v63  }
0x13: {  	_ =	swait.ge [sflag:s18], $0x800  }
0x14: {  	[sflag:s18] =	ssyncset.done $0x0  }
0x15: {  	s3 =	simm.s32 $0x880;
	[sflag:s18] =	ssyncadd.s32 $0xFFFFF800  }
0x16: {  	[tilespmem:s3], [sflag:$0x2] =	stream.linear.gather [hbm4b:s8+s6], $0x100, $0x38;
	[tilespmem:$0xB380] =	vst v63  }
0x17: {  	_ =	swait.ge [sflag:s18], $0x100  }
0x18: {  	[sflag:s18] =	ssyncset.done $0x0  }
0x19: {  	s4 =	simm.s32 $0x980;
	[sflag:s18] =	ssyncadd.s32 $0xFFFFFF00  }
0x1a: {  	[tilespmem:s4], [sflag:$0x2] =	stream.linear.gather [hbm4b:s9+s6], $0x6000, $0x38;
	[tilespmem:$0xB380] =	vst v63  }
0x1b: {  	_ =	swait.ge [sflag:s18], $0x6000  }
0x1c: {  	[sflag:s18] =	ssyncset.done $0x0  }
0x1d: {  	s7 =	simm.s32 $0x6980;
	[sflag:s18] =	ssyncadd.s32 $0xFFFFA000  }
0x1e: {  	[tilespmem:s7], [sflag:$0x2] =	stream.linear.gather [hbm4b:s10+s6], $0x3000, $0x38;
	[tilespmem:$0xB380] =	vst v63  }
0x1f: {  	_ =	swait.ge [sflag:s18], $0x3000  }
0x20: {  	[sflag:s18] =	ssyncset.done $0x0  }
0x21: {  	[sflag:s18] =	ssyncadd.s32 $0xFFFFD000  }
0x22: {  	s12 =	rddreg [dreg:$0x2]  }
0x23: {  	[tilespmem:s22], [sflag:$0x2] =	stream.linear.gather [hbm4b:s12+s6], $0x80, $0x38;
	[tilespmem:$0xB380] =	vst v63  }
0x24: {  	_ =	swait.ge [sflag:s18], $0x80  }
0x25: {  	[sflag:s18] =	ssyncset.done $0x0  }
0x26: {  	[sflag:s18] =	ssyncadd.s32 $0xFFFFFF80  }
0x27: {  	s19 =	rddreg [dreg:$0x3]  }
0x28: {  	[tilespmem:s23], [sflag:$0x2] =	stream.linear.gather [hbm4b:s19+s6], $0x80, $0x38;
	[tilespmem:$0xB380] =	vst v63  }
0x29: {  	_ =	swait.ge [sflag:s18], $0x80  }
0x2a: {  	[sflag:s18] =	ssyncset.done $0x0  }
0x2b: {  	[sflag:s18] =	ssyncadd.s32 $0xFFFFFF80  }
0x2c: {  	s20 =	rddreg [dreg:$0x4]  }
0x2d: {  	[tilespmem:s24], [sflag:$0x2] =	stream.linear.gather [hbm4b:s20+s6], $0x40, $0x38;
	[tilespmem:$0xB380] =	vst v63  }
0x2e: {  	_ =	swait.ge [sflag:s18], $0x40  }
0x2f: {  	v0 =	vld [tilespmem:$0x1FFC0];
	_ =	sdelay $0x2  }
0x30: {  	[sflag:s18] =	ssyncset.done $0x0  }
0x31: {  	[sflag:s18] =	ssyncadd.s32 $0xFFFFFFC0  }
0x32: {  	[tilespmem:$0x9A80] =	vst v0;
	v0 =	vimm.s32 $0x50  }
0x33: {  	s31 =	simm.s32 $0x1;
	s0 =	simm.s32 $0x0;
	s7 =	simm.s32 $0x0;
	[tilespmem:$0x9B00] =	vst v0  }
.LBB2_2:
0x34: {  	v7 =	vld [tilespmem:s0+$0x9A80]  }
0x35: {  	v8 =	vld [tilespmem:s0+$0x9B00];
	_ =	sdelay $0x3  }
0x36: {  	(v2sf) =	vpush v7, $0x0  }
0x37: {  	(v2sf) =	vpush v8, $0x0;
	_ =	sdelay $0xd  }
0x38: {  	s1 =	spop (v2sf)  }
0x39: {  	s2 =	spop (v2sf)  }
0x3a: {  	p1 =	sgt.s32 s2, $0x0  }
0x3b: {  	s2 =	simm.s32 @!p1 $0x0  }
0x3c: {  	s2 =	smin.u32 s2, $0x50  }
0x3d: {  	s2 =	sshll.u32 s2, $0x6  }
0x3e: {  	v8 =	vld [tilespmem:s2+$0x9B80]  }
0x3f: {  	v9 =	vld [tilespmem:s2+$0x9B90]  }
0x40: {  	v12 =	vld [tilespmem:s2+$0x9BA0]  }
0x41: {  	v11 =	vld [tilespmem:s2+$0x9BB0];
	_ =	sdelay $0x1  }
0x42: {  	p1 =	sgt.s32 s1, $0x0;
	[tilespmem:$0xB080] =	vst v8  }
0x43: {  	s1 =	simm.s32 @!p1 $0x0;
	[tilespmem:$0xB090] =	vst v9  }
0x44: {  	s2 =	smin.u32 s1, $0xF;
	[tilespmem:$0xB0A0] =	vst v12  }
0x45: {  	s1 =	sshll.u32 s2, $0x7;
	[tilespmem:$0xB0B0] =	vst v11  }
0x46: {  	v7 =	vld [tilespmem:s1+$0x0];
	_ =	sdelay $0x4  }
0x47: {  	[tilespmem:$0xB000] =	vst v7  }
0x48: {  	v7 =	vld [tilespmem:s1+$0x10];
	_ =	sdelay $0x4  }
0x49: {  	[tilespmem:$0xB010] =	vst v7  }
0x4a: {  	v7 =	vld [tilespmem:s1+$0x20];
	_ =	sdelay $0x4  }
0x4b: {  	[tilespmem:$0xB020] =	vst v7  }
0x4c: {  	v7 =	vld [tilespmem:s1+$0x30];
	_ =	sdelay $0x4  }
0x4d: {  	[tilespmem:$0xB030] =	vst v7  }
0x4e: {  	v7 =	vld [tilespmem:s1+$0x40];
	_ =	sdelay $0x4  }
0x4f: {  	[tilespmem:$0xB040] =	vst v7  }
0x50: {  	v7 =	vld [tilespmem:s1+$0x50];
	_ =	sdelay $0x4  }
0x51: {  	[tilespmem:$0xB050] =	vst v7  }
0x52: {  	v7 =	vld [tilespmem:s1+$0x60];
	_ =	sdelay $0x4  }
0x53: {  	[tilespmem:$0xB060] =	vst v7  }
0x54: {  	v7 =	vld [tilespmem:s1+$0x70];
	_ =	sdelay $0x4  }
0x55: {  	[tilespmem:$0xB070] =	vst v7  }
0x56: {  	v38 =	vld [tilespmem:s11+$0x9980]  }
0x57: {  	v39 =	vld [tilespmem:s11+$0x9990]  }
0x58: {  	v36 =	vld [tilespmem:s11+$0x99A0]  }
0x59: {  	v37 =	vld [tilespmem:s11+$0x99B0]  }
0x5a: {  	v14 =	vld [tilespmem:s17+$0x380]  }
0x5b: {  	v15 =	vld [tilespmem:s17+$0x390]  }
0x5c: {  	v17 =	vld [tilespmem:s17+$0x300]  }
0x5d: {  	v18 =	vld [tilespmem:s17+$0x310]  }
0x5e: {  	v20 =	vld [tilespmem:s17+$0x280]  }
0x5f: {  	v21 =	vld [tilespmem:s17+$0x290]  }
0x60: {  	v23 =	vld [tilespmem:s17+$0x200]  }
0x61: {  	v24 =	vld [tilespmem:s17+$0x210]  }
0x62: {  	v27 =	vld [tilespmem:s17+$0x180]  }
0x63: {  	s3 =	simm.s32 $0x0;
	v28 =	vld [tilespmem:s17+$0x190]  }
0x64: {  	v30 =	vld [tilespmem:s3+$0xB000]  }
0x65: {  	v31 =	vld [tilespmem:s17+$0x100]  }
0x66: {  	v33 =	vld [tilespmem:s17+$0x110]  }
0x67: {  	v34 =	vld [tilespmem:s17+$0x80]  }
0x68: {  	v40 =	vld [tilespmem:s17+$0x90]  }
0x69: {  	v41 =	vld [tilespmem:s17+$0x0];
	v10 =	vbroadcast v30, $0xE;
	v7 =	vbroadcast v30, $0xF  }
0x6a: {  	v43 =	vld [tilespmem:s17+$0x10];
	v16 =	vbroadcast v30, $0xC;
	v13 =	vbroadcast v30, $0xD  }
0x6b: {  	v44 =	vld [tilespmem:s17+$0xFFFFFF80];
	v22 =	vbroadcast v30, $0xA;
	v19 =	vbroadcast v30, $0xB  }
0x6c: {  	v62 =	vld [tilespmem:s17+$0xFFFFFF90];
	v26 =	vbroadcast v30, $0x8;
	v25 =	vbroadcast v30, $0x9  }
0x6d: {  	v49 =	vld [tilespmem:s17+$0xFFFFFF00];
	v32 =	vbroadcast v30, $0x6;
	v29 =	vbroadcast v30, $0x7  }
0x6e: {  	v50 =	vld [tilespmem:s17+$0xFFFFFF10];
	v42 =	vbroadcast v30, $0x4;
	v35 =	vbroadcast v30, $0x5  }
0x6f: {  	v51 =	vld [tilespmem:s17+$0xFFFFFE80];
	v46 =	vbroadcast v30, $0x2;
	v45 =	vbroadcast v30, $0x3  }
0x70: {  	v53 =	vld [tilespmem:s17+$0xFFFFFE90];
	v48 =	vbroadcast v30, $0x0;
	v47 =	vbroadcast v30, $0x1  }
0x71: {  	v52 =	vld [tilespmem:s17+$0xFFFFFE00];
	v14 =	vmul.f32 v14, v7;
	v15 =	vmul.f32 v15, v7  }
0x72: {  	v54 =	vld [tilespmem:s17+$0xFFFFFE10];
	v17 =	vmul.f32 v17, v10;
	v18 =	vmul.f32 v18, v10  }
0x73: {  	v55 =	vld [tilespmem:s17+$0xFFFFFD80];
	v20 =	vmul.f32 v20, v13;
	v21 =	vmul.f32 v21, v13  }
0x74: {  	v56 =	vld [tilespmem:s17+$0xFFFFFD90];
	v23 =	vmul.f32 v23, v16;
	v24 =	vmul.f32 v24, v16  }
0x75: {  	v57 =	vld [tilespmem:s17+$0xFFFFFD00];
	v27 =	vmul.f32 v27, v19;
	v28 =	vmul.f32 v28, v19  }
0x76: {  	v58 =	vld [tilespmem:s17+$0xFFFFFD10];
	v30 =	vmul.f32 v31, v22;
	v31 =	vmul.f32 v33, v22  }
0x77: {  	v59 =	vld [tilespmem:s17+$0xFFFFFC80];
	v33 =	vmul.f32 v34, v25;
	v34 =	vmul.f32 v40, v25  }
0x78: {  	v60 =	vld [tilespmem:s17+$0xFFFFFC90];
	v40 =	vmul.f32 v41, v26;
	v41 =	vmul.f32 v43, v26  }
0x79: {  	s4 =	simm.s32 $0x40;
	v61 =	vld [tilespmem:s17+$0xFFFFFC00];
	s3 =	smov.u32 s17;
	v43 =	vmul.f32 v44, v29;
	v44 =	vmul.f32 v62, v29  }
.LBB2_3:
0x7a: {  	p1 =	sne.s32 s4, $0x2C0;
	v62 =	vld [tilespmem:s3+$0xFFFFFC10];
	v49 =	vmul.f32 v49, v32;
	v50 =	vmul.f32 v50, v32  }
0x7b: {  	v51 =	vmul.f32 v51, v35;
	v53 =	vmul.f32 v53, v35;
	v63 =	vld [tilespmem:s3+$0xFFFFFC20]  }
0x7c: {  	v52 =	vmul.f32 v52, v42;
	v54 =	vmul.f32 v54, v42;
	v5 =	vld [tilespmem:s3+$0xFFFFFC30]  }
0x7d: {  	v55 =	vmul.f32 v55, v45;
	v56 =	vmul.f32 v56, v45;
	v0 =	vld [tilespmem:s3+$0xFFFFFCA0]  }
0x7e: {  	v57 =	vmul.f32 v57, v46;
	v58 =	vmul.f32 v58, v46;
	v4 =	vld [tilespmem:s3+$0xFFFFFCB0]  }
0x7f: {  	v59 =	vmul.f32 v59, v47;
	v60 =	vmul.f32 v60, v47;
	v2 =	vld [tilespmem:s3+$0xFFFFFD20]  }
0x80: {  	v61 =	vmul.f32 v61, v48;
	v62 =	vmul.f32 v62, v48;
	v1 =	vld [tilespmem:s3+$0xFFFFFD30]  }
0x81: {  	v63 =	vmul.f32 v63, v48;
	v5 =	vmul.f32 v5, v48;
	v48 =	vld [tilespmem:s3+$0xFFFFFDA0]  }
0x82: {  	v38 =	vadd.f32 v61, v38;
	v39 =	vadd.f32 v62, v39;
	v0 =	vmul.f32 v0, v47;
	v61 =	vld [tilespmem:s3+$0xFFFFFDB0]  }
0x83: {  	v36 =	vadd.f32 v63, v36;
	v5 =	vadd.f32 v5, v37;
	v4 =	vmul.f32 v4, v47;
	v37 =	vld [tilespmem:s3+$0xFFFFFE20]  }
0x84: {  	v38 =	vadd.f32 v59, v38;
	v39 =	vadd.f32 v60, v39;
	v2 =	vmul.f32 v2, v46;
	v47 =	vld [tilespmem:s3+$0xFFFFFE30]  }
0x85: {  	v0 =	vadd.f32 v0, v36;
	v4 =	vadd.f32 v4, v5;
	v1 =	vmul.f32 v1, v46;
	v5 =	vld [tilespmem:s3+$0xFFFFFEA0]  }
0x86: {  	v36 =	vadd.f32 v57, v38;
	v38 =	vadd.f32 v58, v39;
	v39 =	vmul.f32 v48, v45;
	v46 =	vld [tilespmem:s3+$0xFFFFFEB0]  }
0x87: {  	v0 =	vadd.f32 v2, v0;
	v1 =	vadd.f32 v1, v4;
	v2 =	vmul.f32 v61, v45;
	v4 =	vld [tilespmem:s3+$0xFFFFFF20]  }
0x88: {  	v36 =	vadd.f32 v55, v36;
	v38 =	vadd.f32 v56, v38;
	v37 =	vmul.f32 v37, v42;
	v45 =	vld [tilespmem:s3+$0xFFFFFF30]  }
0x89: {  	v0 =	vadd.f32 v39, v0;
	v1 =	vadd.f32 v2, v1;
	v2 =	vmul.f32 v47, v42;
	v39 =	vld [tilespmem:s3+$0xFFFFFFA0]  }
0x8a: {  	v36 =	vadd.f32 v52, v36;
	v38 =	vadd.f32 v54, v38;
	v5 =	vmul.f32 v5, v35;
	v42 =	vld [tilespmem:s3+$0xFFFFFFB0]  }
0x8b: {  	v0 =	vadd.f32 v37, v0;
	v1 =	vadd.f32 v2, v1;
	v2 =	vmul.f32 v46, v35;
	v35 =	vld [tilespmem:s3+$0x20]  }
0x8c: {  	v36 =	vadd.f32 v51, v36;
	v37 =	vadd.f32 v53, v38;
	v4 =	vmul.f32 v4, v32;
	v38 =	vld [tilespmem:s3+$0x30]  }
0x8d: {  	v0 =	vadd.f32 v5, v0;
	v1 =	vadd.f32 v2, v1;
	v2 =	vmul.f32 v45, v32;
	v5 =	vld [tilespmem:s3+$0xA0]  }
0x8e: {  	v32 =	vadd.f32 v49, v36;
	v36 =	vadd.f32 v50, v37;
	v37 =	vmul.f32 v39, v29;
	v39 =	vld [tilespmem:s3+$0xB0]  }
0x8f: {  	v0 =	vadd.f32 v4, v0;
	v1 =	vadd.f32 v2, v1;
	v2 =	vmul.f32 v42, v29;
	v4 =	vld [tilespmem:s3+$0x120]  }
0x90: {  	v29 =	vadd.f32 v43, v32;
	v32 =	vadd.f32 v44, v36;
	v35 =	vmul.f32 v35, v26;
	v36 =	vld [tilespmem:s3+$0x130]  }
0x91: {  	v0 =	vadd.f32 v37, v0;
	v1 =	vadd.f32 v2, v1;
	v2 =	vmul.f32 v38, v26;
	v26 =	vld [tilespmem:s3+$0x1A0]  }
0x92: {  	v29 =	vadd.f32 v40, v29;
	v32 =	vadd.f32 v41, v32;
	v5 =	vmul.f32 v5, v25;
	v37 =	vld [tilespmem:s3+$0x1B0]  }
0x93: {  	v0 =	vadd.f32 v35, v0;
	v1 =	vadd.f32 v2, v1;
	v2 =	vmul.f32 v39, v25;
	v25 =	vld [tilespmem:s3+$0x220]  }
0x94: {  	v29 =	vadd.f32 v33, v29;
	v32 =	vadd.f32 v34, v32;
	v4 =	vmul.f32 v4, v22;
	v33 =	vld [tilespmem:s3+$0x230]  }
0x95: {  	v0 =	vadd.f32 v5, v0;
	v1 =	vadd.f32 v2, v1;
	v2 =	vmul.f32 v36, v22;
	v5 =	vld [tilespmem:s3+$0x2A0]  }
0x96: {  	v22 =	vadd.f32 v30, v29;
	v29 =	vadd.f32 v31, v32;
	v26 =	vmul.f32 v26, v19;
	v30 =	vld [tilespmem:s3+$0x2B0]  }
0x97: {  	v0 =	vadd.f32 v4, v0;
	v1 =	vadd.f32 v2, v1;
	v2 =	vmul.f32 v37, v19;
	v4 =	vld [tilespmem:s3+$0x320]  }
0x98: {  	v19 =	vadd.f32 v27, v22;
	v22 =	vadd.f32 v28, v29;
	v25 =	vmul.f32 v25, v16;
	v27 =	vld [tilespmem:s3+$0x330]  }
0x99: {  	v0 =	vadd.f32 v26, v0;
	v1 =	vadd.f32 v2, v1;
	v2 =	vmul.f32 v33, v16;
	v16 =	vld [tilespmem:s3+$0x3A0]  }
0x9a: {  	v19 =	vadd.f32 v23, v19;
	v22 =	vadd.f32 v24, v22;
	v5 =	vmul.f32 v5, v13;
	v23 =	vld [tilespmem:s3+$0x3B0];
	s3 =	sadd.s32 $0x800, s3  }
0x9b: {  	v0 =	vadd.f32 v25, v0;
	v24 =	vld [tilespmem:s3+$0x380];
	v1 =	vadd.f32 v2, v1;
	v2 =	vmul.f32 v30, v13  }
0x9c: {  	v13 =	vadd.f32 v20, v19;
	v19 =	vadd.f32 v21, v22;
	v28 =	vld [tilespmem:s3+$0x390];
	v4 =	vmul.f32 v4, v10  }
0x9d: {  	v0 =	vadd.f32 v5, v0;
	v20 =	vld [tilespmem:s3+$0x300];
	v1 =	vadd.f32 v2, v1;
	v2 =	vmul.f32 v27, v10  }
0x9e: {  	v10 =	vadd.f32 v17, v13;
	v13 =	vadd.f32 v18, v19;
	v5 =	vld [tilespmem:s3+$0x310];
	v16 =	vmul.f32 v16, v7  }
0x9f: {  	v0 =	vadd.f32 v4, v0;
	v21 =	vld [tilespmem:s3+$0x280];
	v1 =	vadd.f32 v2, v1;
	v2 =	vmul.f32 v23, v7  }
0xa0: {  	v38 =	vadd.f32 v14, v10;
	v39 =	vadd.f32 v15, v13;
	v4 =	vld [tilespmem:s3+$0x290]  }
0xa1: {  	v36 =	vadd.f32 v16, v0;
	v23 =	vld [tilespmem:s3+$0x200];
	v37 =	vadd.f32 v2, v1  }
0xa2: {  	v0 =	vld [tilespmem:s3+$0x210]  }
0xa3: {  	v1 =	vld [tilespmem:s3+$0x180]  }
0xa4: {  	s19 =	sshra.s32 s4, $0x2;
	v2 =	vld [tilespmem:s3+$0x190]  }
0xa5: {  	v14 =	vld [tilespmem:s19+$0xB000]  }
0xa6: {  	v30 =	vld [tilespmem:s3+$0x100]  }
0xa7: {  	v31 =	vld [tilespmem:s3+$0x110]  }
0xa8: {  	v33 =	vld [tilespmem:s3+$0x80]  }
0xa9: {  	v34 =	vld [tilespmem:s3+$0x90]  }
0xaa: {  	v40 =	vld [tilespmem:s3+$0x0];
	v10 =	vbroadcast v14, $0xE;
	v7 =	vbroadcast v14, $0xF  }
0xab: {  	v16 =	vbroadcast v14, $0xC;
	v13 =	vbroadcast v14, $0xD;
	v41 =	vld [tilespmem:s3+$0x10]  }
0xac: {  	v22 =	vbroadcast v14, $0xA;
	v19 =	vbroadcast v14, $0xB;
	v43 =	vld [tilespmem:s3+$0xFFFFFF80]  }
0xad: {  	v26 =	vbroadcast v14, $0x8;
	v25 =	vbroadcast v14, $0x9;
	v44 =	vld [tilespmem:s3+$0xFFFFFF90]  }
0xae: {  	v32 =	vbroadcast v14, $0x6;
	v29 =	vbroadcast v14, $0x7;
	v49 =	vld [tilespmem:s3+$0xFFFFFF00]  }
0xaf: {  	v42 =	vbroadcast v14, $0x4;
	v35 =	vbroadcast v14, $0x5;
	v50 =	vld [tilespmem:s3+$0xFFFFFF10]  }
0xb0: {  	v46 =	vbroadcast v14, $0x2;
	v45 =	vbroadcast v14, $0x3;
	v51 =	vld [tilespmem:s3+$0xFFFFFE80]  }
0xb1: {  	v48 =	vbroadcast v14, $0x0;
	v47 =	vbroadcast v14, $0x1;
	v53 =	vld [tilespmem:s3+$0xFFFFFE90]  }
0xb2: {  	v14 =	vmul.f32 v24, v7;
	v15 =	vmul.f32 v28, v7;
	v52 =	vld [tilespmem:s3+$0xFFFFFE00]  }
0xb3: {  	v17 =	vmul.f32 v20, v10;
	v18 =	vmul.f32 v5, v10;
	v54 =	vld [tilespmem:s3+$0xFFFFFE10]  }
0xb4: {  	v20 =	vmul.f32 v21, v13;
	v21 =	vmul.f32 v4, v13;
	v55 =	vld [tilespmem:s3+$0xFFFFFD80]  }
0xb5: {  	v23 =	vmul.f32 v23, v16;
	v24 =	vmul.f32 v0, v16;
	v56 =	vld [tilespmem:s3+$0xFFFFFD90]  }
.Ltmp0:
0xb6: {  	v27 =	vmul.f32 v1, v19;
	v28 =	vmul.f32 v2, v19;
	v57 =	vld [tilespmem:s3+$0xFFFFFD00];
	(pc) =	sbr.rel @p1 .LBB2_3-.Ltmp0, $4  }
0xb7: {  	v30 =	vmul.f32 v30, v22;
	v31 =	vmul.f32 v31, v22;
	v58 =	vld [tilespmem:s3+$0xFFFFFD10]  }
0xb8: {  	v33 =	vmul.f32 v33, v25;
	v34 =	vmul.f32 v34, v25;
	v59 =	vld [tilespmem:s3+$0xFFFFFC80]  }
0xb9: {  	v40 =	vmul.f32 v40, v26;
	v41 =	vmul.f32 v41, v26;
	v60 =	vld [tilespmem:s3+$0xFFFFFC90]  }
0xba: {  	s4 =	sadd.s32 $0x40, s4;
	v43 =	vmul.f32 v43, v29;
	v44 =	vmul.f32 v44, v29;
	v61 =	vld [tilespmem:s3+$0xFFFFFC00]  }
0xbb: {  	v0 =	vld [tilespmem:s3+$0xFFFFFC10]  }
0xbc: {  	v1 =	vmul.f32 v49, v32;
	v4 =	vld [tilespmem:s3+$0xFFFFFC20]  }
0xbd: {  	v2 =	vmul.f32 v50, v32;
	v5 =	vmul.f32 v51, v35;
	v50 =	vld [tilespmem:s3+$0xFFFFFC30]  }
0xbe: {  	v49 =	vmul.f32 v53, v35;
	v51 =	vmul.f32 v52, v42;
	v53 =	vld [tilespmem:s3+$0xFFFFFCA0]  }
0xbf: {  	v52 =	vmul.f32 v54, v42;
	v54 =	vmul.f32 v55, v45;
	v62 =	vld [tilespmem:s3+$0xFFFFFD20]  }
0xc0: {  	v55 =	vmul.f32 v56, v45;
	v56 =	vld [tilespmem:s3+$0xFFFFFCB0];
	v57 =	vmul.f32 v57, v46  }
0xc1: {  	v59 =	vmul.f32 v59, v47;
	v61 =	vmul.f32 v61, v48  }
0xc2: {  	v63 =	vld [tilespmem:s3+$0xFFFFFD30];
	v60 =	vmul.f32 v60, v47;
	v0 =	vmul.f32 v0, v48  }
0xc3: {  	v4 =	vmul.f32 v4, v48;
	v48 =	vmul.f32 v50, v48;
	v50 =	vld [tilespmem:s3+$0xFFFFFDA0];
	v38 =	vadd.f32 v61, v38  }
0xc4: {  	v61 =	vmul.f32 v62, v46;
	v0 =	vadd.f32 v0, v39;
	v39 =	vmul.f32 v53, v47;
	v53 =	vld [tilespmem:s3+$0xFFFFFDB0]  }
0xc5: {  	v62 =	vld [tilespmem:s3+$0xFFFFFE30];
	v4 =	vadd.f32 v4, v36;
	v36 =	vadd.f32 v48, v37;
	v37 =	vmul.f32 v56, v47  }
0xc6: {  	v58 =	vmul.f32 v58, v46;
	v47 =	vld [tilespmem:s3+$0xFFFFFE20];
	v38 =	vadd.f32 v59, v38;
	v0 =	vadd.f32 v60, v0  }
0xc7: {  	v63 =	vmul.f32 v63, v46;
	v4 =	vadd.f32 v39, v4;
	v36 =	vadd.f32 v37, v36;
	v39 =	vld [tilespmem:s3+$0xFFFFFEA0]  }
0xc8: {  	v38 =	vadd.f32 v57, v38;
	v57 =	vmul.f32 v50, v45;
	v0 =	vadd.f32 v58, v0;
	v58 =	vld [tilespmem:s3+$0xFFFFFEB0]  }
0xc9: {  	v60 =	vld [tilespmem:s3+$0xFFFFFF20];
	v4 =	vadd.f32 v61, v4;
	v36 =	vadd.f32 v63, v36;
	v59 =	vmul.f32 v53, v45  }
0xca: {  	v61 =	vld [tilespmem:s3+$0xFFFFFF30];
	v62 =	vmul.f32 v62, v42;
	v38 =	vadd.f32 v54, v38;
	v0 =	vadd.f32 v55, v0  }
0xcb: {  	v63 =	vld [tilespmem:s3+$0xFFFFFFA0];
	v47 =	vmul.f32 v47, v42;
	v4 =	vadd.f32 v57, v4;
	v36 =	vadd.f32 v59, v36  }
0xcc: {  	v38 =	vadd.f32 v51, v38;
	v39 =	vmul.f32 v39, v35;
	v51 =	vld [tilespmem:s3+$0xFFFFFFB0];
	v0 =	vadd.f32 v52, v0  }
0xcd: {  	v53 =	vld [tilespmem:s3+$0x20];
	v4 =	vadd.f32 v47, v4;
	v36 =	vadd.f32 v62, v36;
	v52 =	vmul.f32 v58, v35  }
0xce: {  	v55 =	vld [tilespmem:s3+$0x30];
	v54 =	vmul.f32 v60, v32;
	v5 =	vadd.f32 v5, v38;
	v0 =	vadd.f32 v49, v0  }
0xcf: {  	v56 =	vmul.f32 v61, v32;
	v4 =	vadd.f32 v39, v4;
	v35 =	vadd.f32 v52, v36  }
0xd0: {  	v1 =	vadd.f32 v1, v5;
	v5 =	vld [tilespmem:s3+$0xB0];
	v0 =	vadd.f32 v2, v0;
	v2 =	vmul.f32 v63, v29  }
0xd1: {  	v57 =	vld [tilespmem:s3+$0xA0];
	v4 =	vadd.f32 v54, v4;
	v29 =	vmul.f32 v51, v29;
	v32 =	vadd.f32 v56, v35  }
0xd2: {  	v59 =	vld [tilespmem:s3+$0x130];
	v37 =	vmul.f32 v53, v26;
	v1 =	vadd.f32 v43, v1  }
0xd3: {  	v58 =	vld [tilespmem:s3+$0x120];
	v26 =	vmul.f32 v55, v26;
	v2 =	vadd.f32 v2, v4;
	v4 =	vadd.f32 v29, v32  }
0xd4: {  	v61 =	vld [tilespmem:s3+$0x1B0];
	v1 =	vadd.f32 v40, v1  }
0xd5: {  	v0 =	vadd.f32 v44, v0;
	v29 =	vld [tilespmem:s3+$0x1A0];
	v5 =	vmul.f32 v5, v25;
	v4 =	vadd.f32 v26, v4  }
0xd6: {  	v62 =	vld [tilespmem:s3+$0x230];
	v60 =	vmul.f32 v57, v25;
	v2 =	vadd.f32 v37, v2;
	v1 =	vadd.f32 v33, v1  }
0xd7: {  	v0 =	vadd.f32 v41, v0;
	v25 =	vld [tilespmem:s3+$0x220];
	v4 =	vadd.f32 v5, v4;
	v5 =	vmul.f32 v59, v22  }
0xd8: {  	v26 =	vmul.f32 v58, v22;
	v2 =	vadd.f32 v60, v2;
	v1 =	vadd.f32 v30, v1;
	v30 =	vld [tilespmem:s3+$0x2B0]  }
0xd9: {  	v0 =	vadd.f32 v34, v0;
	v22 =	vld [tilespmem:s3+$0x2A0];
	v4 =	vadd.f32 v5, v4;
	v5 =	vmul.f32 v61, v19  }
0xda: {  	v29 =	vmul.f32 v29, v19;
	v2 =	vadd.f32 v26, v2;
	v26 =	vld [tilespmem:s3+$0x330];
	v1 =	vadd.f32 v27, v1  }
0xdb: {  	v0 =	vadd.f32 v31, v0;
	v19 =	vld [tilespmem:s3+$0x320];
	v4 =	vadd.f32 v5, v4;
	v5 =	vmul.f32 v62, v16  }
0xdc: {  	v25 =	vmul.f32 v25, v16;
	v2 =	vadd.f32 v29, v2;
	v1 =	vadd.f32 v23, v1;
	v23 =	vld [tilespmem:s3+$0x3B0]  }
0xdd: {  	v4 =	vadd.f32 v5, v4;
	v5 =	vmul.f32 v30, v13  }
0xde: {  	v0 =	vadd.f32 v28, v0;
	v22 =	vmul.f32 v22, v13;
	v2 =	vadd.f32 v25, v2  }
0xdf: {  	v4 =	vadd.f32 v5, v4;
	v5 =	vmul.f32 v26, v10  }
0xe0: {  	v16 =	vld [tilespmem:s3+$0x3A0];
	v0 =	vadd.f32 v24, v0;
	v13 =	vmul.f32 v19, v10;
	v2 =	vadd.f32 v22, v2  }
0xe1: {  	v1 =	vadd.f32 v20, v1;
	v4 =	vadd.f32 v5, v4;
	v5 =	vmul.f32 v23, v7  }
0xe2: {  	v0 =	vadd.f32 v21, v0;
	v2 =	vadd.f32 v13, v2;
	v13 =	vld [tilespmem:$0x1FFD0]  }
0xe3: {  	v1 =	vadd.f32 v17, v1;
	v4 =	vadd.f32 v5, v4;
	v5 =	vld [tilespmem:$0x1FFE0]  }
0xe4: {  	v0 =	vadd.f32 v18, v0  }
0xe5: {  	v10 =	vmul.f32 v16, v7;
	v1 =	vadd.f32 v14, v1  }
0xe6: {  	v0 =	vadd.f32 v15, v0  }
0xe7: {  	v2 =	vadd.f32 v10, v2;
	v10 =	vmax.f32 v1, $0.0e+00  }
0xe8: {  	v7 =	vmax.f32 v0, $0.0e+00;
	[tilespmem:$0xB0C0] =	vst v10;
	v0 =	vmul.f32 v8, v13;
	v1 =	vmul.f32 v12, v5  }
0xe9: {  	v8 =	vmax.f32 v2, $0.0e+00;
	[tilespmem:$0xB0D0] =	vst v7;
	v2 =	vmul.f32 v9, v13;
	v5 =	vmul.f32 v11, v5  }
0xea: {  	p1 =	por $0x1, $0x1;
	s3 =	smov.u32 s21;
	v9 =	vmax.f32 v4, $0.0e+00;
	v4 =	vld [tilespmem:$0x9A10];
	[tilespmem:$0xB0E0] =	vst v8;
	v0 =	vadd.f32 v1, v0  }
0xeb: {  	s3 =	smov.u32 @p1 s11;
	[tilespmem:$0xB0F0] =	vst v9;
	v1 =	vld [tilespmem:$0x9A00];
	v2 =	vadd.f32 v5, v2  }
0xec: {  	s3 =	sadd.s32 $0x0, s3;
	[tilespmem:$0xB100] =	vst v0;
	v0 =	vld [tilespmem:$0x9A20]  }
0xed: {  	s4 =	simm.s32 $0xB0C0;
	s3 =	sshll.u32 s3, $0x8;
	[tilespmem:$0xB110] =	vst v2;
	v2 =	vld [tilespmem:$0x9A30]  }
0xee: {  	s3 =	sshra.s32 s3, $0x2;
	v5 =	vld [tilespmem:s4+$0x0]  }
0xef: {  	v14 =	vld [tilespmem:s3+$0x6D40]  }
0xf0: {  	v17 =	vld [tilespmem:s3+$0x6D50]  }
0xf1: {  	v18 =	vld [tilespmem:s3+$0x6D00]  }
0xf2: {  	v20 =	vld [tilespmem:s3+$0x6D10]  }
0xf3: {  	v21 =	vld [tilespmem:s3+$0x6CC0]  }
0xf4: {  	v23 =	vld [tilespmem:s3+$0x6CD0]  }
0xf5: {  	v24 =	vld [tilespmem:s3+$0x6C80]  }
0xf6: {  	v27 =	vld [tilespmem:s3+$0x6C90]  }
0xf7: {  	v28 =	vld [tilespmem:s3+$0x6C40]  }
0xf8: {  	v30 =	vld [tilespmem:s3+$0x6C50]  }
0xf9: {  	v31 =	vld [tilespmem:s3+$0x6C00]  }
0xfa: {  	v63 =	vld [tilespmem:s3+$0x6C10]  }
0xfb: {  	v39 =	vmul.f32 v4, v13;
	v40 =	vld [tilespmem:s3+$0x6B80];
	v41 =	vmul.f32 v1, v13  }
0xfc: {  	v42 =	vld [tilespmem:s3+$0x6B90];
	v38 =	vmul.f32 v0, v13;
	v37 =	vmul.f32 v2, v13  }
0xfd: {  	v43 =	vld [tilespmem:s3+$0x6B40];
	v12 =	vbroadcast v5, $0xE;
	v11 =	vbroadcast v5, $0xF  }
0xfe: {  	v45 =	vld [tilespmem:s3+$0x6B50];
	v15 =	vbroadcast v5, $0xC;
	v13 =	vbroadcast v5, $0xD  }
0xff: {  	v47 =	vld [tilespmem:s3+$0x6B00];
	v22 =	vbroadcast v5, $0xA;
	v19 =	vbroadcast v5, $0xB  }
0x100: {  	v48 =	vld [tilespmem:s3+$0x6B10];
	v26 =	vbroadcast v5, $0x8;
	v25 =	vbroadcast v5, $0x9  }
0x101: {  	v49 =	vld [tilespmem:s3+$0x6AC0];
	v32 =	vbroadcast v5, $0x6;
	v29 =	vbroadcast v5, $0x7  }
0x102: {  	v50 =	vld [tilespmem:s3+$0x6AD0];
	v36 =	vbroadcast v5, $0x4;
	v35 =	vbroadcast v5, $0x5  }
0x103: {  	v52 =	vld [tilespmem:s3+$0x6A80];
	v46 =	vbroadcast v5, $0x2;
	v44 =	vbroadcast v5, $0x3  }
0x104: {  	v53 =	vld [tilespmem:s3+$0x6A90];
	v54 =	vbroadcast v5, $0x0;
	v51 =	vbroadcast v5, $0x1  }
0x105: {  	v1 =	vld [tilespmem:s3+$0x6BC0];
	v16 =	vmul.f32 v14, v11;
	v14 =	vmul.f32 v17, v11  }
0x106: {  	v0 =	vld [tilespmem:s3+$0x6BD0];
	v18 =	vmul.f32 v18, v12;
	v17 =	vmul.f32 v20, v12  }
0x107: {  	v55 =	vld [tilespmem:s3+$0x6A40];
	v21 =	vmul.f32 v21, v13;
	v20 =	vmul.f32 v23, v13  }
0x108: {  	v56 =	vld [tilespmem:s3+$0x6A50];
	v24 =	vmul.f32 v24, v15;
	v23 =	vmul.f32 v27, v15  }
0x109: {  	v57 =	vld [tilespmem:s3+$0x6A00];
	v28 =	vmul.f32 v28, v19;
	v27 =	vmul.f32 v30, v19  }
0x10a: {  	v58 =	vld [tilespmem:s3+$0x6A10];
	v31 =	vmul.f32 v31, v22;
	v30 =	vmul.f32 v63, v22  }
0x10b: {  	s19 =	simm.s32 $0x0;
	s20 =	simm.s32 $0x1;
	v59 =	vld [tilespmem:s3+$0x69C0];
	v34 =	vmul.f32 v1, v25;
	v33 =	vmul.f32 v0, v25  }
.LBB2_5:
0x10c: {  	p1 =	sne.s32 s20, $0x5;
	v0 =	vld [tilespmem:s3+$0x69D0];
	v1 =	vmul.f32 v40, v26;
	v2 =	vmul.f32 v42, v26  }
0x10d: {  	v5 =	vmul.f32 v43, v29;
	v40 =	vmul.f32 v45, v29;
	v4 =	vld [tilespmem:s3+$0x6980]  }
0x10e: {  	v43 =	vmul.f32 v47, v32;
	v45 =	vmul.f32 v48, v32;
	v42 =	vld [tilespmem:s3+$0x6990]  }
0x10f: {  	v48 =	vmul.f32 v49, v35;
	v49 =	vmul.f32 v50, v35;
	v47 =	vld [tilespmem:s3+$0x69A0]  }
0x110: {  	v52 =	vmul.f32 v52, v36;
	v53 =	vmul.f32 v53, v36;
	v50 =	vld [tilespmem:s3+$0x69B0]  }
0x111: {  	v55 =	vmul.f32 v55, v44;
	v56 =	vmul.f32 v56, v44;
	v60 =	vld [tilespmem:s3+$0x69E0]  }
0x112: {  	v57 =	vmul.f32 v57, v46;
	v58 =	vmul.f32 v58, v46;
	v61 =	vld [tilespmem:s3+$0x69F0]  }
0x113: {  	v59 =	vmul.f32 v59, v51;
	v0 =	vmul.f32 v0, v51;
	v62 =	vld [tilespmem:s3+$0x6A20]  }
0x114: {  	v4 =	vmul.f32 v4, v54;
	v42 =	vmul.f32 v42, v54;
	v63 =	vld [tilespmem:s3+$0x6A30]  }
0x115: {  	v47 =	vmul.f32 v47, v54;
	v50 =	vmul.f32 v50, v54;
	v54 =	vld [tilespmem:s3+$0x6A60]  }
0x116: {  	v4 =	vadd.f32 v4, v41;
	v39 =	vadd.f32 v42, v39;
	v41 =	vmul.f32 v60, v51;
	v42 =	vld [tilespmem:s3+$0x6A70]  }
0x117: {  	v38 =	vadd.f32 v47, v38;
	v37 =	vadd.f32 v50, v37;
	v47 =	vmul.f32 v61, v51;
	v50 =	vld [tilespmem:s3+$0x6AA0]  }
0x118: {  	v4 =	vadd.f32 v59, v4;
	v0 =	vadd.f32 v0, v39;
	v39 =	vmul.f32 v62, v46;
	v51 =	vld [tilespmem:s3+$0x6AB0]  }
0x119: {  	v38 =	vadd.f32 v41, v38;
	v37 =	vadd.f32 v47, v37;
	v41 =	vmul.f32 v63, v46;
	v46 =	vld [tilespmem:s3+$0x6AE0]  }
0x11a: {  	v4 =	vadd.f32 v57, v4;
	v0 =	vadd.f32 v58, v0;
	v47 =	vmul.f32 v54, v44;
	v54 =	vld [tilespmem:s3+$0x6AF0]  }
0x11b: {  	v38 =	vadd.f32 v39, v38;
	v37 =	vadd.f32 v41, v37;
	v39 =	vmul.f32 v42, v44;
	v41 =	vld [tilespmem:s3+$0x6B20]  }
0x11c: {  	v4 =	vadd.f32 v55, v4;
	v0 =	vadd.f32 v56, v0;
	v42 =	vmul.f32 v50, v36;
	v44 =	vld [tilespmem:s3+$0x6B30]  }
0x11d: {  	v38 =	vadd.f32 v47, v38;
	v37 =	vadd.f32 v39, v37;
	v36 =	vmul.f32 v51, v36;
	v39 =	vld [tilespmem:s3+$0x6B60]  }
0x11e: {  	v4 =	vadd.f32 v52, v4;
	v0 =	vadd.f32 v53, v0;
	v46 =	vmul.f32 v46, v35;
	v47 =	vld [tilespmem:s3+$0x6B70]  }
0x11f: {  	v38 =	vadd.f32 v42, v38;
	v36 =	vadd.f32 v36, v37;
	v35 =	vmul.f32 v54, v35;
	v37 =	vld [tilespmem:s3+$0x6BA0]  }
0x120: {  	v4 =	vadd.f32 v48, v4;
	v0 =	vadd.f32 v49, v0;
	v41 =	vmul.f32 v41, v32;
	v42 =	vld [tilespmem:s3+$0x6BB0]  }
0x121: {  	v38 =	vadd.f32 v46, v38;
	v35 =	vadd.f32 v35, v36;
	v32 =	vmul.f32 v44, v32;
	v36 =	vld [tilespmem:s3+$0x6BE0]  }
0x122: {  	v4 =	vadd.f32 v43, v4;
	v0 =	vadd.f32 v45, v0;
	v39 =	vmul.f32 v39, v29;
	v43 =	vld [tilespmem:s3+$0x6BF0]  }
0x123: {  	v38 =	vadd.f32 v41, v38;
	v32 =	vadd.f32 v32, v35;
	v29 =	vmul.f32 v47, v29;
	v35 =	vld [tilespmem:s3+$0x6C20]  }
0x124: {  	v4 =	vadd.f32 v5, v4;
	v0 =	vadd.f32 v40, v0;
	v5 =	vmul.f32 v37, v26;
	v37 =	vld [tilespmem:s3+$0x6C30]  }
0x125: {  	v38 =	vadd.f32 v39, v38;
	v29 =	vadd.f32 v29, v32;
	v26 =	vmul.f32 v42, v26;
	v32 =	vld [tilespmem:s3+$0x6C60]  }
0x126: {  	v1 =	vadd.f32 v1, v4;
	v0 =	vadd.f32 v2, v0;
	v2 =	vmul.f32 v36, v25;
	v4 =	vld [tilespmem:s3+$0x6C70]  }
0x127: {  	v5 =	vadd.f32 v5, v38;
	v26 =	vadd.f32 v26, v29;
	v25 =	vmul.f32 v43, v25;
	v29 =	vld [tilespmem:s3+$0x6CA0]  }
0x128: {  	v1 =	vadd.f32 v34, v1;
	v0 =	vadd.f32 v33, v0;
	v33 =	vmul.f32 v35, v22;
	v34 =	vld [tilespmem:s3+$0x6CB0]  }
0x129: {  	v2 =	vadd.f32 v2, v5;
	v5 =	vadd.f32 v25, v26;
	v22 =	vmul.f32 v37, v22;
	v25 =	vld [tilespmem:s3+$0x6CE0]  }
0x12a: {  	v1 =	vadd.f32 v31, v1;
	v0 =	vadd.f32 v30, v0;
	v26 =	vmul.f32 v32, v19;
	v30 =	vld [tilespmem:s3+$0x6CF0]  }
0x12b: {  	p2 =	slt.u32 s20, $0x4;
	s12 =	smov.u32 s21;
	v2 =	vadd.f32 v33, v2;
	v5 =	vadd.f32 v22, v5;
	v4 =	vmul.f32 v4, v19;
	v19 =	vld [tilespmem:s3+$0x6D20]  }
0x12c: {  	s19 =	sadd.s32 $0x10, s19;
	s12 =	smov.u32 @p2 s11;
	v1 =	vadd.f32 v28, v1;
	v0 =	vadd.f32 v27, v0;
	v22 =	vmul.f32 v29, v15;
	v27 =	vld [tilespmem:s3+$0x6D30]  }
0x12d: {  	s12 =	sadd.s32 s19, s12;
	v2 =	vadd.f32 v26, v2;
	v4 =	vadd.f32 v4, v5;
	v5 =	vmul.f32 v34, v15;
	v15 =	vld [tilespmem:s3+$0x6D60]  }
0x12e: {  	s4 =	sadd.s32 $0x10, s4;
	s12 =	sshll.u32 s12, $0x8;
	v1 =	vadd.f32 v24, v1;
	v0 =	vadd.f32 v23, v0;
	v23 =	vmul.f32 v25, v13;
	v24 =	vld [tilespmem:s3+$0x6D70]  }
0x12f: {  	s3 =	sshra.s32 s12, $0x2;
	v2 =	vadd.f32 v22, v2;
	v28 =	vld [tilespmem:s4+$0x0];
	v4 =	vadd.f32 v5, v4;
	v5 =	vmul.f32 v30, v13  }
0x130: {  	v1 =	vadd.f32 v21, v1;
	v0 =	vadd.f32 v20, v0;
	v30 =	vld [tilespmem:s3+$0x6D40];
	v13 =	vmul.f32 v19, v12  }
0x131: {  	v2 =	vadd.f32 v23, v2;
	v20 =	vld [tilespmem:s3+$0x6D50];
	v4 =	vadd.f32 v5, v4;
	v5 =	vmul.f32 v27, v12  }
0x132: {  	v1 =	vadd.f32 v18, v1;
	v0 =	vadd.f32 v17, v0;
	v21 =	vld [tilespmem:s3+$0x6D00];
	v12 =	vmul.f32 v15, v11  }
0x133: {  	v2 =	vadd.f32 v13, v2;
	v17 =	vld [tilespmem:s3+$0x6D10];
	v4 =	vadd.f32 v5, v4;
	v5 =	vmul.f32 v24, v11  }
0x134: {  	v41 =	vadd.f32 v16, v1;
	v39 =	vadd.f32 v14, v0;
	v23 =	vld [tilespmem:s3+$0x6CC0]  }
0x135: {  	v38 =	vadd.f32 v12, v2;
	v0 =	vld [tilespmem:s3+$0x6CD0];
	v37 =	vadd.f32 v5, v4  }
0x136: {  	v1 =	vld [tilespmem:s3+$0x6C80]  }
0x137: {  	v2 =	vld [tilespmem:s3+$0x6C90]  }
0x138: {  	v4 =	vld [tilespmem:s3+$0x6C40]  }
0x139: {  	v5 =	vld [tilespmem:s3+$0x6C50]  }
0x13a: {  	v31 =	vld [tilespmem:s3+$0x6C00]  }
0x13b: {  	v33 =	vld [tilespmem:s3+$0x6C10]  }
0x13c: {  	v34 =	vld [tilespmem:s3+$0x6BC0]  }
0x13d: {  	v60 =	vld [tilespmem:s3+$0x6BD0]  }
0x13e: {  	v12 =	vbroadcast v28, $0xE;
	v11 =	vbroadcast v28, $0xF;
	v40 =	vld [tilespmem:s3+$0x6B80]  }
0x13f: {  	v15 =	vbroadcast v28, $0xC;
	v13 =	vbroadcast v28, $0xD;
	v42 =	vld [tilespmem:s3+$0x6B90]  }
0x140: {  	v22 =	vbroadcast v28, $0xA;
	v19 =	vbroadcast v28, $0xB;
	v43 =	vld [tilespmem:s3+$0x6B40]  }
0x141: {  	v26 =	vbroadcast v28, $0x8;
	v25 =	vbroadcast v28, $0x9;
	v45 =	vld [tilespmem:s3+$0x6B50]  }
0x142: {  	v32 =	vbroadcast v28, $0x6;
	v29 =	vbroadcast v28, $0x7;
	v47 =	vld [tilespmem:s3+$0x6B00]  }
0x143: {  	v36 =	vbroadcast v28, $0x4;
	v35 =	vbroadcast v28, $0x5;
	v48 =	vld [tilespmem:s3+$0x6B10]  }
0x144: {  	v46 =	vbroadcast v28, $0x2;
	v44 =	vbroadcast v28, $0x3;
	v49 =	vld [tilespmem:s3+$0x6AC0]  }
0x145: {  	v54 =	vbroadcast v28, $0x0;
	v51 =	vbroadcast v28, $0x1;
	v50 =	vld [tilespmem:s3+$0x6AD0]  }
0x146: {  	v16 =	vmul.f32 v30, v11;
	v14 =	vmul.f32 v20, v11;
	v52 =	vld [tilespmem:s3+$0x6A80]  }
0x147: {  	v18 =	vmul.f32 v21, v12;
	v17 =	vmul.f32 v17, v12;
	v53 =	vld [tilespmem:s3+$0x6A90]  }
.Ltmp1:
0x148: {  	v21 =	vmul.f32 v23, v13;
	v20 =	vmul.f32 v0, v13;
	v55 =	vld [tilespmem:s3+$0x6A40];
	(pc) =	sbr.rel @p1 .LBB2_5-.Ltmp1, $4  }
0x149: {  	v24 =	vmul.f32 v1, v15;
	v23 =	vmul.f32 v2, v15;
	v56 =	vld [tilespmem:s3+$0x6A50]  }
0x14a: {  	v28 =	vmul.f32 v4, v19;
	v27 =	vmul.f32 v5, v19;
	v57 =	vld [tilespmem:s3+$0x6A00]  }
0x14b: {  	v31 =	vmul.f32 v31, v22;
	v30 =	vmul.f32 v33, v22;
	v58 =	vld [tilespmem:s3+$0x6A10]  }
0x14c: {  	s20 =	sadd.s32 $0x1, s20;
	v34 =	vmul.f32 v34, v25;
	v33 =	vmul.f32 v60, v25;
	v59 =	vld [tilespmem:s3+$0x69C0]  }
0x14d: {  	v0 =	vld [tilespmem:s3+$0x6980]  }
0x14e: {  	v1 =	vld [tilespmem:s3+$0x6990]  }
0x14f: {  	v2 =	vld [tilespmem:s3+$0x69A0]  }
0x150: {  	v4 =	vld [tilespmem:s3+$0x69B0]  }
0x151: {  	v5 =	vld [tilespmem:s3+$0x69D0]  }
0x152: {  	v60 =	vld [tilespmem:s3+$0x69E0]  }
0x153: {  	v61 =	vld [tilespmem:s3+$0x69F0];
	v55 =	vmul.f32 v55, v44  }
0x154: {  	v62 =	vmul.f32 v59, v51;
	v0 =	vmul.f32 v0, v54  }
0x155: {  	v1 =	vmul.f32 v1, v54;
	v2 =	vmul.f32 v2, v54  }
0x156: {  	v4 =	vmul.f32 v4, v54;
	v54 =	vld [tilespmem:s3+$0x6A20];
	v5 =	vmul.f32 v5, v51  }
0x157: {  	v63 =	vmul.f32 v60, v51;
	v0 =	vadd.f32 v0, v41;
	v1 =	vadd.f32 v1, v39;
	v39 =	vld [tilespmem:s3+$0x6A30]  }
0x158: {  	v60 =	vmul.f32 v61, v51;
	v2 =	vadd.f32 v2, v38;
	v4 =	vadd.f32 v4, v37;
	v37 =	vld [tilespmem:s3+$0x6A60]  }
0x159: {  	v61 =	vld [tilespmem:s3+$0x6A70];
	v0 =	vadd.f32 v62, v0;
	v1 =	vadd.f32 v5, v1;
	v5 =	vmul.f32 v57, v46  }
0x15a: {  	v49 =	vmul.f32 v49, v35;
	v40 =	vmul.f32 v40, v26;
	v2 =	vadd.f32 v63, v2;
	v63 =	vld [tilespmem:s3+$0x6AA0]  }
0x15b: {  	v56 =	vmul.f32 v56, v44;
	v54 =	vmul.f32 v54, v46;
	v0 =	vadd.f32 v5, v0;
	v5 =	vld [tilespmem:s3+$0x6AB0]  }
0x15c: {  	v62 =	vmul.f32 v58, v46;
	v4 =	vadd.f32 v60, v4;
	v39 =	vmul.f32 v39, v46  }
0x15d: {  	v59 =	vmul.f32 v52, v36;
	v58 =	vld [tilespmem:s3+$0x6AE0];
	v2 =	vadd.f32 v54, v2;
	v37 =	vmul.f32 v37, v44  }
0x15e: {  	v57 =	vmul.f32 v61, v44;
	v1 =	vadd.f32 v62, v1;
	v4 =	vadd.f32 v39, v4  }
0x15f: {  	v51 =	vmul.f32 v50, v35;
	v0 =	vadd.f32 v55, v0;
	v2 =	vadd.f32 v37, v2  }
0x160: {  	v60 =	vld [tilespmem:s3+$0x6AF0];
	v38 =	vmul.f32 v63, v36;
	v4 =	vadd.f32 v57, v4;
	v5 =	vmul.f32 v5, v36  }
0x161: {  	v61 =	vmul.f32 v53, v36;
	v62 =	vld [tilespmem:s3+$0x6B20];
	v1 =	vadd.f32 v56, v1;
	v0 =	vadd.f32 v59, v0  }
0x162: {  	v63 =	vld [tilespmem:s3+$0x6B30];
	v2 =	vadd.f32 v38, v2;
	v4 =	vadd.f32 v5, v4;
	v5 =	vmul.f32 v58, v35  }
0x163: {  	v41 =	vmul.f32 v42, v26;
	v53 =	vld [tilespmem:s3+$0x6B60];
	v54 =	vmul.f32 v47, v32;
	v1 =	vadd.f32 v61, v1  }
0x164: {  	v55 =	vmul.f32 v48, v32;
	v0 =	vadd.f32 v49, v0;
	v2 =	vadd.f32 v5, v2;
	v5 =	vld [tilespmem:s3+$0x6B70]  }
0x165: {  	v52 =	vmul.f32 v60, v35;
	v59 =	vmul.f32 v43, v29;
	v58 =	vld [tilespmem:s3+$0x6BA0]  }
0x166: {  	v60 =	vld [tilespmem:s3+$0x6BB0];
	v61 =	vmul.f32 v45, v29;
	v1 =	vadd.f32 v51, v1;
	v0 =	vadd.f32 v54, v0  }
0x167: {  	v56 =	vmul.f32 v62, v32;
	v62 =	vld [tilespmem:s3+$0x6BE0];
	v57 =	vmul.f32 v63, v32;
	v4 =	vadd.f32 v52, v4  }
0x168: {  	v37 =	vmul.f32 v53, v29;
	v1 =	vadd.f32 v55, v1;
	v63 =	vld [tilespmem:s3+$0x6BF0];
	v0 =	vadd.f32 v59, v0  }
0x169: {  	v42 =	vld [tilespmem:s3+$0x6C20];
	v2 =	vadd.f32 v56, v2;
	v4 =	vadd.f32 v57, v4;
	v5 =	vmul.f32 v5, v29  }
0x16a: {  	v43 =	vld [tilespmem:s3+$0x6C30];
	v1 =	vadd.f32 v61, v1;
	v36 =	vmul.f32 v58, v26;
	v0 =	vadd.f32 v40, v0  }
0x16b: {  	v2 =	vadd.f32 v37, v2;
	v4 =	vadd.f32 v5, v4;
	v5 =	vmul.f32 v60, v26  }
0x16c: {  	v44 =	vld [tilespmem:s3+$0x6C60];
	v45 =	vmul.f32 v62, v25;
	v1 =	vadd.f32 v41, v1;
	v0 =	vadd.f32 v34, v0  }
0x16d: {  	v2 =	vadd.f32 v36, v2;
	v4 =	vadd.f32 v5, v4;
	v5 =	vmul.f32 v63, v25  }
0x16e: {  	v46 =	vld [tilespmem:s3+$0x6C70];
	v48 =	vmul.f32 v42, v22;
	v1 =	vadd.f32 v33, v1;
	v0 =	vadd.f32 v31, v0  }
0x16f: {  	v47 =	vld [tilespmem:s3+$0x6CA0];
	v2 =	vadd.f32 v45, v2;
	v4 =	vadd.f32 v5, v4;
	v5 =	vmul.f32 v43, v22  }
0x170: {  	v49 =	vld [tilespmem:s3+$0x6CB0];
	v1 =	vadd.f32 v30, v1;
	v0 =	vadd.f32 v28, v0  }
0x171: {  	v50 =	vld [tilespmem:s3+$0x6CE0];
	v2 =	vadd.f32 v48, v2;
	v4 =	vadd.f32 v5, v4;
	v5 =	vmul.f32 v44, v19  }
0x172: {  	v52 =	vld [tilespmem:s3+$0x6CF0];
	v0 =	vadd.f32 v24, v0  }
0x173: {  	v51 =	vmul.f32 v46, v19;
	v1 =	vadd.f32 v27, v1;
	v2 =	vadd.f32 v5, v2;
	v5 =	vld [tilespmem:s3+$0x6D20]  }
0x174: {  	v53 =	vmul.f32 v47, v15;
	v54 =	vld [tilespmem:s3+$0x6D30];
	v0 =	vadd.f32 v21, v0  }
0x175: {  	v55 =	vmul.f32 v49, v15;
	v56 =	vld [tilespmem:s3+$0x6D60];
	v1 =	vadd.f32 v23, v1;
	v4 =	vadd.f32 v51, v4  }
0x176: {  	v59 =	vld [tilespmem:s3+$0x6D70];
	v57 =	vmul.f32 v50, v13;
	v0 =	vadd.f32 v18, v0;
	v2 =	vadd.f32 v53, v2  }
0x177: {  	v58 =	vmul.f32 v52, v13;
	v1 =	vadd.f32 v20, v1;
	v4 =	vadd.f32 v55, v4  }
0x178: {  	[tilespmem:$0xB180] =	vst v10;
	v60 =	vadd.f32 v16, v0;
	v2 =	vadd.f32 v57, v2;
	v0 =	vmul.f32 v5, v12  }
0x179: {  	v1 =	vadd.f32 v17, v1;
	[tilespmem:$0xB190] =	vst v7;
	v4 =	vadd.f32 v58, v4;
	v5 =	vmul.f32 v54, v12  }
0x17a: {  	[tilespmem:$0xB1A0] =	vst v8;
	v0 =	vadd.f32 v0, v2;
	v2 =	vmul.f32 v56, v11  }
0x17b: {  	[tilespmem:$0xB1B0] =	vst v9;
	v61 =	vadd.f32 v14, v1;
	v1 =	vadd.f32 v5, v4;
	v4 =	vmul.f32 v59, v11  }
0x17c: {  	s12 =	sshll.u32 s7, $0xB;
	[tilespmem:$0xB1C0] =	vst v60;
	v62 =	vadd.f32 v2, v0  }
0x17d: {  	s3 =	sand.u32 $0x800, s12;
	[tilespmem:$0xB1D0] =	vst v61;
	v63 =	vadd.f32 v4, v1  }
0x17e: {  	s3 =	sadd.s32 s3, s5;
	[tilespmem:$0xB1E0] =	vst v62  }
0x17f: {  	s2 =	sshll.u32 s2, $0x4;
	s4 =	sadd.s32 s25, s3;
	[tilespmem:$0xB1F0] =	vst v63  }
0x180: {  	[spmem:s4] =	stream.linear.scatter [tilespmem:s26], [sflag:$0x1], $0x80, $0x38;
	[tilespmem:$0xB380] =	vst v63  }
0x181: {  	v0 =	vld [tilespmem:s2+$0x880];
	_ =	sdelay $0x2  }
0x182: {  	p1 =	slt.s32 s0, s31;
	s2 =	simm.f32 $1.000000000e+00  }
0x183: {  	s2 =	simm.s32 @!p1 $0x0  }
0x184: {  	v0 =	vmul.f32 s2, v0;
	_ =	sdelay $0x1  }
0x185: {  	(v2sf) =	vpush v0, $0x0;
	_ =	sdelay $0x1  }
0x186: {  	(v2sf) =	vpush v0, $0x1;
	_ =	sdelay $0x1  }
0x187: {  	(v2sf) =	vpush v0, $0x2;
	_ =	sdelay $0x1  }
0x188: {  	(v2sf) =	vpush v0, $0x3;
	_ =	sdelay $0x2  }
0x189: {  	(v2sf) =	vpush v0, $0x4;
	_ =	sdelay $0x2  }
0x18a: {  	(v2sf) =	vpush v0, $0x5;
	_ =	sdelay $0x1  }
0x18b: {  	v2 =	vld [tilespmem:$0x1FFF0];
	(v2sf) =	vpush v0, $0x6  }
0x18c: {  	s19 =	spop (v2sf)  }
0x18d: {  	(v2sf) =	vpush v0, $0x7;
	s20 =	sadd.f32 $0.0e+00, s19  }
0x18e: {  	s2 =	smul.f32 $0.0e+00, s19;
	s12 =	spop (v2sf)  }
0x18f: {  	(v2sf) =	vpush v0, $0x8;
	v1 =	vmov s20;
	s4 =	sadd.f32 s20, s12  }
0x190: {  	s19 =	spop (v2sf);
	v2 =	vmul.f32 s2, v2;
	vm0 =	veq.f32 v1, v6;
	v1 =	vbroadcast v0, $0x1  }
0x191: {  	(v2sf) =	vpush v0, $0x9;
	v4 =	vsel vm0, $0x3F800000, v3;
	v5 =	vmov s4;
	s4 =	sadd.f32 s4, s19  }
0x192: {  	s2 =	sadd.f32 s19, s19;
	s20 =	spop (v2sf);
	v2 =	vadd.f32 $0.0e+00, v2;
	v1 =	vmul.f32 v4, v1;
	vm14 =	veq.f32 v5, v6  }
0x193: {  	(v2sf) =	vpush v0, $0xA;
	v4 =	vsel vm14, $0x3F800000, v3;
	v5 =	vmov s4;
	s4 =	sadd.f32 s4, s20  }
0x194: {  	s12 =	smul.f32 $3.000000000e+00, s20;
	v1 =	vadd.f32 v1, v2;
	v2 =	vmul.f32 s2, v4;
	vm15 =	veq.f32 v5, v6  }
0x195: {  	s19 =	spop (v2sf);
	(v2sf) =	vpush v0, $0xB;
	v4 =	vsel vm15, $0x3F800000, v3;
	v5 =	vmov s4  }
0x196: {  	s20 =	smul.f32 $4.000000000e+00, s19;
	s4 =	sadd.f32 s4, s19;
	v1 =	vadd.f32 v2, v1;
	v2 =	vmul.f32 s12, v4;
	vm4 =	veq.f32 v5, v6  }
0x197: {  	(v2sf) =	vpush v0, $0xC;
	v4 =	vsel vm4, $0x3F800000, v3  }
0x198: {  	s19 =	spop (v2sf);
	v1 =	vadd.f32 v2, v1;
	v2 =	vmul.f32 s20, v4;
	v4 =	vmov s4  }
0x199: {  	(v2sf) =	vpush v0, $0xD;
	s2 =	sadd.f32 s4, s19;
	s20 =	smul.f32 $5.000000000e+00, s19;
	vm5 =	veq.f32 v4, v6  }
0x19a: {  	s19 =	spop (v2sf);
	v1 =	vadd.f32 v2, v1;
	v2 =	vsel vm5, $0x3F800000, v3  }
0x19b: {  	(v2sf) =	vpush v0, $0xE;
	v4 =	vmov s2;
	s2 =	sadd.f32 s2, s19;
	v2 =	vmul.f32 s20, v2  }
0x19c: {  	s4 =	smul.f32 $6.000000000e+00, s19;
	vm6 =	veq.f32 v4, v6;
	s20 =	spop (v2sf)  }
0x19d: {  	v4 =	vmov s2;
	s2 =	sadd.f32 s2, s20;
	v1 =	vadd.f32 v2, v1;
	v2 =	vsel vm6, $0x3F800000, v3  }
0x19e: {  	(v2sf) =	vpush v0, $0xF;
	vm7 =	veq.f32 v4, v6;
	s19 =	smul.f32 $7.000000000e+00, s20;
	s20 =	spop (v2sf);
	v2 =	vmul.f32 s4, v2  }
0x19f: {  	v0 =	vsel vm7, $0x3F800000, v3;
	v4 =	vmov s2;
	s2 =	sadd.f32 s2, s20  }
0x1a0: {  	s12 =	smul.f32 $8.000000000e+00, s20;
	v0 =	vmul.f32 s19, v0;
	s19 =	spop (v2sf);
	vm8 =	veq.f32 v4, v6;
	v1 =	vadd.f32 v2, v1  }
0x1a1: {  	v2 =	vsel vm8, $0x3F800000, v3;
	v4 =	vmov s2;
	s2 =	sadd.f32 s2, s19  }
0x1a2: {  	s20 =	spop (v2sf);
	s4 =	smul.f32 $9.000000000e+00, s19;
	v2 =	vmul.f32 s12, v2;
	vm9 =	veq.f32 v4, v6;
	v0 =	vadd.f32 v0, v1  }
0x1a3: {  	v1 =	vsel vm9, $0x3F800000, v3;
	v4 =	vmov s2;
	s2 =	sadd.f32 s2, s20  }
0x1a4: {  	s19 =	spop (v2sf);
	s12 =	smul.f32 $1.000000000e+01, s20;
	v1 =	vmul.f32 s4, v1;
	vm10 =	veq.f32 v4, v6;
	v0 =	vadd.f32 v2, v0  }
0x1a5: {  	v2 =	vsel vm10, $0x3F800000, v3;
	v4 =	vmov s2;
	s2 =	sadd.f32 s2, s19  }
0x1a6: {  	s20 =	spop (v2sf);
	s4 =	smul.f32 $1.100000000e+01, s19;
	v2 =	vmul.f32 s12, v2;
	vm11 =	veq.f32 v4, v6;
	v0 =	vadd.f32 v1, v0  }
0x1a7: {  	v1 =	vsel vm11, $0x3F800000, v3;
	v4 =	vmov s2;
	s2 =	sadd.f32 s2, s20  }
0x1a8: {  	s19 =	spop (v2sf);
	s12 =	smul.f32 $1.200000000e+01, s20;
	v1 =	vmul.f32 s4, v1;
	vm12 =	veq.f32 v4, v6;
	v0 =	vadd.f32 v2, v0  }
0x1a9: {  	v2 =	vsel vm12, $0x3F800000, v3;
	v4 =	vmov s2;
	s2 =	sadd.f32 s2, s19  }
0x1aa: {  	s20 =	spop (v2sf);
	s4 =	smul.f32 $1.300000000e+01, s19;
	v2 =	vmul.f32 s12, v2;
	vm13 =	veq.f32 v4, v6;
	v0 =	vadd.f32 v1, v0  }
0x1ab: {  	v1 =	vsel vm13, $0x3F800000, v3;
	v4 =	vmov s2;
	s2 =	sadd.f32 s2, s20  }
0x1ac: {  	s19 =	smul.f32 $1.400000000e+01, s20;
	v1 =	vmul.f32 s4, v1;
	vm14 =	veq.f32 v4, v6;
	v0 =	vadd.f32 v2, v0  }
0x1ad: {  	s12 =	spop (v2sf);
	v2 =	vsel vm14, $0x3F800000, v3;
	v4 =	vmov s2  }
0x1ae: {  	s20 =	smul.f32 $1.500000000e+01, s12;
	vm15 =	veq.f32 v4, v6;
	v0 =	vadd.f32 v1, v0;
	v1 =	vmul.f32 s19, v2  }
0x1af: {  	v2 =	vsel vm15, $0x3F800000, v3  }
0x1b0: {  	v0 =	vadd.f32 v1, v0;
	v1 =	vmul.f32 s20, v2;
	_ =	sdelay $0x1  }
0x1b1: {  	v0 =	vadd.f32 v1, v0;
	_ =	sdelay $0x1  }
0x1b2: {  	v0 =	vtrunc.f32 v0  }
0x1b3: {  	p2 =	slt.s32 s31, $0x50;
	s4 =	smov.u32 s31;
	v0 =	vcvt.f32.s32 v0  }
0x1b4: {  	s4 =	simm.s32 @!p2 $0x50  }
0x1b5: {  	[tilespmem:s4+$0x9A80] =	vst v0;
	v0 =	vmov s7  }
0x1b6: {  	[tilespmem:s4+$0x9B00] =	vst v0  }
0x1b7: {  	_ =	swait.ge [sflag:s28], $0x80  }
0x1b8: {  	[sflag:s28] =	ssyncset.done $0x0  }
0x1b9: {  	s3 =	sadd.s32 s13, s3;
	[sflag:s28] =	ssyncadd.s32 $0xFFFFFF80  }
0x1ba: {  	s3 =	sadd.s32 $0x80, s3;
	[bflag:$0x0] =	sbarrier.arrive $0xFFFF  }
0x1bb: {  	[tilespmem:s29], [sflag:$0x2] =	stream.linear.gather [spmem:s3], $0x80, $0x38;
	[tilespmem:$0xB380] =	vst v63  }
0x1bc: {  	_ =	swait.ge [sflag:s18], $0x80  }
0x1bd: {  	s1 =	simm.s32 @!p1 $0x800;
	[sflag:s18] =	ssyncset.done $0x0  }
0x1be: {  	s19 =	sor.u32 s1, s11;
	[sflag:s18] =	ssyncadd.s32 $0xFFFFFF80  }
0x1bf: {  	[tilespmem:s19+$0x0] =	vst v10  }
0x1c0: {  	v0 =	vld [tilespmem:$0xB200];
	_ =	sdelay $0x3  }
0x1c1: {  	s1 =	ssub.s32 s1, s11  }
0x1c2: {  	[tilespmem:s1+$0x40] =	vst v0  }
0x1c3: {  	[tilespmem:s19+$0x10] =	vst v7  }
0x1c4: {  	v0 =	vld [tilespmem:$0xB210];
	_ =	sdelay $0x4  }
0x1c5: {  	[tilespmem:s1+$0x50] =	vst v0  }
0x1c6: {  	[tilespmem:s19+$0x20] =	vst v8  }
0x1c7: {  	v0 =	vld [tilespmem:$0xB220];
	_ =	sdelay $0x4  }
0x1c8: {  	[tilespmem:s1+$0x60] =	vst v0  }
0x1c9: {  	[tilespmem:s19+$0x30] =	vst v9  }
0x1ca: {  	v0 =	vld [tilespmem:$0xB230];
	_ =	sdelay $0x4  }
0x1cb: {  	[tilespmem:s1+$0x70] =	vst v0  }
0x1cc: {  	v0 =	vld [tilespmem:$0xB240];
	_ =	sdelay $0x4  }
0x1cd: {  	s20 =	sshll.u32 s7, $0x6;
	v0 =	vadd.f32 v0, v60  }
0x1ce: {  	s1 =	sand.u32 $0x3FFFFFC0, s20  }
0x1cf: {  	[tilespmem:s1+$0x9B80] =	vst v0  }
0x1d0: {  	v0 =	vld [tilespmem:$0xB250];
	_ =	sdelay $0x4  }
0x1d1: {  	v0 =	vadd.f32 v0, v61;
	_ =	sdelay $0x1  }
0x1d2: {  	[tilespmem:s1+$0x9B90] =	vst v0  }
0x1d3: {  	v0 =	vld [tilespmem:$0xB260];
	_ =	sdelay $0x4  }
0x1d4: {  	v0 =	vadd.f32 v0, v62;
	_ =	sdelay $0x1  }
0x1d5: {  	[tilespmem:s1+$0x9BA0] =	vst v0  }
0x1d6: {  	v0 =	vld [tilespmem:$0xB270]  }
0x1d7: {  	s7 =	sadd.s32 $0x1, s7;
	s3 =	simm.s32 $0x1  }
0x1d8: {  	s3 =	simm.s32 @!p1 $0x0;
	p1 =	sne.s32 s7, $0x50  }
.Ltmp2:
0x1d9: {  	s2 =	sadd.f32 s2, s12;
	(pc) =	sbr.rel @p1 .LBB2_2-.Ltmp2, $3  }
0x1da: {  	_ = 	snop  }
0x1db: {  	s2 =	scvt.f32.s32 s2;
	v0 =	vadd.f32 v0, v63;
	_ =	sdelay $0x1  }
0x1dc: {  	s31 =	sadd.s32 s2, s31;
	s0 =	sadd.s32 s3, s0;
	[tilespmem:s1+$0x9BB0] =	vst v0  }
0x1dd: {  	s0 =	simm.s32 @!p0 $0x0;
	s30 =	sadd.s32 $0x1, s30  }
0x1de: {  	[hbm4b:s14+s0] =	stream.linear.scatter @!p0 [tilespmem:s15], [sflag:$0x2], $0x80, $0x38;
	[tilespmem:$0xB380] =	vst v63  }
0x1df: {  	p1 =	sne.s32 s30, s16  }
.Ltmp3:
0x1e0: {  	_ = 	snop;
	(pc) =	sbr.rel @p1 .LBB2_1-.Ltmp3, $4  }
0x1e1: {  	s0 =	simm.s32 @!p0 $0x2  }
0x1e2: {  	_ =	swait.ge @!p0 [sflag:s0], $0x80  }
0x1e3: {  	[sflag:s0] =	ssyncset.done @!p0 $0x0  }
0x1e4: {  	[sflag:s0] =	ssyncadd.s32 @!p0 $0xFFFFFF80  }
0x1e5: {  	_ =	sfence.sel $0x180000  }
0x1e6: {  	[bflag:$0x0] =	sbarrier.arrive $0xFFFF  }
0x1e7: {  	_ =	strace $0x90000047  }
0x1e8: {  	s0 =	stileid.u32;
	[bflag:$0x2] =	sbarrier.arrive $0xFFFF  }
0x1e9: {  	p0 =	sne.s32 s0, $0x0;
	s0 =	rddreg [dreg:$0x6]  }
0x1ea: {  	s0 =	sadd.s32 @!p0 $0x100000, s0  }
0x1eb: {  	[sflag:s0] =	ssyncadd.tile.s32 @!p0 $0x1;
	_ =	shalt  }
.Lfunc_end2:
_tile_overlayer_lowered:
.L_overlay_start_2:
0x1ec: {  	(tag) =	ssettag $0x2  }
0x1ed: {  	s0 =	rddreg [dreg:$0x0];
	s2 =	stileid.u32  }
0x1ee: {  	s1 =	rddreg [dreg:$0x1];
	p0 =	sne.s32 s2, $0x0  }
0x1ef: {  	s3 =	rddreg [dreg:$0x2];
	[bflag:$0x3] =	sbarrier.arrive $0xFFFF;
	s2 =	simm.s32 @!p0 $0x1C02  }
0x1f0: {  	[timem:s3], [sflag:s2] =	dma.local @!p0 [hbm:s0], s1  }
0x1f1: {  	s0 =	simm.s32 @!p0 $0x2  }
0x1f2: {  	_ =	swait.ge @!p0 [sflag:s0], s1  }
0x1f3: {  	s1 =	ssub.s32 @!p0 $0x0, s1;
	[sflag:s0] =	ssyncset.done @!p0 $0x0  }
0x1f4: {  	[sflag:s0] =	ssyncadd.s32 @!p0 s1  }
0x1f5: {  	[bflag:$0x3] =	sbarrier.arrive $0xFFFF  }
0x1f6: {  	_ =	shalt  }

</sc_bundles>
